<compile_context>
chip_gen: v7x
topology: tpu7x:2x2x1
jax: 0.10.2.dev20260603
libtpu: 0.0.44.dev20260713+nightly
codegen_flags: <defaults>
</compile_context>

<pallas_src>
import jax
import jax.numpy as jnp
from jax import lax
from jax.experimental import pallas as pl
from jax.experimental.pallas import tpu as pltpu
from jax.experimental.pallas import tpu_sc as plsc

BUFFER_SIZE = 10000
N_CLASSES = 100
BATCH = 4096
TAIL = BUFFER_SIZE - BATCH
ROW = 3 * 32 * 32

R1 = BATCH * ROW
TOT = BUFFER_SIZE * ROW
R2 = TOT - R1

NTILES = 32
S1 = R1 // NTILES
S2 = R2 // NTILES

CHUNK = 49_152


def _body(x_h, y_h, t_h, bx_h, by_h, bt_h, obx_h, oby_h, obt_h,
          spbuf, tfill, tailb, tvec, sem0, sem1):
    cid = lax.axis_index("c")
    sid = lax.axis_index("s")
    wid = sid * 2 + cid

    sems = (sem0, sem1)

    def copy_span(src_h, off0, sizes):
        n = len(sizes)
        offs = [off0]
        for s in sizes[:-1]:
            offs.append(offs[-1] + s)
        in_d = [None] * n
        out_d = [None] * n
        for i in range(n):
            b = i % 2
            if i >= 2:
                out_d[i - 2].wait()
            in_d[i] = pltpu.async_copy(
                src_h.at[pl.ds(offs[i], sizes[i])],
                spbuf.at[sid, b, pl.ds(0, sizes[i])], sems[b])
            in_d[i].wait()
            out_d[i] = pltpu.async_copy(
                spbuf.at[sid, b, pl.ds(0, sizes[i])],
                obx_h.at[pl.ds(offs[i], sizes[i])], sems[b])
        for i in range(max(0, n - 2), n):
            out_d[i].wait()

    copy_span(x_h, wid * S1, [CHUNK] * (S1 // CHUNK))
    n2, rem = divmod(S2, CHUNK)
    copy_span(bx_h, R1 + wid * S2, [CHUNK] * n2 + ([rem] if rem else []))

    @pl.when(wid == 30)
    def _():
        d0 = pltpu.async_copy(y_h, tfill, sem0)
        d1 = pltpu.async_copy(by_h.at[pl.ds(BATCH, TAIL)], tailb, sem1)
        d0.wait()
        pltpu.async_copy(tfill, oby_h.at[pl.ds(0, BATCH)], sem0).wait()
        d1.wait()
        pltpu.async_copy(tailb, oby_h.at[pl.ds(BATCH, TAIL)], sem1).wait()

    @pl.when(wid == 31)
    def _():
        pltpu.sync_copy(t_h, tvec)
        d1 = pltpu.async_copy(bt_h.at[pl.ds(BATCH, TAIL)], tailb, sem1)
        tv = tvec[...]
        for i in range(BATCH // 16):
            tfill[pl.ds(i * 16, 16)] = tv
        pltpu.async_copy(tfill, obt_h.at[pl.ds(0, BATCH)], sem0).wait()
        d1.wait()
        pltpu.async_copy(tailb, obt_h.at[pl.ds(BATCH, TAIL)], sem1).wait()


@jax.jit
def _er_update(x, y, t16, bx, by, bt):
    xf = x.reshape(R1)
    bxf = bx.reshape(TOT)
    mesh = plsc.VectorSubcoreMesh(core_axis_name="c", subcore_axis_name="s")
    obx, oby, obt = pl.kernel(
        _body,
        out_type=(
            jax.ShapeDtypeStruct((TOT,), jnp.float32),
            jax.ShapeDtypeStruct((BUFFER_SIZE,), jnp.int32),
            jax.ShapeDtypeStruct((BUFFER_SIZE,), jnp.int32),
        ),
        mesh=mesh,
        scratch_types=[
            pltpu.VMEM_SHARED((16, 2, CHUNK), jnp.float32),
            pltpu.VMEM((BATCH,), jnp.int32),
            pltpu.VMEM((TAIL,), jnp.int32),
            pltpu.VMEM((16,), jnp.int32),
            pltpu.SemaphoreType.DMA,
            pltpu.SemaphoreType.DMA,
        ],
    )(xf, y, t16, bxf, by, bt)
    return obx.reshape(bx.shape), oby, obt


def kernel(x, y, task_id, bx, by, bt):
    t16 = jnp.full((16,), task_id, dtype=jnp.int32)
    return _er_update(x, y, t16, bx, by, bt)

# --- scband reference (transcript-rebuilt; emitter-appended) ---
"""Pipeline reference for scband-er-54030688584025 (READ-ONLY COPY).

The authoritative reference and input builder live on the scoring server;
editing this copy changes nothing except your own understanding.
"""

import jax, jax.numpy as jnp
import numpy as np

BUFFER_SIZE = 10000  # mem_size(100) * n_classes(100) for cifar
N_CLASSES = 100
BATCH = 4096

def setup_inputs(seed: int = 0) -> dict:
    key = jax.random.key(seed)
    k1, k2 = jax.random.split(key)
    x = jax.random.normal(k1, (BATCH, 3, 32, 32), dtype=jnp.float32)
    y = jax.random.randint(k2, (BATCH,), 0, N_CLASSES, dtype=jnp.int32)
    # module buffers (state registered in __init__, zero-initialized)
    bx = jnp.zeros((BUFFER_SIZE, 3, 32, 32), dtype=jnp.float32)
    by = jnp.zeros((BUFFER_SIZE,), dtype=jnp.int32)
    bt = jnp.zeros((BUFFER_SIZE,), dtype=jnp.int32)
    return {"x": x, "y": y, "task_id": 3, "bx": bx, "by": by, "bt": bt}

def reference(x, y, task_id, bx, by, bt):
    # Faithful translation of ER.add_reservoir with initial state
    # current_index=0, n_seen_so_far=0 (fresh module).
    # place_left = BUFFER_SIZE - 0 >= x.shape[0], so the entire batch is
    # written into the first B buffer slots (scatter-overwrite), and the
    # function returns early (reservoir-replacement branch not taken).
    B = x.shape[0]
    idx = jnp.arange(B, dtype=jnp.int32)
    bx_new = bx.at[idx].set(x)
    by_new = by.at[idx].set(y)
    bt_new = bt.at[idx].set(jnp.full((B,), task_id, dtype=bt.dtype))
    return (bx_new, by_new, bt_new)

if __name__ == "__main__":
    import jax
    _d = setup_inputs()
    print(jax.jit(kernel)(*tuple(_d.values())))

</pallas_src>

<mosaic_0001>
#map = affine_map<(d0, d1) -> (0)>
module attributes {stable_mosaic.version = 14 : i64} {
  func.func @_body(%arg0: i32, %arg1: i32, %arg2: memref<12582912xf32, #tpu.memory_space<hbm>>, %arg3: memref<4096xi32, #tpu.memory_space<hbm>>, %arg4: memref<16xi32, #tpu.memory_space<hbm>>, %arg5: memref<30720000xf32, #tpu.memory_space<hbm>>, %arg6: memref<10000xi32, #tpu.memory_space<hbm>>, %arg7: memref<10000xi32, #tpu.memory_space<hbm>>, %arg8: memref<30720000xf32, #tpu.memory_space<hbm>>, %arg9: memref<10000xi32, #tpu.memory_space<hbm>>, %arg10: memref<10000xi32, #tpu.memory_space<hbm>>, %arg11: memref<16x2x49152xf32, #tpu.memory_space<vmem_shared>>, %arg12: memref<4096xi32, #tpu.memory_space<vmem>>, %arg13: memref<5904xi32, #tpu.memory_space<vmem>>, %arg14: memref<16xi32, #tpu.memory_space<vmem>>, %arg15: memref<!tpu.dma_semaphore, #tpu.memory_space<semaphore_mem>>, %arg16: memref<!tpu.dma_semaphore, #tpu.memory_space<semaphore_mem>>) attributes {dimension_semantics = [#tpu.dimension_semantics<core_parallel>, #tpu.dimension_semantics<subcore_parallel>], iteration_bounds = array<i64: 2, 16>, scalar_prefetch = 0 : i64, scratch_operands = 6 : i64, tpu.core_type = #tpu.core_type<sc_vector_subcore>, window_params = [{transform_indices = #map}, {transform_indices = #map}, {transform_indices = #map}, {transform_indices = #map}, {transform_indices = #map}, {transform_indices = #map}, {transform_indices = #map}, {transform_indices = #map}, {transform_indices = #map}]} {
    %mul3A = arith.constant 2 : i32
    %mul3A_0 = arith.muli %arg1, %mul3A : i32
    %add3A = arith.addi %mul3A_0, %arg0 : i32
    %mul3A_1 = arith.constant 393216 : i32
    %mul3A_2 = arith.muli %add3A, %mul3A_1 : i32
    %add3A_3 = arith.constant 49152 : i32
    %add3A_4 = arith.addi %mul3A_2, %add3A_3 : i32
    %add3A_5 = arith.constant 49152 : i32
    %add3A_6 = arith.addi %add3A_4, %add3A_5 : i32
    %add3A_7 = arith.constant 49152 : i32
    %add3A_8 = arith.addi %add3A_6, %add3A_7 : i32
    %add3A_9 = arith.constant 49152 : i32
    %add3A_10 = arith.addi %add3A_8, %add3A_9 : i32
    %add3A_11 = arith.constant 49152 : i32
    %add3A_12 = arith.addi %add3A_10, %add3A_11 : i32
    %add3A_13 = arith.constant 49152 : i32
    %add3A_14 = arith.addi %add3A_12, %add3A_13 : i32
    %add3A_15 = arith.constant 49152 : i32
    %add3A_16 = arith.addi %add3A_14, %add3A_15 : i32
    %dma_start3A = arith.constant 0 : i32
    %dma_start3A_17 = arith.constant 0 : i32
    %dma_start3A_18 = tpu.memref_slice %arg11[%arg1, %dma_start3A, %dma_start3A_17] : memref<16x2x49152xf32, #tpu.memory_space<vmem_shared>> -> memref<1x1x49152xf32, #tpu.memory_space<vmem_shared>>
    %dma_start3A_19 = tpu.memref_squeeze %dma_start3A_18 : memref<1x1x49152xf32, #tpu.memory_space<vmem_shared>> -> memref<49152xf32, #tpu.memory_space<vmem_shared>>
    %dma_start3A_20 = tpu.memref_slice %arg2[%mul3A_2] : memref<12582912xf32, #tpu.memory_space<hbm>> -> memref<49152xf32, #tpu.memory_space<hbm>>
    tpu.enqueue_dma source(%dma_start3A_20 : memref<49152xf32, #tpu.memory_space<hbm>>) target(%dma_start3A_19 : memref<49152xf32, #tpu.memory_space<vmem_shared>>) target_semaphore(%arg15 : memref<!tpu.dma_semaphore, #tpu.memory_space<semaphore_mem>>)
    %dma_wait3A = arith.constant 0 : i32
    %dma_wait3A_21 = arith.constant 0 : i32
    %dma_wait3A_22 = tpu.memref_slice %arg11[%arg1, %dma_wait3A, %dma_wait3A_21] : memref<16x2x49152xf32, #tpu.memory_space<vmem_shared>> -> memref<1x1x49152xf32, #tpu.memory_space<vmem_shared>>
    %dma_wait3A_23 = tpu.memref_squeeze %dma_wait3A_22 : memref<1x1x49152xf32, #tpu.memory_space<vmem_shared>> -> memref<49152xf32, #tpu.memory_space<vmem_shared>>
    %dma_wait3A_24 = tpu.memref_slice %arg2[%mul3A_2] : memref<12582912xf32, #tpu.memory_space<hbm>> -> memref<49152xf32, #tpu.memory_space<hbm>>
    tpu.wait_dma2 semaphore(%arg15 : memref<!tpu.dma_semaphore, #tpu.memory_space<semaphore_mem>>) src(%dma_wait3A_24 : memref<49152xf32, #tpu.memory_space<hbm>>) dst(%dma_wait3A_23 : memref<49152xf32, #tpu.memory_space<vmem_shared>>)
    %dma_start3A_25 = arith.constant 0 : i32
    %dma_start3A_26 = tpu.memref_slice %arg8[%mul3A_2] : memref<30720000xf32, #tpu.memory_space<hbm>> -> memref<49152xf32, #tpu.memory_space<hbm>>
    %dma_start3A_27 = arith.constant 0 : i32
    %dma_start3A_28 = tpu.memref_slice %arg11[%arg1, %dma_start3A_25, %dma_start3A_27] : memref<16x2x49152xf32, #tpu.memory_space<vmem_shared>> -> memref<1x1x49152xf32, #tpu.memory_space<vmem_shared>>
    %dma_start3A_29 = tpu.memref_squeeze %dma_start3A_28 : memref<1x1x49152xf32, #tpu.memory_space<vmem_shared>> -> memref<49152xf32, #tpu.memory_space<vmem_shared>>
    tpu.enqueue_dma source(%dma_start3A_29 : memref<49152xf32, #tpu.memory_space<vmem_shared>>) target(%dma_start3A_26 : memref<49152xf32, #tpu.memory_space<hbm>>) target_semaphore(%arg15 : memref<!tpu.dma_semaphore, #tpu.memory_space<semaphore_mem>>)
    %dma_start3A_30 = arith.constant 1 : i32
    %dma_start3A_31 = arith.constant 0 : i32
    %dma_start3A_32 = tpu.memref_slice %arg11[%arg1, %dma_start3A_30, %dma_start3A_31] : memref<16x2x49152xf32, #tpu.memory_space<vmem_shared>> -> memref<1x1x49152xf32, #tpu.memory_space<vmem_shared>>
    %dma_start3A_33 = tpu.memref_squeeze %dma_start3A_32 : memref<1x1x49152xf32, #tpu.memory_space<vmem_shared>> -> memref<49152xf32, #tpu.memory_space<vmem_shared>>
    %dma_start3A_34 = tpu.memref_slice %arg2[%add3A_4] : memref<12582912xf32, #tpu.memory_space<hbm>> -> memref<49152xf32, #tpu.memory_space<hbm>>
    tpu.enqueue_dma source(%dma_start3A_34 : memref<49152xf32, #tpu.memory_space<hbm>>) target(%dma_start3A_33 : memref<49152xf32, #tpu.memory_space<vmem_shared>>) target_semaphore(%arg16 : memref<!tpu.dma_semaphore, #tpu.memory_space<semaphore_mem>>)
    %dma_wait3A_35 = arith.constant 1 : i32
    %dma_wait3A_36 = arith.constant 0 : i32
    %dma_wait3A_37 = tpu.memref_slice %arg11[%arg1, %dma_wait3A_35, %dma_wait3A_36] : memref<16x2x49152xf32, #tpu.memory_space<vmem_shared>> -> memref<1x1x49152xf32, #tpu.memory_space<vmem_shared>>
    %dma_wait3A_38 = tpu.memref_squeeze %dma_wait3A_37 : memref<1x1x49152xf32, #tpu.memory_space<vmem_shared>> -> memref<49152xf32, #tpu.memory_space<vmem_shared>>
    %dma_wait3A_39 = tpu.memref_slice %arg2[%add3A_4] : memref<12582912xf32, #tpu.memory_space<hbm>> -> memref<49152xf32, #tpu.memory_space<hbm>>
    tpu.wait_dma2 semaphore(%arg16 : memref<!tpu.dma_semaphore, #tpu.memory_space<semaphore_mem>>) src(%dma_wait3A_39 : memref<49152xf32, #tpu.memory_space<hbm>>) dst(%dma_wait3A_38 : memref<49152xf32, #tpu.memory_space<vmem_shared>>)
    %dma_start3A_40 = arith.constant 1 : i32
    %dma_start3A_41 = tpu.memref_slice %arg8[%add3A_4] : memref<30720000xf32, #tpu.memory_space<hbm>> -> memref<49152xf32, #tpu.memory_space<hbm>>
    %dma_start3A_42 = arith.constant 0 : i32
    %dma_start3A_43 = tpu.memref_slice %arg11[%arg1, %dma_start3A_40, %dma_start3A_42] : memref<16x2x49152xf32, #tpu.memory_space<vmem_shared>> -> memref<1x1x49152xf32, #tpu.memory_space<vmem_shared>>
    %dma_start3A_44 = tpu.memref_squeeze %dma_start3A_43 : memref<1x1x49152xf32, #tpu.memory_space<vmem_shared>> -> memref<49152xf32, #tpu.memory_space<vmem_shared>>
    tpu.enqueue_dma source(%dma_start3A_44 : memref<49152xf32, #tpu.memory_space<vmem_shared>>) target(%dma_start3A_41 : memref<49152xf32, #tpu.memory_space<hbm>>) target_semaphore(%arg16 : memref<!tpu.dma_semaphore, #tpu.memory_space<semaphore_mem>>)
    %dma_wait3A_45 = arith.constant 0 : i32
    %dma_wait3A_46 = tpu.memref_slice %arg8[%mul3A_2] : memref<30720000xf32, #tpu.memory_space<hbm>> -> memref<49152xf32, #tpu.memory_space<hbm>>
    %dma_wait3A_47 = arith.constant 0 : i32
    %dma_wait3A_48 = tpu.memref_slice %arg11[%arg1, %dma_wait3A_45, %dma_wait3A_47] : memref<16x2x49152xf32, #tpu.memory_space<vmem_shared>> -> memref<1x1x49152xf32, #tpu.memory_space<vmem_shared>>
    %dma_wait3A_49 = tpu.memref_squeeze %dma_wait3A_48 : memref<1x1x49152xf32, #tpu.memory_space<vmem_shared>> -> memref<49152xf32, #tpu.memory_space<vmem_shared>>
    tpu.wait_dma2 semaphore(%arg15 : memref<!tpu.dma_semaphore, #tpu.memory_space<semaphore_mem>>) src(%dma_wait3A_49 : memref<49152xf32, #tpu.memory_space<vmem_shared>>) dst(%dma_wait3A_46 : memref<49152xf32, #tpu.memory_space<hbm>>)
    %dma_start3A_50 = arith.constant 0 : i32
    %dma_start3A_51 = arith.constant 0 : i32
    %dma_start3A_52 = tpu.memref_slice %arg11[%arg1, %dma_start3A_50, %dma_start3A_51] : memref<16x2x49152xf32, #tpu.memory_space<vmem_shared>> -> memref<1x1x49152xf32, #tpu.memory_space<vmem_shared>>
    %dma_start3A_53 = tpu.memref_squeeze %dma_start3A_52 : memref<1x1x49152xf32, #tpu.memory_space<vmem_shared>> -> memref<49152xf32, #tpu.memory_space<vmem_shared>>
    %dma_start3A_54 = tpu.memref_slice %arg2[%add3A_6] : memref<12582912xf32, #tpu.memory_space<hbm>> -> memref<49152xf32, #tpu.memory_space<hbm>>
    tpu.enqueue_dma source(%dma_start3A_54 : memref<49152xf32, #tpu.memory_space<hbm>>) target(%dma_start3A_53 : memref<49152xf32, #tpu.memory_space<vmem_shared>>) target_semaphore(%arg15 : memref<!tpu.dma_semaphore, #tpu.memory_space<semaphore_mem>>)
    %dma_wait3A_55 = arith.constant 0 : i32
    %dma_wait3A_56 = arith.constant 0 : i32
    %dma_wait3A_57 = tpu.memref_slice %arg11[%arg1, %dma_wait3A_55, %dma_wait3A_56] : memref<16x2x49152xf32, #tpu.memory_space<vmem_shared>> -> memref<1x1x49152xf32, #tpu.memory_space<vmem_shared>>
    %dma_wait3A_58 = tpu.memref_squeeze %dma_wait3A_57 : memref<1x1x49152xf32, #tpu.memory_space<vmem_shared>> -> memref<49152xf32, #tpu.memory_space<vmem_shared>>
    %dma_wait3A_59 = tpu.memref_slice %arg2[%add3A_6] : memref<12582912xf32, #tpu.memory_space<hbm>> -> memref<49152xf32, #tpu.memory_space<hbm>>
    tpu.wait_dma2 semaphore(%arg15 : memref<!tpu.dma_semaphore, #tpu.memory_space<semaphore_mem>>) src(%dma_wait3A_59 : memref<49152xf32, #tpu.memory_space<hbm>>) dst(%dma_wait3A_58 : memref<49152xf32, #tpu.memory_space<vmem_shared>>)
    %dma_start3A_60 = arith.constant 0 : i32
    %dma_start3A_61 = tpu.memref_slice %arg8[%add3A_6] : memref<30720000xf32, #tpu.memory_space<hbm>> -> memref<49152xf32, #tpu.memory_space<hbm>>
    %dma_start3A_62 = arith.constant 0 : i32
    %dma_start3A_63 = tpu.memref_slice %arg11[%arg1, %dma_start3A_60, %dma_start3A_62] : memref<16x2x49152xf32, #tpu.memory_space<vmem_shared>> -> memref<1x1x49152xf32, #tpu.memory_space<vmem_shared>>
    %dma_start3A_64 = tpu.memref_squeeze %dma_start3A_63 : memref<1x1x49152xf32, #tpu.memory_space<vmem_shared>> -> memref<49152xf32, #tpu.memory_space<vmem_shared>>
    tpu.enqueue_dma source(%dma_start3A_64 : memref<49152xf32, #tpu.memory_space<vmem_shared>>) target(%dma_start3A_61 : memref<49152xf32, #tpu.memory_space<hbm>>) target_semaphore(%arg15 : memref<!tpu.dma_semaphore, #tpu.memory_space<semaphore_mem>>)
    %dma_wait3A_65 = arith.constant 1 : i32
    %dma_wait3A_66 = tpu.memref_slice %arg8[%add3A_4] : memref<30720000xf32, #tpu.memory_space<hbm>> -> memref<49152xf32, #tpu.memory_space<hbm>>
    %dma_wait3A_67 = arith.constant 0 : i32
    %dma_wait3A_68 = tpu.memref_slice %arg11[%arg1, %dma_wait3A_65, %dma_wait3A_67] : memref<16x2x49152xf32, #tpu.memory_space<vmem_shared>> -> memref<1x1x49152xf32, #tpu.memory_space<vmem_shared>>
    %dma_wait3A_69 = tpu.memref_squeeze %dma_wait3A_68 : memref<1x1x49152xf32, #tpu.memory_space<vmem_shared>> -> memref<49152xf32, #tpu.memory_space<vmem_shared>>
    tpu.wait_dma2 semaphore(%arg16 : memref<!tpu.dma_semaphore, #tpu.memory_space<semaphore_mem>>) src(%dma_wait3A_69 : memref<49152xf32, #tpu.memory_space<vmem_shared>>) dst(%dma_wait3A_66 : memref<49152xf32, #tpu.memory_space<hbm>>)
    %dma_start3A_70 = arith.constant 1 : i32
    %dma_start3A_71 = arith.constant 0 : i32
    %dma_start3A_72 = tpu.memref_slice %arg11[%arg1, %dma_start3A_70, %dma_start3A_71] : memref<16x2x49152xf32, #tpu.memory_space<vmem_shared>> -> memref<1x1x49152xf32, #tpu.memory_space<vmem_shared>>
    %dma_start3A_73 = tpu.memref_squeeze %dma_start3A_72 : memref<1x1x49152xf32, #tpu.memory_space<vmem_shared>> -> memref<49152xf32, #tpu.memory_space<vmem_shared>>
    %dma_start3A_74 = tpu.memref_slice %arg2[%add3A_8] : memref<12582912xf32, #tpu.memory_space<hbm>> -> memref<49152xf32, #tpu.memory_space<hbm>>
    tpu.enqueue_dma source(%dma_start3A_74 : memref<49152xf32, #tpu.memory_space<hbm>>) target(%dma_start3A_73 : memref<49152xf32, #tpu.memory_space<vmem_shared>>) target_semaphore(%arg16 : memref<!tpu.dma_semaphore, #tpu.memory_space<semaphore_mem>>)
    %dma_wait3A_75 = arith.constant 1 : i32
    %dma_wait3A_76 = arith.constant 0 : i32
    %dma_wait3A_77 = tpu.memref_slice %arg11[%arg1, %dma_wait3A_75, %dma_wait3A_76] : memref<16x2x49152xf32, #tpu.memory_space<vmem_shared>> -> memref<1x1x49152xf32, #tpu.memory_space<vmem_shared>>
    %dma_wait3A_78 = tpu.memref_squeeze %dma_wait3A_77 : memref<1x1x49152xf32, #tpu.memory_space<vmem_shared>> -> memref<49152xf32, #tpu.memory_space<vmem_shared>>
    %dma_wait3A_79 = tpu.memref_slice %arg2[%add3A_8] : memref<12582912xf32, #tpu.memory_space<hbm>> -> memref<49152xf32, #tpu.memory_space<hbm>>
    tpu.wait_dma2 semaphore(%arg16 : memref<!tpu.dma_semaphore, #tpu.memory_space<semaphore_mem>>) src(%dma_wait3A_79 : memref<49152xf32, #tpu.memory_space<hbm>>) dst(%dma_wait3A_78 : memref<49152xf32, #tpu.memory_space<vmem_shared>>)
    %dma_start3A_80 = arith.constant 1 : i32
    %dma_start3A_81 = tpu.memref_slice %arg8[%add3A_8] : memref<30720000xf32, #tpu.memory_space<hbm>> -> memref<49152xf32, #tpu.memory_space<hbm>>
    %dma_start3A_82 = arith.constant 0 : i32
    %dma_start3A_83 = tpu.memref_slice %arg11[%arg1, %dma_start3A_80, %dma_start3A_82] : memref<16x2x49152xf32, #tpu.memory_space<vmem_shared>> -> memref<1x1x49152xf32, #tpu.memory_space<vmem_shared>>
    %dma_start3A_84 = tpu.memref_squeeze %dma_start3A_83 : memref<1x1x49152xf32, #tpu.memory_space<vmem_shared>> -> memref<49152xf32, #tpu.memory_space<vmem_shared>>
    tpu.enqueue_dma source(%dma_start3A_84 : memref<49152xf32, #tpu.memory_space<vmem_shared>>) target(%dma_start3A_81 : memref<49152xf32, #tpu.memory_space<hbm>>) target_semaphore(%arg16 : memref<!tpu.dma_semaphore, #tpu.memory_space<semaphore_mem>>)
    %dma_wait3A_85 = arith.constant 0 : i32
    %dma_wait3A_86 = tpu.memref_slice %arg8[%add3A_6] : memref<30720000xf32, #tpu.memory_space<hbm>> -> memref<49152xf32, #tpu.memory_space<hbm>>
    %dma_wait3A_87 = arith.constant 0 : i32
    %dma_wait3A_88 = tpu.memref_slice %arg11[%arg1, %dma_wait3A_85, %dma_wait3A_87] : memref<16x2x49152xf32, #tpu.memory_space<vmem_shared>> -> memref<1x1x49152xf32, #tpu.memory_space<vmem_shared>>
    %dma_wait3A_89 = tpu.memref_squeeze %dma_wait3A_88 : memref<1x1x49152xf32, #tpu.memory_space<vmem_shared>> -> memref<49152xf32, #tpu.memory_space<vmem_shared>>
    tpu.wait_dma2 semaphore(%arg15 : memref<!tpu.dma_semaphore, #tpu.memory_space<semaphore_mem>>) src(%dma_wait3A_89 : memref<49152xf32, #tpu.memory_space<vmem_shared>>) dst(%dma_wait3A_86 : memref<49152xf32, #tpu.memory_space<hbm>>)
    %dma_start3A_90 = arith.constant 0 : i32
    %dma_start3A_91 = arith.constant 0 : i32
    %dma_start3A_92 = tpu.memref_slice %arg11[%arg1, %dma_start3A_90, %dma_start3A_91] : memref<16x2x49152xf32, #tpu.memory_space<vmem_shared>> -> memref<1x1x49152xf32, #tpu.memory_space<vmem_shared>>
    %dma_start3A_93 = tpu.memref_squeeze %dma_start3A_92 : memref<1x1x49152xf32, #tpu.memory_space<vmem_shared>> -> memref<49152xf32, #tpu.memory_space<vmem_shared>>
    %dma_start3A_94 = tpu.memref_slice %arg2[%add3A_10] : memref<12582912xf32, #tpu.memory_space<hbm>> -> memref<49152xf32, #tpu.memory_space<hbm>>
    tpu.enqueue_dma source(%dma_start3A_94 : memref<49152xf32, #tpu.memory_space<hbm>>) target(%dma_start3A_93 : memref<49152xf32, #tpu.memory_space<vmem_shared>>) target_semaphore(%arg15 : memref<!tpu.dma_semaphore, #tpu.memory_space<semaphore_mem>>)
    %dma_wait3A_95 = arith.constant 0 : i32
    %dma_wait3A_96 = arith.constant 0 : i32
    %dma_wait3A_97 = tpu.memref_slice %arg11[%arg1, %dma_wait3A_95, %dma_wait3A_96] : memref<16x2x49152xf32, #tpu.memory_space<vmem_shared>> -> memref<1x1x49152xf32, #tpu.memory_space<vmem_shared>>
    %dma_wait3A_98 = tpu.memref_squeeze %dma_wait3A_97 : memref<1x1x49152xf32, #tpu.memory_space<vmem_shared>> -> memref<49152xf32, #tpu.memory_space<vmem_shared>>
    %dma_wait3A_99 = tpu.memref_slice %arg2[%add3A_10] : memref<12582912xf32, #tpu.memory_space<hbm>> -> memref<49152xf32, #tpu.memory_space<hbm>>
    tpu.wait_dma2 semaphore(%arg15 : memref<!tpu.dma_semaphore, #tpu.memory_space<semaphore_mem>>) src(%dma_wait3A_99 : memref<49152xf32, #tpu.memory_space<hbm>>) dst(%dma_wait3A_98 : memref<49152xf32, #tpu.memory_space<vmem_shared>>)
    %dma_start3A_100 = arith.constant 0 : i32
    %dma_start3A_101 = tpu.memref_slice %arg8[%add3A_10] : memref<30720000xf32, #tpu.memory_space<hbm>> -> memref<49152xf32, #tpu.memory_space<hbm>>
    %dma_start3A_102 = arith.constant 0 : i32
    %dma_start3A_103 = tpu.memref_slice %arg11[%arg1, %dma_start3A_100, %dma_start3A_102] : memref<16x2x49152xf32, #tpu.memory_space<vmem_shared>> -> memref<1x1x49152xf32, #tpu.memory_space<vmem_shared>>
    %dma_start3A_104 = tpu.memref_squeeze %dma_start3A_103 : memref<1x1x49152xf32, #tpu.memory_space<vmem_shared>> -> memref<49152xf32, #tpu.memory_space<vmem_shared>>
    tpu.enqueue_dma source(%dma_start3A_104 : memref<49152xf32, #tpu.memory_space<vmem_shared>>) target(%dma_start3A_101 : memref<49152xf32, #tpu.memory_space<hbm>>) target_semaphore(%arg15 : memref<!tpu.dma_semaphore, #tpu.memory_space<semaphore_mem>>)
    %dma_wait3A_105 = arith.constant 1 : i32
    %dma_wait3A_106 = tpu.memref_slice %arg8[%add3A_8] : memref<30720000xf32, #tpu.memory_space<hbm>> -> memref<49152xf32, #tpu.memory_space<hbm>>
    %dma_wait3A_107 = arith.constant 0 : i32
    %dma_wait3A_108 = tpu.memref_slice %arg11[%arg1, %dma_wait3A_105, %dma_wait3A_107] : memref<16x2x49152xf32, #tpu.memory_space<vmem_shared>> -> memref<1x1x49152xf32, #tpu.memory_space<vmem_shared>>
    %dma_wait3A_109 = tpu.memref_squeeze %dma_wait3A_108 : memref<1x1x49152xf32, #tpu.memory_space<vmem_shared>> -> memref<49152xf32, #tpu.memory_space<vmem_shared>>
    tpu.wait_dma2 semaphore(%arg16 : memref<!tpu.dma_semaphore, #tpu.memory_space<semaphore_mem>>) src(%dma_wait3A_109 : memref<49152xf32, #tpu.memory_space<vmem_shared>>) dst(%dma_wait3A_106 : memref<49152xf32, #tpu.memory_space<hbm>>)
    %dma_start3A_110 = arith.constant 1 : i32
    %dma_start3A_111 = arith.constant 0 : i32
    %dma_start3A_112 = tpu.memref_slice %arg11[%arg1, %dma_start3A_110, %dma_start3A_111] : memref<16x2x49152xf32, #tpu.memory_space<vmem_shared>> -> memref<1x1x49152xf32, #tpu.memory_space<vmem_shared>>
    %dma_start3A_113 = tpu.memref_squeeze %dma_start3A_112 : memref<1x1x49152xf32, #tpu.memory_space<vmem_shared>> -> memref<49152xf32, #tpu.memory_space<vmem_shared>>
    %dma_start3A_114 = tpu.memref_slice %arg2[%add3A_12] : memref<12582912xf32, #tpu.memory_space<hbm>> -> memref<49152xf32, #tpu.memory_space<hbm>>
    tpu.enqueue_dma source(%dma_start3A_114 : memref<49152xf32, #tpu.memory_space<hbm>>) target(%dma_start3A_113 : memref<49152xf32, #tpu.memory_space<vmem_shared>>) target_semaphore(%arg16 : memref<!tpu.dma_semaphore, #tpu.memory_space<semaphore_mem>>)
    %dma_wait3A_115 = arith.constant 1 : i32
    %dma_wait3A_116 = arith.constant 0 : i32
    %dma_wait3A_117 = tpu.memref_slice %arg11[%arg1, %dma_wait3A_115, %dma_wait3A_116] : memref<16x2x49152xf32, #tpu.memory_space<vmem_shared>> -> memref<1x1x49152xf32, #tpu.memory_space<vmem_shared>>
    %dma_wait3A_118 = tpu.memref_squeeze %dma_wait3A_117 : memref<1x1x49152xf32, #tpu.memory_space<vmem_shared>> -> memref<49152xf32, #tpu.memory_space<vmem_shared>>
    %dma_wait3A_119 = tpu.memref_slice %arg2[%add3A_12] : memref<12582912xf32, #tpu.memory_space<hbm>> -> memref<49152xf32, #tpu.memory_space<hbm>>
    tpu.wait_dma2 semaphore(%arg16 : memref<!tpu.dma_semaphore, #tpu.memory_space<semaphore_mem>>) src(%dma_wait3A_119 : memref<49152xf32, #tpu.memory_space<hbm>>) dst(%dma_wait3A_118 : memref<49152xf32, #tpu.memory_space<vmem_shared>>)
    %dma_start3A_120 = arith.constant 1 : i32
    %dma_start3A_121 = tpu.memref_slice %arg8[%add3A_12] : memref<30720000xf32, #tpu.memory_space<hbm>> -> memref<49152xf32, #tpu.memory_space<hbm>>
    %dma_start3A_122 = arith.constant 0 : i32
    %dma_start3A_123 = tpu.memref_slice %arg11[%arg1, %dma_start3A_120, %dma_start3A_122] : memref<16x2x49152xf32, #tpu.memory_space<vmem_shared>> -> memref<1x1x49152xf32, #tpu.memory_space<vmem_shared>>
    %dma_start3A_124 = tpu.memref_squeeze %dma_start3A_123 : memref<1x1x49152xf32, #tpu.memory_space<vmem_shared>> -> memref<49152xf32, #tpu.memory_space<vmem_shared>>
    tpu.enqueue_dma source(%dma_start3A_124 : memref<49152xf32, #tpu.memory_space<vmem_shared>>) target(%dma_start3A_121 : memref<49152xf32, #tpu.memory_space<hbm>>) target_semaphore(%arg16 : memref<!tpu.dma_semaphore, #tpu.memory_space<semaphore_mem>>)
    %dma_wait3A_125 = arith.constant 0 : i32
    %dma_wait3A_126 = tpu.memref_slice %arg8[%add3A_10] : memref<30720000xf32, #tpu.memory_space<hbm>> -> memref<49152xf32, #tpu.memory_space<hbm>>
    %dma_wait3A_127 = arith.constant 0 : i32
    %dma_wait3A_128 = tpu.memref_slice %arg11[%arg1, %dma_wait3A_125, %dma_wait3A_127] : memref<16x2x49152xf32, #tpu.memory_space<vmem_shared>> -> memref<1x1x49152xf32, #tpu.memory_space<vmem_shared>>
    %dma_wait3A_129 = tpu.memref_squeeze %dma_wait3A_128 : memref<1x1x49152xf32, #tpu.memory_space<vmem_shared>> -> memref<49152xf32, #tpu.memory_space<vmem_shared>>
    tpu.wait_dma2 semaphore(%arg15 : memref<!tpu.dma_semaphore, #tpu.memory_space<semaphore_mem>>) src(%dma_wait3A_129 : memref<49152xf32, #tpu.memory_space<vmem_shared>>) dst(%dma_wait3A_126 : memref<49152xf32, #tpu.memory_space<hbm>>)
    %dma_start3A_130 = arith.constant 0 : i32
    %dma_start3A_131 = arith.constant 0 : i32
    %dma_start3A_132 = tpu.memref_slice %arg11[%arg1, %dma_start3A_130, %dma_start3A_131] : memref<16x2x49152xf32, #tpu.memory_space<vmem_shared>> -> memref<1x1x49152xf32, #tpu.memory_space<vmem_shared>>
    %dma_start3A_133 = tpu.memref_squeeze %dma_start3A_132 : memref<1x1x49152xf32, #tpu.memory_space<vmem_shared>> -> memref<49152xf32, #tpu.memory_space<vmem_shared>>
    %dma_start3A_134 = tpu.memref_slice %arg2[%add3A_14] : memref<12582912xf32, #tpu.memory_space<hbm>> -> memref<49152xf32, #tpu.memory_space<hbm>>
    tpu.enqueue_dma source(%dma_start3A_134 : memref<49152xf32, #tpu.memory_space<hbm>>) target(%dma_start3A_133 : memref<49152xf32, #tpu.memory_space<vmem_shared>>) target_semaphore(%arg15 : memref<!tpu.dma_semaphore, #tpu.memory_space<semaphore_mem>>)
    %dma_wait3A_135 = arith.constant 0 : i32
    %dma_wait3A_136 = arith.constant 0 : i32
    %dma_wait3A_137 = tpu.memref_slice %arg11[%arg1, %dma_wait3A_135, %dma_wait3A_136] : memref<16x2x49152xf32, #tpu.memory_space<vmem_shared>> -> memref<1x1x49152xf32, #tpu.memory_space<vmem_shared>>
    %dma_wait3A_138 = tpu.memref_squeeze %dma_wait3A_137 : memref<1x1x49152xf32, #tpu.memory_space<vmem_shared>> -> memref<49152xf32, #tpu.memory_space<vmem_shared>>
    %dma_wait3A_139 = tpu.memref_slice %arg2[%add3A_14] : memref<12582912xf32, #tpu.memory_space<hbm>> -> memref<49152xf32, #tpu.memory_space<hbm>>
    tpu.wait_dma2 semaphore(%arg15 : memref<!tpu.dma_semaphore, #tpu.memory_space<semaphore_mem>>) src(%dma_wait3A_139 : memref<49152xf32, #tpu.memory_space<hbm>>) dst(%dma_wait3A_138 : memref<49152xf32, #tpu.memory_space<vmem_shared>>)
    %dma_start3A_140 = arith.constant 0 : i32
    %dma_start3A_141 = tpu.memref_slice %arg8[%add3A_14] : memref<30720000xf32, #tpu.memory_space<hbm>> -> memref<49152xf32, #tpu.memory_space<hbm>>
    %dma_start3A_142 = arith.constant 0 : i32
    %dma_start3A_143 = tpu.memref_slice %arg11[%arg1, %dma_start3A_140, %dma_start3A_142] : memref<16x2x49152xf32, #tpu.memory_space<vmem_shared>> -> memref<1x1x49152xf32, #tpu.memory_space<vmem_shared>>
    %dma_start3A_144 = tpu.memref_squeeze %dma_start3A_143 : memref<1x1x49152xf32, #tpu.memory_space<vmem_shared>> -> memref<49152xf32, #tpu.memory_space<vmem_shared>>
    tpu.enqueue_dma source(%dma_start3A_144 : memref<49152xf32, #tpu.memory_space<vmem_shared>>) target(%dma_start3A_141 : memref<49152xf32, #tpu.memory_space<hbm>>) target_semaphore(%arg15 : memref<!tpu.dma_semaphore, #tpu.memory_space<semaphore_mem>>)
    %dma_wait3A_145 = arith.constant 1 : i32
    %dma_wait3A_146 = tpu.memref_slice %arg8[%add3A_12] : memref<30720000xf32, #tpu.memory_space<hbm>> -> memref<49152xf32, #tpu.memory_space<hbm>>
    %dma_wait3A_147 = arith.constant 0 : i32
    %dma_wait3A_148 = tpu.memref_slice %arg11[%arg1, %dma_wait3A_145, %dma_wait3A_147] : memref<16x2x49152xf32, #tpu.memory_space<vmem_shared>> -> memref<1x1x49152xf32, #tpu.memory_space<vmem_shared>>
    %dma_wait3A_149 = tpu.memref_squeeze %dma_wait3A_148 : memref<1x1x49152xf32, #tpu.memory_space<vmem_shared>> -> memref<49152xf32, #tpu.memory_space<vmem_shared>>
    tpu.wait_dma2 semaphore(%arg16 : memref<!tpu.dma_semaphore, #tpu.memory_space<semaphore_mem>>) src(%dma_wait3A_149 : memref<49152xf32, #tpu.memory_space<vmem_shared>>) dst(%dma_wait3A_146 : memref<49152xf32, #tpu.memory_space<hbm>>)
    %dma_start3A_150 = arith.constant 1 : i32
    %dma_start3A_151 = arith.constant 0 : i32
    %dma_start3A_152 = tpu.memref_slice %arg11[%arg1, %dma_start3A_150, %dma_start3A_151] : memref<16x2x49152xf32, #tpu.memory_space<vmem_shared>> -> memref<1x1x49152xf32, #tpu.memory_space<vmem_shared>>
    %dma_start3A_153 = tpu.memref_squeeze %dma_start3A_152 : memref<1x1x49152xf32, #tpu.memory_space<vmem_shared>> -> memref<49152xf32, #tpu.memory_space<vmem_shared>>
    %dma_start3A_154 = tpu.memref_slice %arg2[%add3A_16] : memref<12582912xf32, #tpu.memory_space<hbm>> -> memref<49152xf32, #tpu.memory_space<hbm>>
    tpu.enqueue_dma source(%dma_start3A_154 : memref<49152xf32, #tpu.memory_space<hbm>>) target(%dma_start3A_153 : memref<49152xf32, #tpu.memory_space<vmem_shared>>) target_semaphore(%arg16 : memref<!tpu.dma_semaphore, #tpu.memory_space<semaphore_mem>>)
    %dma_wait3A_155 = arith.constant 1 : i32
    %dma_wait3A_156 = arith.constant 0 : i32
    %dma_wait3A_157 = tpu.memref_slice %arg11[%arg1, %dma_wait3A_155, %dma_wait3A_156] : memref<16x2x49152xf32, #tpu.memory_space<vmem_shared>> -> memref<1x1x49152xf32, #tpu.memory_space<vmem_shared>>
    %dma_wait3A_158 = tpu.memref_squeeze %dma_wait3A_157 : memref<1x1x49152xf32, #tpu.memory_space<vmem_shared>> -> memref<49152xf32, #tpu.memory_space<vmem_shared>>
    %dma_wait3A_159 = tpu.memref_slice %arg2[%add3A_16] : memref<12582912xf32, #tpu.memory_space<hbm>> -> memref<49152xf32, #tpu.memory_space<hbm>>
    tpu.wait_dma2 semaphore(%arg16 : memref<!tpu.dma_semaphore, #tpu.memory_space<semaphore_mem>>) src(%dma_wait3A_159 : memref<49152xf32, #tpu.memory_space<hbm>>) dst(%dma_wait3A_158 : memref<49152xf32, #tpu.memory_space<vmem_shared>>)
    %dma_start3A_160 = arith.constant 1 : i32
    %dma_start3A_161 = tpu.memref_slice %arg8[%add3A_16] : memref<30720000xf32, #tpu.memory_space<hbm>> -> memref<49152xf32, #tpu.memory_space<hbm>>
    %dma_start3A_162 = arith.constant 0 : i32
    %dma_start3A_163 = tpu.memref_slice %arg11[%arg1, %dma_start3A_160, %dma_start3A_162] : memref<16x2x49152xf32, #tpu.memory_space<vmem_shared>> -> memref<1x1x49152xf32, #tpu.memory_space<vmem_shared>>
    %dma_start3A_164 = tpu.memref_squeeze %dma_start3A_163 : memref<1x1x49152xf32, #tpu.memory_space<vmem_shared>> -> memref<49152xf32, #tpu.memory_space<vmem_shared>>
    tpu.enqueue_dma source(%dma_start3A_164 : memref<49152xf32, #tpu.memory_space<vmem_shared>>) target(%dma_start3A_161 : memref<49152xf32, #tpu.memory_space<hbm>>) target_semaphore(%arg16 : memref<!tpu.dma_semaphore, #tpu.memory_space<semaphore_mem>>)
    %dma_wait3A_165 = arith.constant 0 : i32
    %dma_wait3A_166 = tpu.memref_slice %arg8[%add3A_14] : memref<30720000xf32, #tpu.memory_space<hbm>> -> memref<49152xf32, #tpu.memory_space<hbm>>
    %dma_wait3A_167 = arith.constant 0 : i32
    %dma_wait3A_168 = tpu.memref_slice %arg11[%arg1, %dma_wait3A_165, %dma_wait3A_167] : memref<16x2x49152xf32, #tpu.memory_space<vmem_shared>> -> memref<1x1x49152xf32, #tpu.memory_space<vmem_shared>>
    %dma_wait3A_169 = tpu.memref_squeeze %dma_wait3A_168 : memref<1x1x49152xf32, #tpu.memory_space<vmem_shared>> -> memref<49152xf32, #tpu.memory_space<vmem_shared>>
    tpu.wait_dma2 semaphore(%arg15 : memref<!tpu.dma_semaphore, #tpu.memory_space<semaphore_mem>>) src(%dma_wait3A_169 : memref<49152xf32, #tpu.memory_space<vmem_shared>>) dst(%dma_wait3A_166 : memref<49152xf32, #tpu.memory_space<hbm>>)
    %dma_wait3A_170 = arith.constant 1 : i32
    %dma_wait3A_171 = tpu.memref_slice %arg8[%add3A_16] : memref<30720000xf32, #tpu.memory_space<hbm>> -> memref<49152xf32, #tpu.memory_space<hbm>>
    %dma_wait3A_172 = arith.constant 0 : i32
    %dma_wait3A_173 = tpu.memref_slice %arg11[%arg1, %dma_wait3A_170, %dma_wait3A_172] : memref<16x2x49152xf32, #tpu.memory_space<vmem_shared>> -> memref<1x1x49152xf32, #tpu.memory_space<vmem_shared>>
    %dma_wait3A_174 = tpu.memref_squeeze %dma_wait3A_173 : memref<1x1x49152xf32, #tpu.memory_space<vmem_shared>> -> memref<49152xf32, #tpu.memory_space<vmem_shared>>
    tpu.wait_dma2 semaphore(%arg16 : memref<!tpu.dma_semaphore, #tpu.memory_space<semaphore_mem>>) src(%dma_wait3A_174 : memref<49152xf32, #tpu.memory_space<vmem_shared>>) dst(%dma_wait3A_171 : memref<49152xf32, #tpu.memory_space<hbm>>)
    %mul3A_175 = arith.constant 566784 : i32
    %mul3A_176 = arith.muli %add3A, %mul3A_175 : i32
    %add3A_177 = arith.constant 12582912 : i32
    %add3A_178 = arith.addi %add3A_177, %mul3A_176 : i32
    %add3A_179 = arith.constant 49152 : i32
    %add3A_180 = arith.addi %add3A_178, %add3A_179 : i32
    %add3A_181 = arith.constant 49152 : i32
    %add3A_182 = arith.addi %add3A_180, %add3A_181 : i32
    %add3A_183 = arith.constant 49152 : i32
    %add3A_184 = arith.addi %add3A_182, %add3A_183 : i32
    %add3A_185 = arith.constant 49152 : i32
    %add3A_186 = arith.addi %add3A_184, %add3A_185 : i32
    %add3A_187 = arith.constant 49152 : i32
    %add3A_188 = arith.addi %add3A_186, %add3A_187 : i32
    %add3A_189 = arith.constant 49152 : i32
    %add3A_190 = arith.addi %add3A_188, %add3A_189 : i32
    %add3A_191 = arith.constant 49152 : i32
    %add3A_192 = arith.addi %add3A_190, %add3A_191 : i32
    %add3A_193 = arith.constant 49152 : i32
    %add3A_194 = arith.addi %add3A_192, %add3A_193 : i32
    %add3A_195 = arith.constant 49152 : i32
    %add3A_196 = arith.addi %add3A_194, %add3A_195 : i32
    %add3A_197 = arith.constant 49152 : i32
    %add3A_198 = arith.addi %add3A_196, %add3A_197 : i32
    %add3A_199 = arith.constant 49152 : i32
    %add3A_200 = arith.addi %add3A_198, %add3A_199 : i32
    %dma_start3A_201 = arith.constant 0 : i32
    %dma_start3A_202 = arith.constant 0 : i32
    %dma_start3A_203 = tpu.memref_slice %arg11[%arg1, %dma_start3A_201, %dma_start3A_202] : memref<16x2x49152xf32, #tpu.memory_space<vmem_shared>> -> memref<1x1x49152xf32, #tpu.memory_space<vmem_shared>>
    %dma_start3A_204 = tpu.memref_squeeze %dma_start3A_203 : memref<1x1x49152xf32, #tpu.memory_space<vmem_shared>> -> memref<49152xf32, #tpu.memory_space<vmem_shared>>
    %dma_start3A_205 = tpu.memref_slice %arg5[%add3A_178] : memref<30720000xf32, #tpu.memory_space<hbm>> -> memref<49152xf32, #tpu.memory_space<hbm>>
    tpu.enqueue_dma source(%dma_start3A_205 : memref<49152xf32, #tpu.memory_space<hbm>>) target(%dma_start3A_204 : memref<49152xf32, #tpu.memory_space<vmem_shared>>) target_semaphore(%arg15 : memref<!tpu.dma_semaphore, #tpu.memory_space<semaphore_mem>>)
    %dma_wait3A_206 = arith.constant 0 : i32
    %dma_wait3A_207 = arith.constant 0 : i32
    %dma_wait3A_208 = tpu.memref_slice %arg11[%arg1, %dma_wait3A_206, %dma_wait3A_207] : memref<16x2x49152xf32, #tpu.memory_space<vmem_shared>> -> memref<1x1x49152xf32, #tpu.memory_space<vmem_shared>>
    %dma_wait3A_209 = tpu.memref_squeeze %dma_wait3A_208 : memref<1x1x49152xf32, #tpu.memory_space<vmem_shared>> -> memref<49152xf32, #tpu.memory_space<vmem_shared>>
    %dma_wait3A_210 = tpu.memref_slice %arg5[%add3A_178] : memref<30720000xf32, #tpu.memory_space<hbm>> -> memref<49152xf32, #tpu.memory_space<hbm>>
    tpu.wait_dma2 semaphore(%arg15 : memref<!tpu.dma_semaphore, #tpu.memory_space<semaphore_mem>>) src(%dma_wait3A_210 : memref<49152xf32, #tpu.memory_space<hbm>>) dst(%dma_wait3A_209 : memref<49152xf32, #tpu.memory_space<vmem_shared>>)
    %dma_start3A_211 = arith.constant 0 : i32
    %dma_start3A_212 = tpu.memref_slice %arg8[%add3A_178] : memref<30720000xf32, #tpu.memory_space<hbm>> -> memref<49152xf32, #tpu.memory_space<hbm>>
    %dma_start3A_213 = arith.constant 0 : i32
    %dma_start3A_214 = tpu.memref_slice %arg11[%arg1, %dma_start3A_211, %dma_start3A_213] : memref<16x2x49152xf32, #tpu.memory_space<vmem_shared>> -> memref<1x1x49152xf32, #tpu.memory_space<vmem_shared>>
    %dma_start3A_215 = tpu.memref_squeeze %dma_start3A_214 : memref<1x1x49152xf32, #tpu.memory_space<vmem_shared>> -> memref<49152xf32, #tpu.memory_space<vmem_shared>>
    tpu.enqueue_dma source(%dma_start3A_215 : memref<49152xf32, #tpu.memory_space<vmem_shared>>) target(%dma_start3A_212 : memref<49152xf32, #tpu.memory_space<hbm>>) target_semaphore(%arg15 : memref<!tpu.dma_semaphore, #tpu.memory_space<semaphore_mem>>)
    %dma_start3A_216 = arith.constant 1 : i32
    %dma_start3A_217 = arith.constant 0 : i32
    %dma_start3A_218 = tpu.memref_slice %arg11[%arg1, %dma_start3A_216, %dma_start3A_217] : memref<16x2x49152xf32, #tpu.memory_space<vmem_shared>> -> memref<1x1x49152xf32, #tpu.memory_space<vmem_shared>>
    %dma_start3A_219 = tpu.memref_squeeze %dma_start3A_218 : memref<1x1x49152xf32, #tpu.memory_space<vmem_shared>> -> memref<49152xf32, #tpu.memory_space<vmem_shared>>
    %dma_start3A_220 = tpu.memref_slice %arg5[%add3A_180] : memref<30720000xf32, #tpu.memory_space<hbm>> -> memref<49152xf32, #tpu.memory_space<hbm>>
    tpu.enqueue_dma source(%dma_start3A_220 : memref<49152xf32, #tpu.memory_space<hbm>>) target(%dma_start3A_219 : memref<49152xf32, #tpu.memory_space<vmem_shared>>) target_semaphore(%arg16 : memref<!tpu.dma_semaphore, #tpu.memory_space<semaphore_mem>>)
    %dma_wait3A_221 = arith.constant 1 : i32
    %dma_wait3A_222 = arith.constant 0 : i32
    %dma_wait3A_223 = tpu.memref_slice %arg11[%arg1, %dma_wait3A_221, %dma_wait3A_222] : memref<16x2x49152xf32, #tpu.memory_space<vmem_shared>> -> memref<1x1x49152xf32, #tpu.memory_space<vmem_shared>>
    %dma_wait3A_224 = tpu.memref_squeeze %dma_wait3A_223 : memref<1x1x49152xf32, #tpu.memory_space<vmem_shared>> -> memref<49152xf32, #tpu.memory_space<vmem_shared>>
    %dma_wait3A_225 = tpu.memref_slice %arg5[%add3A_180] : memref<30720000xf32, #tpu.memory_space<hbm>> -> memref<49152xf32, #tpu.memory_space<hbm>>
    tpu.wait_dma2 semaphore(%arg16 : memref<!tpu.dma_semaphore, #tpu.memory_space<semaphore_mem>>) src(%dma_wait3A_225 : memref<49152xf32, #tpu.memory_space<hbm>>) dst(%dma_wait3A_224 : memref<49152xf32, #tpu.memory_space<vmem_shared>>)
    %dma_start3A_226 = arith.constant 1 : i32
    %dma_start3A_227 = tpu.memref_slice %arg8[%add3A_180] : memref<30720000xf32, #tpu.memory_space<hbm>> -> memref<49152xf32, #tpu.memory_space<hbm>>
    %dma_start3A_228 = arith.constant 0 : i32
    %dma_start3A_229 = tpu.memref_slice %arg11[%arg1, %dma_start3A_226, %dma_start3A_228] : memref<16x2x49152xf32, #tpu.memory_space<vmem_shared>> -> memref<1x1x49152xf32, #tpu.memory_space<vmem_shared>>
    %dma_start3A_230 = tpu.memref_squeeze %dma_start3A_229 : memref<1x1x49152xf32, #tpu.memory_space<vmem_shared>> -> memref<49152xf32, #tpu.memory_space<vmem_shared>>
    tpu.enqueue_dma source(%dma_start3A_230 : memref<49152xf32, #tpu.memory_space<vmem_shared>>) target(%dma_start3A_227 : memref<49152xf32, #tpu.memory_space<hbm>>) target_semaphore(%arg16 : memref<!tpu.dma_semaphore, #tpu.memory_space<semaphore_mem>>)
    %dma_wait3A_231 = arith.constant 0 : i32
    %dma_wait3A_232 = tpu.memref_slice %arg8[%add3A_178] : memref<30720000xf32, #tpu.memory_space<hbm>> -> memref<49152xf32, #tpu.memory_space<hbm>>
    %dma_wait3A_233 = arith.constant 0 : i32
    %dma_wait3A_234 = tpu.memref_slice %arg11[%arg1, %dma_wait3A_231, %dma_wait3A_233] : memref<16x2x49152xf32, #tpu.memory_space<vmem_shared>> -> memref<1x1x49152xf32, #tpu.memory_space<vmem_shared>>
    %dma_wait3A_235 = tpu.memref_squeeze %dma_wait3A_234 : memref<1x1x49152xf32, #tpu.memory_space<vmem_shared>> -> memref<49152xf32, #tpu.memory_space<vmem_shared>>
    tpu.wait_dma2 semaphore(%arg15 : memref<!tpu.dma_semaphore, #tpu.memory_space<semaphore_mem>>) src(%dma_wait3A_235 : memref<49152xf32, #tpu.memory_space<vmem_shared>>) dst(%dma_wait3A_232 : memref<49152xf32, #tpu.memory_space<hbm>>)
    %dma_start3A_236 = arith.constant 0 : i32
    %dma_start3A_237 = arith.constant 0 : i32
    %dma_start3A_238 = tpu.memref_slice %arg11[%arg1, %dma_start3A_236, %dma_start3A_237] : memref<16x2x49152xf32, #tpu.memory_space<vmem_shared>> -> memref<1x1x49152xf32, #tpu.memory_space<vmem_shared>>
    %dma_start3A_239 = tpu.memref_squeeze %dma_start3A_238 : memref<1x1x49152xf32, #tpu.memory_space<vmem_shared>> -> memref<49152xf32, #tpu.memory_space<vmem_shared>>
    %dma_start3A_240 = tpu.memref_slice %arg5[%add3A_182] : memref<30720000xf32, #tpu.memory_space<hbm>> -> memref<49152xf32, #tpu.memory_space<hbm>>
    tpu.enqueue_dma source(%dma_start3A_240 : memref<49152xf32, #tpu.memory_space<hbm>>) target(%dma_start3A_239 : memref<49152xf32, #tpu.memory_space<vmem_shared>>) target_semaphore(%arg15 : memref<!tpu.dma_semaphore, #tpu.memory_space<semaphore_mem>>)
    %dma_wait3A_241 = arith.constant 0 : i32
    %dma_wait3A_242 = arith.constant 0 : i32
    %dma_wait3A_243 = tpu.memref_slice %arg11[%arg1, %dma_wait3A_241, %dma_wait3A_242] : memref<16x2x49152xf32, #tpu.memory_space<vmem_shared>> -> memref<1x1x49152xf32, #tpu.memory_space<vmem_shared>>
    %dma_wait3A_244 = tpu.memref_squeeze %dma_wait3A_243 : memref<1x1x49152xf32, #tpu.memory_space<vmem_shared>> -> memref<49152xf32, #tpu.memory_space<vmem_shared>>
    %dma_wait3A_245 = tpu.memref_slice %arg5[%add3A_182] : memref<30720000xf32, #tpu.memory_space<hbm>> -> memref<49152xf32, #tpu.memory_space<hbm>>
    tpu.wait_dma2 semaphore(%arg15 : memref<!tpu.dma_semaphore, #tpu.memory_space<semaphore_mem>>) src(%dma_wait3A_245 : memref<49152xf32, #tpu.memory_space<hbm>>) dst(%dma_wait3A_244 : memref<49152xf32, #tpu.memory_space<vmem_shared>>)
    %dma_start3A_246 = arith.constant 0 : i32
    %dma_start3A_247 = tpu.memref_slice %arg8[%add3A_182] : memref<30720000xf32, #tpu.memory_space<hbm>> -> memref<49152xf32, #tpu.memory_space<hbm>>
    %dma_start3A_248 = arith.constant 0 : i32
    %dma_start3A_249 = tpu.memref_slice %arg11[%arg1, %dma_start3A_246, %dma_start3A_248] : memref<16x2x49152xf32, #tpu.memory_space<vmem_shared>> -> memref<1x1x49152xf32, #tpu.memory_space<vmem_shared>>
    %dma_start3A_250 = tpu.memref_squeeze %dma_start3A_249 : memref<1x1x49152xf32, #tpu.memory_space<vmem_shared>> -> memref<49152xf32, #tpu.memory_space<vmem_shared>>
    tpu.enqueue_dma source(%dma_start3A_250 : memref<49152xf32, #tpu.memory_space<vmem_shared>>) target(%dma_start3A_247 : memref<49152xf32, #tpu.memory_space<hbm>>) target_semaphore(%arg15 : memref<!tpu.dma_semaphore, #tpu.memory_space<semaphore_mem>>)
    %dma_wait3A_251 = arith.constant 1 : i32
    %dma_wait3A_252 = tpu.memref_slice %arg8[%add3A_180] : memref<30720000xf32, #tpu.memory_space<hbm>> -> memref<49152xf32, #tpu.memory_space<hbm>>
    %dma_wait3A_253 = arith.constant 0 : i32
    %dma_wait3A_254 = tpu.memref_slice %arg11[%arg1, %dma_wait3A_251, %dma_wait3A_253] : memref<16x2x49152xf32, #tpu.memory_space<vmem_shared>> -> memref<1x1x49152xf32, #tpu.memory_space<vmem_shared>>
    %dma_wait3A_255 = tpu.memref_squeeze %dma_wait3A_254 : memref<1x1x49152xf32, #tpu.memory_space<vmem_shared>> -> memref<49152xf32, #tpu.memory_space<vmem_shared>>
    tpu.wait_dma2 semaphore(%arg16 : memref<!tpu.dma_semaphore, #tpu.memory_space<semaphore_mem>>) src(%dma_wait3A_255 : memref<49152xf32, #tpu.memory_space<vmem_shared>>) dst(%dma_wait3A_252 : memref<49152xf32, #tpu.memory_space<hbm>>)
    %dma_start3A_256 = arith.constant 1 : i32
    %dma_start3A_257 = arith.constant 0 : i32
    %dma_start3A_258 = tpu.memref_slice %arg11[%arg1, %dma_start3A_256, %dma_start3A_257] : memref<16x2x49152xf32, #tpu.memory_space<vmem_shared>> -> memref<1x1x49152xf32, #tpu.memory_space<vmem_shared>>
    %dma_start3A_259 = tpu.memref_squeeze %dma_start3A_258 : memref<1x1x49152xf32, #tpu.memory_space<vmem_shared>> -> memref<49152xf32, #tpu.memory_space<vmem_shared>>
    %dma_start3A_260 = tpu.memref_slice %arg5[%add3A_184] : memref<30720000xf32, #tpu.memory_space<hbm>> -> memref<49152xf32, #tpu.memory_space<hbm>>
    tpu.enqueue_dma source(%dma_start3A_260 : memref<49152xf32, #tpu.memory_space<hbm>>) target(%dma_start3A_259 : memref<49152xf32, #tpu.memory_space<vmem_shared>>) target_semaphore(%arg16 : memref<!tpu.dma_semaphore, #tpu.memory_space<semaphore_mem>>)
    %dma_wait3A_261 = arith.constant 1 : i32
    %dma_wait3A_262 = arith.constant 0 : i32
    %dma_wait3A_263 = tpu.memref_slice %arg11[%arg1, %dma_wait3A_261, %dma_wait3A_262] : memref<16x2x49152xf32, #tpu.memory_space<vmem_shared>> -> memref<1x1x49152xf32, #tpu.memory_space<vmem_shared>>
    %dma_wait3A_264 = tpu.memref_squeeze %dma_wait3A_263 : memref<1x1x49152xf32, #tpu.memory_space<vmem_shared>> -> memref<49152xf32, #tpu.memory_space<vmem_shared>>
    %dma_wait3A_265 = tpu.memref_slice %arg5[%add3A_184] : memref<30720000xf32, #tpu.memory_space<hbm>> -> memref<49152xf32, #tpu.memory_space<hbm>>
    tpu.wait_dma2 semaphore(%arg16 : memref<!tpu.dma_semaphore, #tpu.memory_space<semaphore_mem>>) src(%dma_wait3A_265 : memref<49152xf32, #tpu.memory_space<hbm>>) dst(%dma_wait3A_264 : memref<49152xf32, #tpu.memory_space<vmem_shared>>)
    %dma_start3A_266 = arith.constant 1 : i32
    %dma_start3A_267 = tpu.memref_slice %arg8[%add3A_184] : memref<30720000xf32, #tpu.memory_space<hbm>> -> memref<49152xf32, #tpu.memory_space<hbm>>
    %dma_start3A_268 = arith.constant 0 : i32
    %dma_start3A_269 = tpu.memref_slice %arg11[%arg1, %dma_start3A_266, %dma_start3A_268] : memref<16x2x49152xf32, #tpu.memory_space<vmem_shared>> -> memref<1x1x49152xf32, #tpu.memory_space<vmem_shared>>
    %dma_start3A_270 = tpu.memref_squeeze %dma_start3A_269 : memref<1x1x49152xf32, #tpu.memory_space<vmem_shared>> -> memref<49152xf32, #tpu.memory_space<vmem_shared>>
    tpu.enqueue_dma source(%dma_start3A_270 : memref<49152xf32, #tpu.memory_space<vmem_shared>>) target(%dma_start3A_267 : memref<49152xf32, #tpu.memory_space<hbm>>) target_semaphore(%arg16 : memref<!tpu.dma_semaphore, #tpu.memory_space<semaphore_mem>>)
    %dma_wait3A_271 = arith.constant 0 : i32
    %dma_wait3A_272 = tpu.memref_slice %arg8[%add3A_182] : memref<30720000xf32, #tpu.memory_space<hbm>> -> memref<49152xf32, #tpu.memory_space<hbm>>
    %dma_wait3A_273 = arith.constant 0 : i32
    %dma_wait3A_274 = tpu.memref_slice %arg11[%arg1, %dma_wait3A_271, %dma_wait3A_273] : memref<16x2x49152xf32, #tpu.memory_space<vmem_shared>> -> memref<1x1x49152xf32, #tpu.memory_space<vmem_shared>>
    %dma_wait3A_275 = tpu.memref_squeeze %dma_wait3A_274 : memref<1x1x49152xf32, #tpu.memory_space<vmem_shared>> -> memref<49152xf32, #tpu.memory_space<vmem_shared>>
    tpu.wait_dma2 semaphore(%arg15 : memref<!tpu.dma_semaphore, #tpu.memory_space<semaphore_mem>>) src(%dma_wait3A_275 : memref<49152xf32, #tpu.memory_space<vmem_shared>>) dst(%dma_wait3A_272 : memref<49152xf32, #tpu.memory_space<hbm>>)
    %dma_start3A_276 = arith.constant 0 : i32
    %dma_start3A_277 = arith.constant 0 : i32
    %dma_start3A_278 = tpu.memref_slice %arg11[%arg1, %dma_start3A_276, %dma_start3A_277] : memref<16x2x49152xf32, #tpu.memory_space<vmem_shared>> -> memref<1x1x49152xf32, #tpu.memory_space<vmem_shared>>
    %dma_start3A_279 = tpu.memref_squeeze %dma_start3A_278 : memref<1x1x49152xf32, #tpu.memory_space<vmem_shared>> -> memref<49152xf32, #tpu.memory_space<vmem_shared>>
    %dma_start3A_280 = tpu.memref_slice %arg5[%add3A_186] : memref<30720000xf32, #tpu.memory_space<hbm>> -> memref<49152xf32, #tpu.memory_space<hbm>>
    tpu.enqueue_dma source(%dma_start3A_280 : memref<49152xf32, #tpu.memory_space<hbm>>) target(%dma_start3A_279 : memref<49152xf32, #tpu.memory_space<vmem_shared>>) target_semaphore(%arg15 : memref<!tpu.dma_semaphore, #tpu.memory_space<semaphore_mem>>)
    %dma_wait3A_281 = arith.constant 0 : i32
    %dma_wait3A_282 = arith.constant 0 : i32
    %dma_wait3A_283 = tpu.memref_slice %arg11[%arg1, %dma_wait3A_281, %dma_wait3A_282] : memref<16x2x49152xf32, #tpu.memory_space<vmem_shared>> -> memref<1x1x49152xf32, #tpu.memory_space<vmem_shared>>
    %dma_wait3A_284 = tpu.memref_squeeze %dma_wait3A_283 : memref<1x1x49152xf32, #tpu.memory_space<vmem_shared>> -> memref<49152xf32, #tpu.memory_space<vmem_shared>>
    %dma_wait3A_285 = tpu.memref_slice %arg5[%add3A_186] : memref<30720000xf32, #tpu.memory_space<hbm>> -> memref<49152xf32, #tpu.memory_space<hbm>>
    tpu.wait_dma2 semaphore(%arg15 : memref<!tpu.dma_semaphore, #tpu.memory_space<semaphore_mem>>) src(%dma_wait3A_285 : memref<49152xf32, #tpu.memory_space<hbm>>) dst(%dma_wait3A_284 : memref<49152xf32, #tpu.memory_space<vmem_shared>>)
    %dma_start3A_286 = arith.constant 0 : i32
    %dma_start3A_287 = tpu.memref_slice %arg8[%add3A_186] : memref<30720000xf32, #tpu.memory_space<hbm>> -> memref<49152xf32, #tpu.memory_space<hbm>>
    %dma_start3A_288 = arith.constant 0 : i32
    %dma_start3A_289 = tpu.memref_slice %arg11[%arg1, %dma_start3A_286, %dma_start3A_288] : memref<16x2x49152xf32, #tpu.memory_space<vmem_shared>> -> memref<1x1x49152xf32, #tpu.memory_space<vmem_shared>>
    %dma_start3A_290 = tpu.memref_squeeze %dma_start3A_289 : memref<1x1x49152xf32, #tpu.memory_space<vmem_shared>> -> memref<49152xf32, #tpu.memory_space<vmem_shared>>
    tpu.enqueue_dma source(%dma_start3A_290 : memref<49152xf32, #tpu.memory_space<vmem_shared>>) target(%dma_start3A_287 : memref<49152xf32, #tpu.memory_space<hbm>>) target_semaphore(%arg15 : memref<!tpu.dma_semaphore, #tpu.memory_space<semaphore_mem>>)
    %dma_wait3A_291 = arith.constant 1 : i32
    %dma_wait3A_292 = tpu.memref_slice %arg8[%add3A_184] : memref<30720000xf32, #tpu.memory_space<hbm>> -> memref<49152xf32, #tpu.memory_space<hbm>>
    %dma_wait3A_293 = arith.constant 0 : i32
    %dma_wait3A_294 = tpu.memref_slice %arg11[%arg1, %dma_wait3A_291, %dma_wait3A_293] : memref<16x2x49152xf32, #tpu.memory_space<vmem_shared>> -> memref<1x1x49152xf32, #tpu.memory_space<vmem_shared>>
    %dma_wait3A_295 = tpu.memref_squeeze %dma_wait3A_294 : memref<1x1x49152xf32, #tpu.memory_space<vmem_shared>> -> memref<49152xf32, #tpu.memory_space<vmem_shared>>
    tpu.wait_dma2 semaphore(%arg16 : memref<!tpu.dma_semaphore, #tpu.memory_space<semaphore_mem>>) src(%dma_wait3A_295 : memref<49152xf32, #tpu.memory_space<vmem_shared>>) dst(%dma_wait3A_292 : memref<49152xf32, #tpu.memory_space<hbm>>)
    %dma_start3A_296 = arith.constant 1 : i32
    %dma_start3A_297 = arith.constant 0 : i32
    %dma_start3A_298 = tpu.memref_slice %arg11[%arg1, %dma_start3A_296, %dma_start3A_297] : memref<16x2x49152xf32, #tpu.memory_space<vmem_shared>> -> memref<1x1x49152xf32, #tpu.memory_space<vmem_shared>>
    %dma_start3A_299 = tpu.memref_squeeze %dma_start3A_298 : memref<1x1x49152xf32, #tpu.memory_space<vmem_shared>> -> memref<49152xf32, #tpu.memory_space<vmem_shared>>
    %dma_start3A_300 = tpu.memref_slice %arg5[%add3A_188] : memref<30720000xf32, #tpu.memory_space<hbm>> -> memref<49152xf32, #tpu.memory_space<hbm>>
    tpu.enqueue_dma source(%dma_start3A_300 : memref<49152xf32, #tpu.memory_space<hbm>>) target(%dma_start3A_299 : memref<49152xf32, #tpu.memory_space<vmem_shared>>) target_semaphore(%arg16 : memref<!tpu.dma_semaphore, #tpu.memory_space<semaphore_mem>>)
    %dma_wait3A_301 = arith.constant 1 : i32
    %dma_wait3A_302 = arith.constant 0 : i32
    %dma_wait3A_303 = tpu.memref_slice %arg11[%arg1, %dma_wait3A_301, %dma_wait3A_302] : memref<16x2x49152xf32, #tpu.memory_space<vmem_shared>> -> memref<1x1x49152xf32, #tpu.memory_space<vmem_shared>>
    %dma_wait3A_304 = tpu.memref_squeeze %dma_wait3A_303 : memref<1x1x49152xf32, #tpu.memory_space<vmem_shared>> -> memref<49152xf32, #tpu.memory_space<vmem_shared>>
    %dma_wait3A_305 = tpu.memref_slice %arg5[%add3A_188] : memref<30720000xf32, #tpu.memory_space<hbm>> -> memref<49152xf32, #tpu.memory_space<hbm>>
    tpu.wait_dma2 semaphore(%arg16 : memref<!tpu.dma_semaphore, #tpu.memory_space<semaphore_mem>>) src(%dma_wait3A_305 : memref<49152xf32, #tpu.memory_space<hbm>>) dst(%dma_wait3A_304 : memref<49152xf32, #tpu.memory_space<vmem_shared>>)
    %dma_start3A_306 = arith.constant 1 : i32
    %dma_start3A_307 = tpu.memref_slice %arg8[%add3A_188] : memref<30720000xf32, #tpu.memory_space<hbm>> -> memref<49152xf32, #tpu.memory_space<hbm>>
    %dma_start3A_308 = arith.constant 0 : i32
    %dma_start3A_309 = tpu.memref_slice %arg11[%arg1, %dma_start3A_306, %dma_start3A_308] : memref<16x2x49152xf32, #tpu.memory_space<vmem_shared>> -> memref<1x1x49152xf32, #tpu.memory_space<vmem_shared>>
    %dma_start3A_310 = tpu.memref_squeeze %dma_start3A_309 : memref<1x1x49152xf32, #tpu.memory_space<vmem_shared>> -> memref<49152xf32, #tpu.memory_space<vmem_shared>>
    tpu.enqueue_dma source(%dma_start3A_310 : memref<49152xf32, #tpu.memory_space<vmem_shared>>) target(%dma_start3A_307 : memref<49152xf32, #tpu.memory_space<hbm>>) target_semaphore(%arg16 : memref<!tpu.dma_semaphore, #tpu.memory_space<semaphore_mem>>)
    %dma_wait3A_311 = arith.constant 0 : i32
    %dma_wait3A_312 = tpu.memref_slice %arg8[%add3A_186] : memref<30720000xf32, #tpu.memory_space<hbm>> -> memref<49152xf32, #tpu.memory_space<hbm>>
    %dma_wait3A_313 = arith.constant 0 : i32
    %dma_wait3A_314 = tpu.memref_slice %arg11[%arg1, %dma_wait3A_311, %dma_wait3A_313] : memref<16x2x49152xf32, #tpu.memory_space<vmem_shared>> -> memref<1x1x49152xf32, #tpu.memory_space<vmem_shared>>
    %dma_wait3A_315 = tpu.memref_squeeze %dma_wait3A_314 : memref<1x1x49152xf32, #tpu.memory_space<vmem_shared>> -> memref<49152xf32, #tpu.memory_space<vmem_shared>>
    tpu.wait_dma2 semaphore(%arg15 : memref<!tpu.dma_semaphore, #tpu.memory_space<semaphore_mem>>) src(%dma_wait3A_315 : memref<49152xf32, #tpu.memory_space<vmem_shared>>) dst(%dma_wait3A_312 : memref<49152xf32, #tpu.memory_space<hbm>>)
    %dma_start3A_316 = arith.constant 0 : i32
    %dma_start3A_317 = arith.constant 0 : i32
    %dma_start3A_318 = tpu.memref_slice %arg11[%arg1, %dma_start3A_316, %dma_start3A_317] : memref<16x2x49152xf32, #tpu.memory_space<vmem_shared>> -> memref<1x1x49152xf32, #tpu.memory_space<vmem_shared>>
    %dma_start3A_319 = tpu.memref_squeeze %dma_start3A_318 : memref<1x1x49152xf32, #tpu.memory_space<vmem_shared>> -> memref<49152xf32, #tpu.memory_space<vmem_shared>>
    %dma_start3A_320 = tpu.memref_slice %arg5[%add3A_190] : memref<30720000xf32, #tpu.memory_space<hbm>> -> memref<49152xf32, #tpu.memory_space<hbm>>
    tpu.enqueue_dma source(%dma_start3A_320 : memref<49152xf32, #tpu.memory_space<hbm>>) target(%dma_start3A_319 : memref<49152xf32, #tpu.memory_space<vmem_shared>>) target_semaphore(%arg15 : memref<!tpu.dma_semaphore, #tpu.memory_space<semaphore_mem>>)
    %dma_wait3A_321 = arith.constant 0 : i32
    %dma_wait3A_322 = arith.constant 0 : i32
    %dma_wait3A_323 = tpu.memref_slice %arg11[%arg1, %dma_wait3A_321, %dma_wait3A_322] : memref<16x2x49152xf32, #tpu.memory_space<vmem_shared>> -> memref<1x1x49152xf32, #tpu.memory_space<vmem_shared>>
    %dma_wait3A_324 = tpu.memref_squeeze %dma_wait3A_323 : memref<1x1x49152xf32, #tpu.memory_space<vmem_shared>> -> memref<49152xf32, #tpu.memory_space<vmem_shared>>
    %dma_wait3A_325 = tpu.memref_slice %arg5[%add3A_190] : memref<30720000xf32, #tpu.memory_space<hbm>> -> memref<49152xf32, #tpu.memory_space<hbm>>
    tpu.wait_dma2 semaphore(%arg15 : memref<!tpu.dma_semaphore, #tpu.memory_space<semaphore_mem>>) src(%dma_wait3A_325 : memref<49152xf32, #tpu.memory_space<hbm>>) dst(%dma_wait3A_324 : memref<49152xf32, #tpu.memory_space<vmem_shared>>)
    %dma_start3A_326 = arith.constant 0 : i32
    %dma_start3A_327 = tpu.memref_slice %arg8[%add3A_190] : memref<30720000xf32, #tpu.memory_space<hbm>> -> memref<49152xf32, #tpu.memory_space<hbm>>
    %dma_start3A_328 = arith.constant 0 : i32
    %dma_start3A_329 = tpu.memref_slice %arg11[%arg1, %dma_start3A_326, %dma_start3A_328] : memref<16x2x49152xf32, #tpu.memory_space<vmem_shared>> -> memref<1x1x49152xf32, #tpu.memory_space<vmem_shared>>
    %dma_start3A_330 = tpu.memref_squeeze %dma_start3A_329 : memref<1x1x49152xf32, #tpu.memory_space<vmem_shared>> -> memref<49152xf32, #tpu.memory_space<vmem_shared>>
    tpu.enqueue_dma source(%dma_start3A_330 : memref<49152xf32, #tpu.memory_space<vmem_shared>>) target(%dma_start3A_327 : memref<49152xf32, #tpu.memory_space<hbm>>) target_semaphore(%arg15 : memref<!tpu.dma_semaphore, #tpu.memory_space<semaphore_mem>>)
    %dma_wait3A_331 = arith.constant 1 : i32
    %dma_wait3A_332 = tpu.memref_slice %arg8[%add3A_188] : memref<30720000xf32, #tpu.memory_space<hbm>> -> memref<49152xf32, #tpu.memory_space<hbm>>
    %dma_wait3A_333 = arith.constant 0 : i32
    %dma_wait3A_334 = tpu.memref_slice %arg11[%arg1, %dma_wait3A_331, %dma_wait3A_333] : memref<16x2x49152xf32, #tpu.memory_space<vmem_shared>> -> memref<1x1x49152xf32, #tpu.memory_space<vmem_shared>>
    %dma_wait3A_335 = tpu.memref_squeeze %dma_wait3A_334 : memref<1x1x49152xf32, #tpu.memory_space<vmem_shared>> -> memref<49152xf32, #tpu.memory_space<vmem_shared>>
    tpu.wait_dma2 semaphore(%arg16 : memref<!tpu.dma_semaphore, #tpu.memory_space<semaphore_mem>>) src(%dma_wait3A_335 : memref<49152xf32, #tpu.memory_space<vmem_shared>>) dst(%dma_wait3A_332 : memref<49152xf32, #tpu.memory_space<hbm>>)
    %dma_start3A_336 = arith.constant 1 : i32
    %dma_start3A_337 = arith.constant 0 : i32
    %dma_start3A_338 = tpu.memref_slice %arg11[%arg1, %dma_start3A_336, %dma_start3A_337] : memref<16x2x49152xf32, #tpu.memory_space<vmem_shared>> -> memref<1x1x49152xf32, #tpu.memory_space<vmem_shared>>
    %dma_start3A_339 = tpu.memref_squeeze %dma_start3A_338 : memref<1x1x49152xf32, #tpu.memory_space<vmem_shared>> -> memref<49152xf32, #tpu.memory_space<vmem_shared>>
    %dma_start3A_340 = tpu.memref_slice %arg5[%add3A_192] : memref<30720000xf32, #tpu.memory_space<hbm>> -> memref<49152xf32, #tpu.memory_space<hbm>>
    tpu.enqueue_dma source(%dma_start3A_340 : memref<49152xf32, #tpu.memory_space<hbm>>) target(%dma_start3A_339 : memref<49152xf32, #tpu.memory_space<vmem_shared>>) target_semaphore(%arg16 : memref<!tpu.dma_semaphore, #tpu.memory_space<semaphore_mem>>)
    %dma_wait3A_341 = arith.constant 1 : i32
    %dma_wait3A_342 = arith.constant 0 : i32
    %dma_wait3A_343 = tpu.memref_slice %arg11[%arg1, %dma_wait3A_341, %dma_wait3A_342] : memref<16x2x49152xf32, #tpu.memory_space<vmem_shared>> -> memref<1x1x49152xf32, #tpu.memory_space<vmem_shared>>
    %dma_wait3A_344 = tpu.memref_squeeze %dma_wait3A_343 : memref<1x1x49152xf32, #tpu.memory_space<vmem_shared>> -> memref<49152xf32, #tpu.memory_space<vmem_shared>>
    %dma_wait3A_345 = tpu.memref_slice %arg5[%add3A_192] : memref<30720000xf32, #tpu.memory_space<hbm>> -> memref<49152xf32, #tpu.memory_space<hbm>>
    tpu.wait_dma2 semaphore(%arg16 : memref<!tpu.dma_semaphore, #tpu.memory_space<semaphore_mem>>) src(%dma_wait3A_345 : memref<49152xf32, #tpu.memory_space<hbm>>) dst(%dma_wait3A_344 : memref<49152xf32, #tpu.memory_space<vmem_shared>>)
    %dma_start3A_346 = arith.constant 1 : i32
    %dma_start3A_347 = tpu.memref_slice %arg8[%add3A_192] : memref<30720000xf32, #tpu.memory_space<hbm>> -> memref<49152xf32, #tpu.memory_space<hbm>>
    %dma_start3A_348 = arith.constant 0 : i32
    %dma_start3A_349 = tpu.memref_slice %arg11[%arg1, %dma_start3A_346, %dma_start3A_348] : memref<16x2x49152xf32, #tpu.memory_space<vmem_shared>> -> memref<1x1x49152xf32, #tpu.memory_space<vmem_shared>>
    %dma_start3A_350 = tpu.memref_squeeze %dma_start3A_349 : memref<1x1x49152xf32, #tpu.memory_space<vmem_shared>> -> memref<49152xf32, #tpu.memory_space<vmem_shared>>
    tpu.enqueue_dma source(%dma_start3A_350 : memref<49152xf32, #tpu.memory_space<vmem_shared>>) target(%dma_start3A_347 : memref<49152xf32, #tpu.memory_space<hbm>>) target_semaphore(%arg16 : memref<!tpu.dma_semaphore, #tpu.memory_space<semaphore_mem>>)
    %dma_wait3A_351 = arith.constant 0 : i32
    %dma_wait3A_352 = tpu.memref_slice %arg8[%add3A_190] : memref<30720000xf32, #tpu.memory_space<hbm>> -> memref<49152xf32, #tpu.memory_space<hbm>>
    %dma_wait3A_353 = arith.constant 0 : i32
    %dma_wait3A_354 = tpu.memref_slice %arg11[%arg1, %dma_wait3A_351, %dma_wait3A_353] : memref<16x2x49152xf32, #tpu.memory_space<vmem_shared>> -> memref<1x1x49152xf32, #tpu.memory_space<vmem_shared>>
    %dma_wait3A_355 = tpu.memref_squeeze %dma_wait3A_354 : memref<1x1x49152xf32, #tpu.memory_space<vmem_shared>> -> memref<49152xf32, #tpu.memory_space<vmem_shared>>
    tpu.wait_dma2 semaphore(%arg15 : memref<!tpu.dma_semaphore, #tpu.memory_space<semaphore_mem>>) src(%dma_wait3A_355 : memref<49152xf32, #tpu.memory_space<vmem_shared>>) dst(%dma_wait3A_352 : memref<49152xf32, #tpu.memory_space<hbm>>)
    %dma_start3A_356 = arith.constant 0 : i32
    %dma_start3A_357 = arith.constant 0 : i32
    %dma_start3A_358 = tpu.memref_slice %arg11[%arg1, %dma_start3A_356, %dma_start3A_357] : memref<16x2x49152xf32, #tpu.memory_space<vmem_shared>> -> memref<1x1x49152xf32, #tpu.memory_space<vmem_shared>>
    %dma_start3A_359 = tpu.memref_squeeze %dma_start3A_358 : memref<1x1x49152xf32, #tpu.memory_space<vmem_shared>> -> memref<49152xf32, #tpu.memory_space<vmem_shared>>
    %dma_start3A_360 = tpu.memref_slice %arg5[%add3A_194] : memref<30720000xf32, #tpu.memory_space<hbm>> -> memref<49152xf32, #tpu.memory_space<hbm>>
    tpu.enqueue_dma source(%dma_start3A_360 : memref<49152xf32, #tpu.memory_space<hbm>>) target(%dma_start3A_359 : memref<49152xf32, #tpu.memory_space<vmem_shared>>) target_semaphore(%arg15 : memref<!tpu.dma_semaphore, #tpu.memory_space<semaphore_mem>>)
    %dma_wait3A_361 = arith.constant 0 : i32
    %dma_wait3A_362 = arith.constant 0 : i32
    %dma_wait3A_363 = tpu.memref_slice %arg11[%arg1, %dma_wait3A_361, %dma_wait3A_362] : memref<16x2x49152xf32, #tpu.memory_space<vmem_shared>> -> memref<1x1x49152xf32, #tpu.memory_space<vmem_shared>>
    %dma_wait3A_364 = tpu.memref_squeeze %dma_wait3A_363 : memref<1x1x49152xf32, #tpu.memory_space<vmem_shared>> -> memref<49152xf32, #tpu.memory_space<vmem_shared>>
    %dma_wait3A_365 = tpu.memref_slice %arg5[%add3A_194] : memref<30720000xf32, #tpu.memory_space<hbm>> -> memref<49152xf32, #tpu.memory_space<hbm>>
    tpu.wait_dma2 semaphore(%arg15 : memref<!tpu.dma_semaphore, #tpu.memory_space<semaphore_mem>>) src(%dma_wait3A_365 : memref<49152xf32, #tpu.memory_space<hbm>>) dst(%dma_wait3A_364 : memref<49152xf32, #tpu.memory_space<vmem_shared>>)
    %dma_start3A_366 = arith.constant 0 : i32
    %dma_start3A_367 = tpu.memref_slice %arg8[%add3A_194] : memref<30720000xf32, #tpu.memory_space<hbm>> -> memref<49152xf32, #tpu.memory_space<hbm>>
    %dma_start3A_368 = arith.constant 0 : i32
    %dma_start3A_369 = tpu.memref_slice %arg11[%arg1, %dma_start3A_366, %dma_start3A_368] : memref<16x2x49152xf32, #tpu.memory_space<vmem_shared>> -> memref<1x1x49152xf32, #tpu.memory_space<vmem_shared>>
    %dma_start3A_370 = tpu.memref_squeeze %dma_start3A_369 : memref<1x1x49152xf32, #tpu.memory_space<vmem_shared>> -> memref<49152xf32, #tpu.memory_space<vmem_shared>>
    tpu.enqueue_dma source(%dma_start3A_370 : memref<49152xf32, #tpu.memory_space<vmem_shared>>) target(%dma_start3A_367 : memref<49152xf32, #tpu.memory_space<hbm>>) target_semaphore(%arg15 : memref<!tpu.dma_semaphore, #tpu.memory_space<semaphore_mem>>)
    %dma_wait3A_371 = arith.constant 1 : i32
    %dma_wait3A_372 = tpu.memref_slice %arg8[%add3A_192] : memref<30720000xf32, #tpu.memory_space<hbm>> -> memref<49152xf32, #tpu.memory_space<hbm>>
    %dma_wait3A_373 = arith.constant 0 : i32
    %dma_wait3A_374 = tpu.memref_slice %arg11[%arg1, %dma_wait3A_371, %dma_wait3A_373] : memref<16x2x49152xf32, #tpu.memory_space<vmem_shared>> -> memref<1x1x49152xf32, #tpu.memory_space<vmem_shared>>
    %dma_wait3A_375 = tpu.memref_squeeze %dma_wait3A_374 : memref<1x1x49152xf32, #tpu.memory_space<vmem_shared>> -> memref<49152xf32, #tpu.memory_space<vmem_shared>>
    tpu.wait_dma2 semaphore(%arg16 : memref<!tpu.dma_semaphore, #tpu.memory_space<semaphore_mem>>) src(%dma_wait3A_375 : memref<49152xf32, #tpu.memory_space<vmem_shared>>) dst(%dma_wait3A_372 : memref<49152xf32, #tpu.memory_space<hbm>>)
    %dma_start3A_376 = arith.constant 1 : i32
    %dma_start3A_377 = arith.constant 0 : i32
    %dma_start3A_378 = tpu.memref_slice %arg11[%arg1, %dma_start3A_376, %dma_start3A_377] : memref<16x2x49152xf32, #tpu.memory_space<vmem_shared>> -> memref<1x1x49152xf32, #tpu.memory_space<vmem_shared>>
    %dma_start3A_379 = tpu.memref_squeeze %dma_start3A_378 : memref<1x1x49152xf32, #tpu.memory_space<vmem_shared>> -> memref<49152xf32, #tpu.memory_space<vmem_shared>>
    %dma_start3A_380 = tpu.memref_slice %arg5[%add3A_196] : memref<30720000xf32, #tpu.memory_space<hbm>> -> memref<49152xf32, #tpu.memory_space<hbm>>
    tpu.enqueue_dma source(%dma_start3A_380 : memref<49152xf32, #tpu.memory_space<hbm>>) target(%dma_start3A_379 : memref<49152xf32, #tpu.memory_space<vmem_shared>>) target_semaphore(%arg16 : memref<!tpu.dma_semaphore, #tpu.memory_space<semaphore_mem>>)
    %dma_wait3A_381 = arith.constant 1 : i32
    %dma_wait3A_382 = arith.constant 0 : i32
    %dma_wait3A_383 = tpu.memref_slice %arg11[%arg1, %dma_wait3A_381, %dma_wait3A_382] : memref<16x2x49152xf32, #tpu.memory_space<vmem_shared>> -> memref<1x1x49152xf32, #tpu.memory_space<vmem_shared>>
    %dma_wait3A_384 = tpu.memref_squeeze %dma_wait3A_383 : memref<1x1x49152xf32, #tpu.memory_space<vmem_shared>> -> memref<49152xf32, #tpu.memory_space<vmem_shared>>
    %dma_wait3A_385 = tpu.memref_slice %arg5[%add3A_196] : memref<30720000xf32, #tpu.memory_space<hbm>> -> memref<49152xf32, #tpu.memory_space<hbm>>
    tpu.wait_dma2 semaphore(%arg16 : memref<!tpu.dma_semaphore, #tpu.memory_space<semaphore_mem>>) src(%dma_wait3A_385 : memref<49152xf32, #tpu.memory_space<hbm>>) dst(%dma_wait3A_384 : memref<49152xf32, #tpu.memory_space<vmem_shared>>)
    %dma_start3A_386 = arith.constant 1 : i32
    %dma_start3A_387 = tpu.memref_slice %arg8[%add3A_196] : memref<30720000xf32, #tpu.memory_space<hbm>> -> memref<49152xf32, #tpu.memory_space<hbm>>
    %dma_start3A_388 = arith.constant 0 : i32
    %dma_start3A_389 = tpu.memref_slice %arg11[%arg1, %dma_start3A_386, %dma_start3A_388] : memref<16x2x49152xf32, #tpu.memory_space<vmem_shared>> -> memref<1x1x49152xf32, #tpu.memory_space<vmem_shared>>
    %dma_start3A_390 = tpu.memref_squeeze %dma_start3A_389 : memref<1x1x49152xf32, #tpu.memory_space<vmem_shared>> -> memref<49152xf32, #tpu.memory_space<vmem_shared>>
    tpu.enqueue_dma source(%dma_start3A_390 : memref<49152xf32, #tpu.memory_space<vmem_shared>>) target(%dma_start3A_387 : memref<49152xf32, #tpu.memory_space<hbm>>) target_semaphore(%arg16 : memref<!tpu.dma_semaphore, #tpu.memory_space<semaphore_mem>>)
    %dma_wait3A_391 = arith.constant 0 : i32
    %dma_wait3A_392 = tpu.memref_slice %arg8[%add3A_194] : memref<30720000xf32, #tpu.memory_space<hbm>> -> memref<49152xf32, #tpu.memory_space<hbm>>
    %dma_wait3A_393 = arith.constant 0 : i32
    %dma_wait3A_394 = tpu.memref_slice %arg11[%arg1, %dma_wait3A_391, %dma_wait3A_393] : memref<16x2x49152xf32, #tpu.memory_space<vmem_shared>> -> memref<1x1x49152xf32, #tpu.memory_space<vmem_shared>>
    %dma_wait3A_395 = tpu.memref_squeeze %dma_wait3A_394 : memref<1x1x49152xf32, #tpu.memory_space<vmem_shared>> -> memref<49152xf32, #tpu.memory_space<vmem_shared>>
    tpu.wait_dma2 semaphore(%arg15 : memref<!tpu.dma_semaphore, #tpu.memory_space<semaphore_mem>>) src(%dma_wait3A_395 : memref<49152xf32, #tpu.memory_space<vmem_shared>>) dst(%dma_wait3A_392 : memref<49152xf32, #tpu.memory_space<hbm>>)
    %dma_start3A_396 = arith.constant 0 : i32
    %dma_start3A_397 = arith.constant 0 : i32
    %dma_start3A_398 = tpu.memref_slice %arg11[%arg1, %dma_start3A_396, %dma_start3A_397] : memref<16x2x49152xf32, #tpu.memory_space<vmem_shared>> -> memref<1x1x49152xf32, #tpu.memory_space<vmem_shared>>
    %dma_start3A_399 = tpu.memref_squeeze %dma_start3A_398 : memref<1x1x49152xf32, #tpu.memory_space<vmem_shared>> -> memref<49152xf32, #tpu.memory_space<vmem_shared>>
    %dma_start3A_400 = tpu.memref_slice %arg5[%add3A_198] : memref<30720000xf32, #tpu.memory_space<hbm>> -> memref<49152xf32, #tpu.memory_space<hbm>>
    tpu.enqueue_dma source(%dma_start3A_400 : memref<49152xf32, #tpu.memory_space<hbm>>) target(%dma_start3A_399 : memref<49152xf32, #tpu.memory_space<vmem_shared>>) target_semaphore(%arg15 : memref<!tpu.dma_semaphore, #tpu.memory_space<semaphore_mem>>)
    %dma_wait3A_401 = arith.constant 0 : i32
    %dma_wait3A_402 = arith.constant 0 : i32
    %dma_wait3A_403 = tpu.memref_slice %arg11[%arg1, %dma_wait3A_401, %dma_wait3A_402] : memref<16x2x49152xf32, #tpu.memory_space<vmem_shared>> -> memref<1x1x49152xf32, #tpu.memory_space<vmem_shared>>
    %dma_wait3A_404 = tpu.memref_squeeze %dma_wait3A_403 : memref<1x1x49152xf32, #tpu.memory_space<vmem_shared>> -> memref<49152xf32, #tpu.memory_space<vmem_shared>>
    %dma_wait3A_405 = tpu.memref_slice %arg5[%add3A_198] : memref<30720000xf32, #tpu.memory_space<hbm>> -> memref<49152xf32, #tpu.memory_space<hbm>>
    tpu.wait_dma2 semaphore(%arg15 : memref<!tpu.dma_semaphore, #tpu.memory_space<semaphore_mem>>) src(%dma_wait3A_405 : memref<49152xf32, #tpu.memory_space<hbm>>) dst(%dma_wait3A_404 : memref<49152xf32, #tpu.memory_space<vmem_shared>>)
    %dma_start3A_406 = arith.constant 0 : i32
    %dma_start3A_407 = tpu.memref_slice %arg8[%add3A_198] : memref<30720000xf32, #tpu.memory_space<hbm>> -> memref<49152xf32, #tpu.memory_space<hbm>>
    %dma_start3A_408 = arith.constant 0 : i32
    %dma_start3A_409 = tpu.memref_slice %arg11[%arg1, %dma_start3A_406, %dma_start3A_408] : memref<16x2x49152xf32, #tpu.memory_space<vmem_shared>> -> memref<1x1x49152xf32, #tpu.memory_space<vmem_shared>>
    %dma_start3A_410 = tpu.memref_squeeze %dma_start3A_409 : memref<1x1x49152xf32, #tpu.memory_space<vmem_shared>> -> memref<49152xf32, #tpu.memory_space<vmem_shared>>
    tpu.enqueue_dma source(%dma_start3A_410 : memref<49152xf32, #tpu.memory_space<vmem_shared>>) target(%dma_start3A_407 : memref<49152xf32, #tpu.memory_space<hbm>>) target_semaphore(%arg15 : memref<!tpu.dma_semaphore, #tpu.memory_space<semaphore_mem>>)
    %dma_wait3A_411 = arith.constant 1 : i32
    %dma_wait3A_412 = tpu.memref_slice %arg8[%add3A_196] : memref<30720000xf32, #tpu.memory_space<hbm>> -> memref<49152xf32, #tpu.memory_space<hbm>>
    %dma_wait3A_413 = arith.constant 0 : i32
    %dma_wait3A_414 = tpu.memref_slice %arg11[%arg1, %dma_wait3A_411, %dma_wait3A_413] : memref<16x2x49152xf32, #tpu.memory_space<vmem_shared>> -> memref<1x1x49152xf32, #tpu.memory_space<vmem_shared>>
    %dma_wait3A_415 = tpu.memref_squeeze %dma_wait3A_414 : memref<1x1x49152xf32, #tpu.memory_space<vmem_shared>> -> memref<49152xf32, #tpu.memory_space<vmem_shared>>
    tpu.wait_dma2 semaphore(%arg16 : memref<!tpu.dma_semaphore, #tpu.memory_space<semaphore_mem>>) src(%dma_wait3A_415 : memref<49152xf32, #tpu.memory_space<vmem_shared>>) dst(%dma_wait3A_412 : memref<49152xf32, #tpu.memory_space<hbm>>)
    %dma_start3A_416 = arith.constant 1 : i32
    %dma_start3A_417 = arith.constant 0 : i32
    %dma_start3A_418 = tpu.memref_slice %arg11[%arg1, %dma_start3A_416, %dma_start3A_417] : memref<16x2x49152xf32, #tpu.memory_space<vmem_shared>> -> memref<1x1x26112xf32, #tpu.memory_space<vmem_shared>>
    %dma_start3A_419 = tpu.memref_squeeze %dma_start3A_418 : memref<1x1x26112xf32, #tpu.memory_space<vmem_shared>> -> memref<26112xf32, #tpu.memory_space<vmem_shared>>
    %dma_start3A_420 = tpu.memref_slice %arg5[%add3A_200] : memref<30720000xf32, #tpu.memory_space<hbm>> -> memref<26112xf32, #tpu.memory_space<hbm>>
    tpu.enqueue_dma source(%dma_start3A_420 : memref<26112xf32, #tpu.memory_space<hbm>>) target(%dma_start3A_419 : memref<26112xf32, #tpu.memory_space<vmem_shared>>) target_semaphore(%arg16 : memref<!tpu.dma_semaphore, #tpu.memory_space<semaphore_mem>>)
    %dma_wait3A_421 = arith.constant 1 : i32
    %dma_wait3A_422 = arith.constant 0 : i32
    %dma_wait3A_423 = tpu.memref_slice %arg11[%arg1, %dma_wait3A_421, %dma_wait3A_422] : memref<16x2x49152xf32, #tpu.memory_space<vmem_shared>> -> memref<1x1x26112xf32, #tpu.memory_space<vmem_shared>>
    %dma_wait3A_424 = tpu.memref_squeeze %dma_wait3A_423 : memref<1x1x26112xf32, #tpu.memory_space<vmem_shared>> -> memref<26112xf32, #tpu.memory_space<vmem_shared>>
    %dma_wait3A_425 = tpu.memref_slice %arg5[%add3A_200] : memref<30720000xf32, #tpu.memory_space<hbm>> -> memref<26112xf32, #tpu.memory_space<hbm>>
    tpu.wait_dma2 semaphore(%arg16 : memref<!tpu.dma_semaphore, #tpu.memory_space<semaphore_mem>>) src(%dma_wait3A_425 : memref<26112xf32, #tpu.memory_space<hbm>>) dst(%dma_wait3A_424 : memref<26112xf32, #tpu.memory_space<vmem_shared>>)
    %dma_start3A_426 = arith.constant 1 : i32
    %dma_start3A_427 = tpu.memref_slice %arg8[%add3A_200] : memref<30720000xf32, #tpu.memory_space<hbm>> -> memref<26112xf32, #tpu.memory_space<hbm>>
    %dma_start3A_428 = arith.constant 0 : i32
    %dma_start3A_429 = tpu.memref_slice %arg11[%arg1, %dma_start3A_426, %dma_start3A_428] : memref<16x2x49152xf32, #tpu.memory_space<vmem_shared>> -> memref<1x1x26112xf32, #tpu.memory_space<vmem_shared>>
    %dma_start3A_430 = tpu.memref_squeeze %dma_start3A_429 : memref<1x1x26112xf32, #tpu.memory_space<vmem_shared>> -> memref<26112xf32, #tpu.memory_space<vmem_shared>>
    tpu.enqueue_dma source(%dma_start3A_430 : memref<26112xf32, #tpu.memory_space<vmem_shared>>) target(%dma_start3A_427 : memref<26112xf32, #tpu.memory_space<hbm>>) target_semaphore(%arg16 : memref<!tpu.dma_semaphore, #tpu.memory_space<semaphore_mem>>)
    %dma_wait3A_431 = arith.constant 0 : i32
    %dma_wait3A_432 = tpu.memref_slice %arg8[%add3A_198] : memref<30720000xf32, #tpu.memory_space<hbm>> -> memref<49152xf32, #tpu.memory_space<hbm>>
    %dma_wait3A_433 = arith.constant 0 : i32
    %dma_wait3A_434 = tpu.memref_slice %arg11[%arg1, %dma_wait3A_431, %dma_wait3A_433] : memref<16x2x49152xf32, #tpu.memory_space<vmem_shared>> -> memref<1x1x49152xf32, #tpu.memory_space<vmem_shared>>
    %dma_wait3A_435 = tpu.memref_squeeze %dma_wait3A_434 : memref<1x1x49152xf32, #tpu.memory_space<vmem_shared>> -> memref<49152xf32, #tpu.memory_space<vmem_shared>>
    tpu.wait_dma2 semaphore(%arg15 : memref<!tpu.dma_semaphore, #tpu.memory_space<semaphore_mem>>) src(%dma_wait3A_435 : memref<49152xf32, #tpu.memory_space<vmem_shared>>) dst(%dma_wait3A_432 : memref<49152xf32, #tpu.memory_space<hbm>>)
    %dma_wait3A_436 = arith.constant 1 : i32
    %dma_wait3A_437 = tpu.memref_slice %arg8[%add3A_200] : memref<30720000xf32, #tpu.memory_space<hbm>> -> memref<26112xf32, #tpu.memory_space<hbm>>
    %dma_wait3A_438 = arith.constant 0 : i32
    %dma_wait3A_439 = tpu.memref_slice %arg11[%arg1, %dma_wait3A_436, %dma_wait3A_438] : memref<16x2x49152xf32, #tpu.memory_space<vmem_shared>> -> memref<1x1x26112xf32, #tpu.memory_space<vmem_shared>>
    %dma_wait3A_440 = tpu.memref_squeeze %dma_wait3A_439 : memref<1x1x26112xf32, #tpu.memory_space<vmem_shared>> -> memref<26112xf32, #tpu.memory_space<vmem_shared>>
    tpu.wait_dma2 semaphore(%arg16 : memref<!tpu.dma_semaphore, #tpu.memory_space<semaphore_mem>>) src(%dma_wait3A_440 : memref<26112xf32, #tpu.memory_space<vmem_shared>>) dst(%dma_wait3A_437 : memref<26112xf32, #tpu.memory_space<hbm>>)
    %eq3A = arith.constant 30 : i32
    %eq3A_441 = arith.cmpi eq, %add3A, %eq3A : i32
    %convert_element_type3A = arith.extui %eq3A_441 : i1 to i32
    %cond3A = arith.constant 0 : i32
    %cond3A_442 = arith.cmpi ne, %convert_element_type3A, %cond3A : i32
    scf.if %cond3A_442 {
      tpu.enqueue_dma source(%arg3 : memref<4096xi32, #tpu.memory_space<hbm>>) target(%arg12 : memref<4096xi32, #tpu.memory_space<vmem>>) target_semaphore(%arg15 : memref<!tpu.dma_semaphore, #tpu.memory_space<semaphore_mem>>)
      %dma_start3A_448 = arith.constant 4096 : i32
      %dma_start3A_449 = tpu.memref_slice %arg6[%dma_start3A_448] : memref<10000xi32, #tpu.memory_space<hbm>> -> memref<5904xi32, #tpu.memory_space<hbm>>
      %dma_start3A_450 = arith.constant 4096 : i32
      %dma_start3A_451 = tpu.memref_slice %arg6[%dma_start3A_450] : memref<10000xi32, #tpu.memory_space<hbm>> -> memref<5904xi32, #tpu.memory_space<hbm>>
      tpu.enqueue_dma source(%dma_start3A_451 : memref<5904xi32, #tpu.memory_space<hbm>>) target(%arg13 : memref<5904xi32, #tpu.memory_space<vmem>>) target_semaphore(%arg16 : memref<!tpu.dma_semaphore, #tpu.memory_space<semaphore_mem>>)
      tpu.wait_dma2 semaphore(%arg15 : memref<!tpu.dma_semaphore, #tpu.memory_space<semaphore_mem>>) src(%arg3 : memref<4096xi32, #tpu.memory_space<hbm>>) dst(%arg12 : memref<4096xi32, #tpu.memory_space<vmem>>)
      %dma_start3A_452 = arith.constant 0 : i32
      %dma_start3A_453 = tpu.memref_slice %arg9[%dma_start3A_452] : memref<10000xi32, #tpu.memory_space<hbm>> -> memref<4096xi32, #tpu.memory_space<hbm>>
      %dma_start3A_454 = arith.constant 0 : i32
      %dma_start3A_455 = tpu.memref_slice %arg9[%dma_start3A_454] : memref<10000xi32, #tpu.memory_space<hbm>> -> memref<4096xi32, #tpu.memory_space<hbm>>
      tpu.enqueue_dma source(%arg12 : memref<4096xi32, #tpu.memory_space<vmem>>) target(%dma_start3A_455 : memref<4096xi32, #tpu.memory_space<hbm>>) target_semaphore(%arg15 : memref<!tpu.dma_semaphore, #tpu.memory_space<semaphore_mem>>)
      %dma_wait3A_456 = arith.constant 0 : i32
      %dma_wait3A_457 = tpu.memref_slice %arg9[%dma_wait3A_456] : memref<10000xi32, #tpu.memory_space<hbm>> -> memref<4096xi32, #tpu.memory_space<hbm>>
      %dma_wait3A_458 = arith.constant 0 : i32
      %dma_wait3A_459 = tpu.memref_slice %arg9[%dma_wait3A_458] : memref<10000xi32, #tpu.memory_space<hbm>> -> memref<4096xi32, #tpu.memory_space<hbm>>
      tpu.wait_dma2 semaphore(%arg15 : memref<!tpu.dma_semaphore, #tpu.memory_space<semaphore_mem>>) src(%arg12 : memref<4096xi32, #tpu.memory_space<vmem>>) dst(%dma_wait3A_459 : memref<4096xi32, #tpu.memory_space<hbm>>)
      %dma_wait3A_460 = arith.constant 4096 : i32
      %dma_wait3A_461 = tpu.memref_slice %arg6[%dma_wait3A_460] : memref<10000xi32, #tpu.memory_space<hbm>> -> memref<5904xi32, #tpu.memory_space<hbm>>
      %dma_wait3A_462 = arith.constant 4096 : i32
      %dma_wait3A_463 = tpu.memref_slice %arg6[%dma_wait3A_462] : memref<10000xi32, #tpu.memory_space<hbm>> -> memref<5904xi32, #tpu.memory_space<hbm>>
      tpu.wait_dma2 semaphore(%arg16 : memref<!tpu.dma_semaphore, #tpu.memory_space<semaphore_mem>>) src(%dma_wait3A_463 : memref<5904xi32, #tpu.memory_space<hbm>>) dst(%arg13 : memref<5904xi32, #tpu.memory_space<vmem>>)
      %dma_start3A_464 = arith.constant 4096 : i32
      %dma_start3A_465 = tpu.memref_slice %arg9[%dma_start3A_464] : memref<10000xi32, #tpu.memory_space<hbm>> -> memref<5904xi32, #tpu.memory_space<hbm>>
      %dma_start3A_466 = arith.constant 4096 : i32
      %dma_start3A_467 = tpu.memref_slice %arg9[%dma_start3A_466] : memref<10000xi32, #tpu.memory_space<hbm>> -> memref<5904xi32, #tpu.memory_space<hbm>>
      tpu.enqueue_dma source(%arg13 : memref<5904xi32, #tpu.memory_space<vmem>>) target(%dma_start3A_467 : memref<5904xi32, #tpu.memory_space<hbm>>) target_semaphore(%arg16 : memref<!tpu.dma_semaphore, #tpu.memory_space<semaphore_mem>>)
      %dma_wait3A_468 = arith.constant 4096 : i32
      %dma_wait3A_469 = tpu.memref_slice %arg9[%dma_wait3A_468] : memref<10000xi32, #tpu.memory_space<hbm>> -> memref<5904xi32, #tpu.memory_space<hbm>>
      %dma_wait3A_470 = arith.constant 4096 : i32
      %dma_wait3A_471 = tpu.memref_slice %arg9[%dma_wait3A_470] : memref<10000xi32, #tpu.memory_space<hbm>> -> memref<5904xi32, #tpu.memory_space<hbm>>
      tpu.wait_dma2 semaphore(%arg16 : memref<!tpu.dma_semaphore, #tpu.memory_space<semaphore_mem>>) src(%arg13 : memref<5904xi32, #tpu.memory_space<vmem>>) dst(%dma_wait3A_471 : memref<5904xi32, #tpu.memory_space<hbm>>)
    } else {
    }
    %eq3A_443 = arith.constant 31 : i32
    %eq3A_444 = arith.cmpi eq, %add3A, %eq3A_443 : i32
    %convert_element_type3A_445 = arith.extui %eq3A_444 : i1 to i32
    %cond3A_446 = arith.constant 0 : i32
    %cond3A_447 = arith.cmpi ne, %convert_element_type3A_445, %cond3A_446 : i32
    scf.if %cond3A_447 {
      "tpu.region"() ({
        %run_scoped3A = tpu.sem_alloc : memref<!tpu.dma_semaphore, #tpu.memory_space<semaphore_mem>>
        tpu.enqueue_dma source(%arg4 : memref<16xi32, #tpu.memory_space<hbm>>) target(%arg14 : memref<16xi32, #tpu.memory_space<vmem>>) target_semaphore(%run_scoped3A : memref<!tpu.dma_semaphore, #tpu.memory_space<semaphore_mem>>)
        tpu.wait_dma2 semaphore(%run_scoped3A : memref<!tpu.dma_semaphore, #tpu.memory_space<semaphore_mem>>) src(%arg4 : memref<16xi32, #tpu.memory_space<hbm>>) dst(%arg14 : memref<16xi32, #tpu.memory_space<vmem>>)
        tpu.yield
      }) : () -> ()
      %dma_start3A_448 = arith.constant 4096 : i32
      %dma_start3A_449 = tpu.memref_slice %arg7[%dma_start3A_448] : memref<10000xi32, #tpu.memory_space<hbm>> -> memref<5904xi32, #tpu.memory_space<hbm>>
      %dma_start3A_450 = arith.constant 4096 : i32
      %dma_start3A_451 = tpu.memref_slice %arg7[%dma_start3A_450] : memref<10000xi32, #tpu.memory_space<hbm>> -> memref<5904xi32, #tpu.memory_space<hbm>>
      tpu.enqueue_dma source(%dma_start3A_451 : memref<5904xi32, #tpu.memory_space<hbm>>) target(%arg13 : memref<5904xi32, #tpu.memory_space<vmem>>) target_semaphore(%arg16 : memref<!tpu.dma_semaphore, #tpu.memory_space<semaphore_mem>>)
      %get3A = arith.constant 0 : index
      %get3A_452 = tpu.vector_load %arg14[%get3A] {strides = array<i32>} : memref<16xi32, #tpu.memory_space<vmem>>, vector<16xi32>,
      %get3A_453 = vector.shape_cast %get3A_452 : vector<16xi32> to vector<16xi32>
      %swap3A = arith.constant 0 : index
      %swap3A_454 = tpu.vector_load %arg12[%swap3A] {strides = array<i32>} : memref<4096xi32, #tpu.memory_space<vmem>>, vector<16xi32>,
      %swap3A_455 = vector.shape_cast %swap3A_454 : vector<16xi32> to vector<16xi32>
      %swap3A_456 = vector.shape_cast %get3A_453 : vector<16xi32> to vector<16xi32>
      tpu.vector_store %arg12[%swap3A], %swap3A_456 {strides = array<i32>} : memref<4096xi32, #tpu.memory_space<vmem>>, vector<16xi32>,
      %swap3A_457 = arith.constant 16 : index
      %swap3A_458 = tpu.vector_load %arg12[%swap3A_457] {strides = array<i32>} : memref<4096xi32, #tpu.memory_space<vmem>>, vector<16xi32>,
      %swap3A_459 = vector.shape_cast %swap3A_458 : vector<16xi32> to vector<16xi32>
      %swap3A_460 = vector.shape_cast %get3A_453 : vector<16xi32> to vector<16xi32>
      tpu.vector_store %arg12[%swap3A_457], %swap3A_460 {strides = array<i32>} : memref<4096xi32, #tpu.memory_space<vmem>>, vector<16xi32>,
      %swap3A_461 = arith.constant 32 : index
      %swap3A_462 = tpu.vector_load %arg12[%swap3A_461] {strides = array<i32>} : memref<4096xi32, #tpu.memory_space<vmem>>, vector<16xi32>,
      %swap3A_463 = vector.shape_cast %swap3A_462 : vector<16xi32> to vector<16xi32>
      %swap3A_464 = vector.shape_cast %get3A_453 : vector<16xi32> to vector<16xi32>
      tpu.vector_store %arg12[%swap3A_461], %swap3A_464 {strides = array<i32>} : memref<4096xi32, #tpu.memory_space<vmem>>, vector<16xi32>,
      %swap3A_465 = arith.constant 48 : index
      %swap3A_466 = tpu.vector_load %arg12[%swap3A_465] {strides = array<i32>} : memref<4096xi32, #tpu.memory_space<vmem>>, vector<16xi32>,
      %swap3A_467 = vector.shape_cast %swap3A_466 : vector<16xi32> to vector<16xi32>
      %swap3A_468 = vector.shape_cast %get3A_453 : vector<16xi32> to vector<16xi32>
      tpu.vector_store %arg12[%swap3A_465], %swap3A_468 {strides = array<i32>} : memref<4096xi32, #tpu.memory_space<vmem>>, vector<16xi32>,
      %swap3A_469 = arith.constant 64 : index
      %swap3A_470 = tpu.vector_load %arg12[%swap3A_469] {strides = array<i32>} : memref<4096xi32, #tpu.memory_space<vmem>>, vector<16xi32>,
      %swap3A_471 = vector.shape_cast %swap3A_470 : vector<16xi32> to vector<16xi32>
      %swap3A_472 = vector.shape_cast %get3A_453 : vector<16xi32> to vector<16xi32>
      tpu.vector_store %arg12[%swap3A_469], %swap3A_472 {strides = array<i32>} : memref<4096xi32, #tpu.memory_space<vmem>>, vector<16xi32>,
      %swap3A_473 = arith.constant 80 : index
      %swap3A_474 = tpu.vector_load %arg12[%swap3A_473] {strides = array<i32>} : memref<4096xi32, #tpu.memory_space<vmem>>, vector<16xi32>,
      %swap3A_475 = vector.shape_cast %swap3A_474 : vector<16xi32> to vector<16xi32>
      %swap3A_476 = vector.shape_cast %get3A_453 : vector<16xi32> to vector<16xi32>
      tpu.vector_store %arg12[%swap3A_473], %swap3A_476 {strides = array<i32>} : memref<4096xi32, #tpu.memory_space<vmem>>, vector<16xi32>,
      %swap3A_477 = arith.constant 96 : index
      %swap3A_478 = tpu.vector_load %arg12[%swap3A_477] {strides = array<i32>} : memref<4096xi32, #tpu.memory_space<vmem>>, vector<16xi32>,
      %swap3A_479 = vector.shape_cast %swap3A_478 : vector<16xi32> to vector<16xi32>
      %swap3A_480 = vector.shape_cast %get3A_453 : vector<16xi32> to vector<16xi32>
      tpu.vector_store %arg12[%swap3A_477], %swap3A_480 {strides = array<i32>} : memref<4096xi32, #tpu.memory_space<vmem>>, vector<16xi32>,
      %swap3A_481 = arith.constant 112 : index
      %swap3A_482 = tpu.vector_load %arg12[%swap3A_481] {strides = array<i32>} : memref<4096xi32, #tpu.memory_space<vmem>>, vector<16xi32>,
      %swap3A_483 = vector.shape_cast %swap3A_482 : vector<16xi32> to vector<16xi32>
      %swap3A_484 = vector.shape_cast %get3A_453 : vector<16xi32> to vector<16xi32>
      tpu.vector_store %arg12[%swap3A_481], %swap3A_484 {strides = array<i32>} : memref<4096xi32, #tpu.memory_space<vmem>>, vector<16xi32>,
      %swap3A_485 = arith.constant 128 : index
      %swap3A_486 = tpu.vector_load %arg12[%swap3A_485] {strides = array<i32>} : memref<4096xi32, #tpu.memory_space<vmem>>, vector<16xi32>,
      %swap3A_487 = vector.shape_cast %swap3A_486 : vector<16xi32> to vector<16xi32>
      %swap3A_488 = vector.shape_cast %get3A_453 : vector<16xi32> to vector<16xi32>
      tpu.vector_store %arg12[%swap3A_485], %swap3A_488 {strides = array<i32>} : memref<4096xi32, #tpu.memory_space<vmem>>, vector<16xi32>,
      %swap3A_489 = arith.constant 144 : index
      %swap3A_490 = tpu.vector_load %arg12[%swap3A_489] {strides = array<i32>} : memref<4096xi32, #tpu.memory_space<vmem>>, vector<16xi32>,
      %swap3A_491 = vector.shape_cast %swap3A_490 : vector<16xi32> to vector<16xi32>
      %swap3A_492 = vector.shape_cast %get3A_453 : vector<16xi32> to vector<16xi32>
      tpu.vector_store %arg12[%swap3A_489], %swap3A_492 {strides = array<i32>} : memref<4096xi32, #tpu.memory_space<vmem>>, vector<16xi32>,
      %swap3A_493 = arith.constant 160 : index
      %swap3A_494 = tpu.vector_load %arg12[%swap3A_493] {strides = array<i32>} : memref<4096xi32, #tpu.memory_space<vmem>>, vector<16xi32>,
      %swap3A_495 = vector.shape_cast %swap3A_494 : vector<16xi32> to vector<16xi32>
      %swap3A_496 = vector.shape_cast %get3A_453 : vector<16xi32> to vector<16xi32>
      tpu.vector_store %arg12[%swap3A_493], %swap3A_496 {strides = array<i32>} : memref<4096xi32, #tpu.memory_space<vmem>>, vector<16xi32>,
      %swap3A_497 = arith.constant 176 : index
      %swap3A_498 = tpu.vector_load %arg12[%swap3A_497] {strides = array<i32>} : memref<4096xi32, #tpu.memory_space<vmem>>, vector<16xi32>,
      %swap3A_499 = vector.shape_cast %swap3A_498 : vector<16xi32> to vector<16xi32>
      %swap3A_500 = vector.shape_cast %get3A_453 : vector<16xi32> to vector<16xi32>
      tpu.vector_store %arg12[%swap3A_497], %swap3A_500 {strides = array<i32>} : memref<4096xi32, #tpu.memory_space<vmem>>, vector<16xi32>,
      %swap3A_501 = arith.constant 192 : index
      %swap3A_502 = tpu.vector_load %arg12[%swap3A_501] {strides = array<i32>} : memref<4096xi32, #tpu.memory_space<vmem>>, vector<16xi32>,
      %swap3A_503 = vector.shape_cast %swap3A_502 : vector<16xi32> to vector<16xi32>
      %swap3A_504 = vector.shape_cast %get3A_453 : vector<16xi32> to vector<16xi32>
      tpu.vector_store %arg12[%swap3A_501], %swap3A_504 {strides = array<i32>} : memref<4096xi32, #tpu.memory_space<vmem>>, vector<16xi32>,
      %swap3A_505 = arith.constant 208 : index
      %swap3A_506 = tpu.vector_load %arg12[%swap3A_505] {strides = array<i32>} : memref<4096xi32, #tpu.memory_space<vmem>>, vector<16xi32>,
      %swap3A_507 = vector.shape_cast %swap3A_506 : vector<16xi32> to vector<16xi32>
      %swap3A_508 = vector.shape_cast %get3A_453 : vector<16xi32> to vector<16xi32>
      tpu.vector_store %arg12[%swap3A_505], %swap3A_508 {strides = array<i32>} : memref<4096xi32, #tpu.memory_space<vmem>>, vector<16xi32>,
      %swap3A_509 = arith.constant 224 : index
      %swap3A_510 = tpu.vector_load %arg12[%swap3A_509] {strides = array<i32>} : memref<4096xi32, #tpu.memory_space<vmem>>, vector<16xi32>,
      %swap3A_511 = vector.shape_cast %swap3A_510 : vector<16xi32> to vector<16xi32>
      %swap3A_512 = vector.shape_cast %get3A_453 : vector<16xi32> to vector<16xi32>
      tpu.vector_store %arg12[%swap3A_509], %swap3A_512 {strides = array<i32>} : memref<4096xi32, #tpu.memory_space<vmem>>, vector<16xi32>,
      %swap3A_513 = arith.constant 240 : index
      %swap3A_514 = tpu.vector_load %arg12[%swap3A_513] {strides = array<i32>} : memref<4096xi32, #tpu.memory_space<vmem>>, vector<16xi32>,
      %swap3A_515 = vector.shape_cast %swap3A_514 : vector<16xi32> to vector<16xi32>
      %swap3A_516 = vector.shape_cast %get3A_453 : vector<16xi32> to vector<16xi32>
      tpu.vector_store %arg12[%swap3A_513], %swap3A_516 {strides = array<i32>} : memref<4096xi32, #tpu.memory_space<vmem>>, vector<16xi32>,
      %swap3A_517 = arith.constant 256 : index
      %swap3A_518 = tpu.vector_load %arg12[%swap3A_517] {strides = array<i32>} : memref<4096xi32, #tpu.memory_space<vmem>>, vector<16xi32>,
      %swap3A_519 = vector.shape_cast %swap3A_518 : vector<16xi32> to vector<16xi32>
      %swap3A_520 = vector.shape_cast %get3A_453 : vector<16xi32> to vector<16xi32>
      tpu.vector_store %arg12[%swap3A_517], %swap3A_520 {strides = array<i32>} : memref<4096xi32, #tpu.memory_space<vmem>>, vector<16xi32>,
      %swap3A_521 = arith.constant 272 : index
      %swap3A_522 = tpu.vector_load %arg12[%swap3A_521] {strides = array<i32>} : memref<4096xi32, #tpu.memory_space<vmem>>, vector<16xi32>,
      %swap3A_523 = vector.shape_cast %swap3A_522 : vector<16xi32> to vector<16xi32>
      %swap3A_524 = vector.shape_cast %get3A_453 : vector<16xi32> to vector<16xi32>
      tpu.vector_store %arg12[%swap3A_521], %swap3A_524 {strides = array<i32>} : memref<4096xi32, #tpu.memory_space<vmem>>, vector<16xi32>,
      %swap3A_525 = arith.constant 288 : index
      %swap3A_526 = tpu.vector_load %arg12[%swap3A_525] {strides = array<i32>} : memref<4096xi32, #tpu.memory_space<vmem>>, vector<16xi32>,
      %swap3A_527 = vector.shape_cast %swap3A_526 : vector<16xi32> to vector<16xi32>
      %swap3A_528 = vector.shape_cast %get3A_453 : vector<16xi32> to vector<16xi32>
      tpu.vector_store %arg12[%swap3A_525], %swap3A_528 {strides = array<i32>} : memref<4096xi32, #tpu.memory_space<vmem>>, vector<16xi32>,
      %swap3A_529 = arith.constant 304 : index
      %swap3A_530 = tpu.vector_load %arg12[%swap3A_529] {strides = array<i32>} : memref<4096xi32, #tpu.memory_space<vmem>>, vector<16xi32>,
      %swap3A_531 = vector.shape_cast %swap3A_530 : vector<16xi32> to vector<16xi32>
      %swap3A_532 = vector.shape_cast %get3A_453 : vector<16xi32> to vector<16xi32>
      tpu.vector_store %arg12[%swap3A_529], %swap3A_532 {strides = array<i32>} : memref<4096xi32, #tpu.memory_space<vmem>>, vector<16xi32>,
      %swap3A_533 = arith.constant 320 : index
      %swap3A_534 = tpu.vector_load %arg12[%swap3A_533] {strides = array<i32>} : memref<4096xi32, #tpu.memory_space<vmem>>, vector<16xi32>,
      %swap3A_535 = vector.shape_cast %swap3A_534 : vector<16xi32> to vector<16xi32>
      %swap3A_536 = vector.shape_cast %get3A_453 : vector<16xi32> to vector<16xi32>
      tpu.vector_store %arg12[%swap3A_533], %swap3A_536 {strides = array<i32>} : memref<4096xi32, #tpu.memory_space<vmem>>, vector<16xi32>,
      %swap3A_537 = arith.constant 336 : index
      %swap3A_538 = tpu.vector_load %arg12[%swap3A_537] {strides = array<i32>} : memref<4096xi32, #tpu.memory_space<vmem>>, vector<16xi32>,
      %swap3A_539 = vector.shape_cast %swap3A_538 : vector<16xi32> to vector<16xi32>
      %swap3A_540 = vector.shape_cast %get3A_453 : vector<16xi32> to vector<16xi32>
      tpu.vector_store %arg12[%swap3A_537], %swap3A_540 {strides = array<i32>} : memref<4096xi32, #tpu.memory_space<vmem>>, vector<16xi32>,
      %swap3A_541 = arith.constant 352 : index
      %swap3A_542 = tpu.vector_load %arg12[%swap3A_541] {strides = array<i32>} : memref<4096xi32, #tpu.memory_space<vmem>>, vector<16xi32>,
      %swap3A_543 = vector.shape_cast %swap3A_542 : vector<16xi32> to vector<16xi32>
      %swap3A_544 = vector.shape_cast %get3A_453 : vector<16xi32> to vector<16xi32>
      tpu.vector_store %arg12[%swap3A_541], %swap3A_544 {strides = array<i32>} : memref<4096xi32, #tpu.memory_space<vmem>>, vector<16xi32>,
      %swap3A_545 = arith.constant 368 : index
      %swap3A_546 = tpu.vector_load %arg12[%swap3A_545] {strides = array<i32>} : memref<4096xi32, #tpu.memory_space<vmem>>, vector<16xi32>,
      %swap3A_547 = vector.shape_cast %swap3A_546 : vector<16xi32> to vector<16xi32>
      %swap3A_548 = vector.shape_cast %get3A_453 : vector<16xi32> to vector<16xi32>
      tpu.vector_store %arg12[%swap3A_545], %swap3A_548 {strides = array<i32>} : memref<4096xi32, #tpu.memory_space<vmem>>, vector<16xi32>,
      %swap3A_549 = arith.constant 384 : index
      %swap3A_550 = tpu.vector_load %arg12[%swap3A_549] {strides = array<i32>} : memref<4096xi32, #tpu.memory_space<vmem>>, vector<16xi32>,
      %swap3A_551 = vector.shape_cast %swap3A_550 : vector<16xi32> to vector<16xi32>
      %swap3A_552 = vector.shape_cast %get3A_453 : vector<16xi32> to vector<16xi32>
      tpu.vector_store %arg12[%swap3A_549], %swap3A_552 {strides = array<i32>} : memref<4096xi32, #tpu.memory_space<vmem>>, vector<16xi32>,
      %swap3A_553 = arith.constant 400 : index
      %swap3A_554 = tpu.vector_load %arg12[%swap3A_553] {strides = array<i32>} : memref<4096xi32, #tpu.memory_space<vmem>>, vector<16xi32>,
      %swap3A_555 = vector.shape_cast %swap3A_554 : vector<16xi32> to vector<16xi32>
      %swap3A_556 = vector.shape_cast %get3A_453 : vector<16xi32> to vector<16xi32>
      tpu.vector_store %arg12[%swap3A_553], %swap3A_556 {strides = array<i32>} : memref<4096xi32, #tpu.memory_space<vmem>>, vector<16xi32>,
      %swap3A_557 = arith.constant 416 : index
      %swap3A_558 = tpu.vector_load %arg12[%swap3A_557] {strides = array<i32>} : memref<4096xi32, #tpu.memory_space<vmem>>, vector<16xi32>,
      %swap3A_559 = vector.shape_cast %swap3A_558 : vector<16xi32> to vector<16xi32>
      %swap3A_560 = vector.shape_cast %get3A_453 : vector<16xi32> to vector<16xi32>
      tpu.vector_store %arg12[%swap3A_557], %swap3A_560 {strides = array<i32>} : memref<4096xi32, #tpu.memory_space<vmem>>, vector<16xi32>,
      %swap3A_561 = arith.constant 432 : index
      %swap3A_562 = tpu.vector_load %arg12[%swap3A_561] {strides = array<i32>} : memref<4096xi32, #tpu.memory_space<vmem>>, vector<16xi32>,
      %swap3A_563 = vector.shape_cast %swap3A_562 : vector<16xi32> to vector<16xi32>
      %swap3A_564 = vector.shape_cast %get3A_453 : vector<16xi32> to vector<16xi32>
      tpu.vector_store %arg12[%swap3A_561], %swap3A_564 {strides = array<i32>} : memref<4096xi32, #tpu.memory_space<vmem>>, vector<16xi32>,
      %swap3A_565 = arith.constant 448 : index
      %swap3A_566 = tpu.vector_load %arg12[%swap3A_565] {strides = array<i32>} : memref<4096xi32, #tpu.memory_space<vmem>>, vector<16xi32>,
      %swap3A_567 = vector.shape_cast %swap3A_566 : vector<16xi32> to vector<16xi32>
      %swap3A_568 = vector.shape_cast %get3A_453 : vector<16xi32> to vector<16xi32>
      tpu.vector_store %arg12[%swap3A_565], %swap3A_568 {strides = array<i32>} : memref<4096xi32, #tpu.memory_space<vmem>>, vector<16xi32>,
      %swap3A_569 = arith.constant 464 : index
      %swap3A_570 = tpu.vector_load %arg12[%swap3A_569] {strides = array<i32>} : memref<4096xi32, #tpu.memory_space<vmem>>, vector<16xi32>,
      %swap3A_571 = vector.shape_cast %swap3A_570 : vector<16xi32> to vector<16xi32>
      %swap3A_572 = vector.shape_cast %get3A_453 : vector<16xi32> to vector<16xi32>
      tpu.vector_store %arg12[%swap3A_569], %swap3A_572 {strides = array<i32>} : memref<4096xi32, #tpu.memory_space<vmem>>, vector<16xi32>,
      %swap3A_573 = arith.constant 480 : index
      %swap3A_574 = tpu.vector_load %arg12[%swap3A_573] {strides = array<i32>} : memref<4096xi32, #tpu.memory_space<vmem>>, vector<16xi32>,
      %swap3A_575 = vector.shape_cast %swap3A_574 : vector<16xi32> to vector<16xi32>
      %swap3A_576 = vector.shape_cast %get3A_453 : vector<16xi32> to vector<16xi32>
      tpu.vector_store %arg12[%swap3A_573], %swap3A_576 {strides = array<i32>} : memref<4096xi32, #tpu.memory_space<vmem>>, vector<16xi32>,
      %swap3A_577 = arith.constant 496 : index
      %swap3A_578 = tpu.vector_load %arg12[%swap3A_577] {strides = array<i32>} : memref<4096xi32, #tpu.memory_space<vmem>>, vector<16xi32>,
      %swap3A_579 = vector.shape_cast %swap3A_578 : vector<16xi32> to vector<16xi32>
      %swap3A_580 = vector.shape_cast %get3A_453 : vector<16xi32> to vector<16xi32>
      tpu.vector_store %arg12[%swap3A_577], %swap3A_580 {strides = array<i32>} : memref<4096xi32, #tpu.memory_space<vmem>>, vector<16xi32>,
      %swap3A_581 = arith.constant 512 : index
      %swap3A_582 = tpu.vector_load %arg12[%swap3A_581] {strides = array<i32>} : memref<4096xi32, #tpu.memory_space<vmem>>, vector<16xi32>,
      %swap3A_583 = vector.shape_cast %swap3A_582 : vector<16xi32> to vector<16xi32>
      %swap3A_584 = vector.shape_cast %get3A_453 : vector<16xi32> to vector<16xi32>
      tpu.vector_store %arg12[%swap3A_581], %swap3A_584 {strides = array<i32>} : memref<4096xi32, #tpu.memory_space<vmem>>, vector<16xi32>,
      %swap3A_585 = arith.constant 528 : index
      %swap3A_586 = tpu.vector_load %arg12[%swap3A_585] {strides = array<i32>} : memref<4096xi32, #tpu.memory_space<vmem>>, vector<16xi32>,
      %swap3A_587 = vector.shape_cast %swap3A_586 : vector<16xi32> to vector<16xi32>
      %swap3A_588 = vector.shape_cast %get3A_453 : vector<16xi32> to vector<16xi32>
      tpu.vector_store %arg12[%swap3A_585], %swap3A_588 {strides = array<i32>} : memref<4096xi32, #tpu.memory_space<vmem>>, vector<16xi32>,
      %swap3A_589 = arith.constant 544 : index
      %swap3A_590 = tpu.vector_load %arg12[%swap3A_589] {strides = array<i32>} : memref<4096xi32, #tpu.memory_space<vmem>>, vector<16xi32>,
      %swap3A_591 = vector.shape_cast %swap3A_590 : vector<16xi32> to vector<16xi32>
      %swap3A_592 = vector.shape_cast %get3A_453 : vector<16xi32> to vector<16xi32>
      tpu.vector_store %arg12[%swap3A_589], %swap3A_592 {strides = array<i32>} : memref<4096xi32, #tpu.memory_space<vmem>>, vector<16xi32>,
      %swap3A_593 = arith.constant 560 : index
      %swap3A_594 = tpu.vector_load %arg12[%swap3A_593] {strides = array<i32>} : memref<4096xi32, #tpu.memory_space<vmem>>, vector<16xi32>,
      %swap3A_595 = vector.shape_cast %swap3A_594 : vector<16xi32> to vector<16xi32>
      %swap3A_596 = vector.shape_cast %get3A_453 : vector<16xi32> to vector<16xi32>
      tpu.vector_store %arg12[%swap3A_593], %swap3A_596 {strides = array<i32>} : memref<4096xi32, #tpu.memory_space<vmem>>, vector<16xi32>,
      %swap3A_597 = arith.constant 576 : index
      %swap3A_598 = tpu.vector_load %arg12[%swap3A_597] {strides = array<i32>} : memref<4096xi32, #tpu.memory_space<vmem>>, vector<16xi32>,
      %swap3A_599 = vector.shape_cast %swap3A_598 : vector<16xi32> to vector<16xi32>
      %swap3A_600 = vector.shape_cast %get3A_453 : vector<16xi32> to vector<16xi32>
      tpu.vector_store %arg12[%swap3A_597], %swap3A_600 {strides = array<i32>} : memref<4096xi32, #tpu.memory_space<vmem>>, vector<16xi32>,
      %swap3A_601 = arith.constant 592 : index
      %swap3A_602 = tpu.vector_load %arg12[%swap3A_601] {strides = array<i32>} : memref<4096xi32, #tpu.memory_space<vmem>>, vector<16xi32>,
      %swap3A_603 = vector.shape_cast %swap3A_602 : vector<16xi32> to vector<16xi32>
      %swap3A_604 = vector.shape_cast %get3A_453 : vector<16xi32> to vector<16xi32>
      tpu.vector_store %arg12[%swap3A_601], %swap3A_604 {strides = array<i32>} : memref<4096xi32, #tpu.memory_space<vmem>>, vector<16xi32>,
      %swap3A_605 = arith.constant 608 : index
      %swap3A_606 = tpu.vector_load %arg12[%swap3A_605] {strides = array<i32>} : memref<4096xi32, #tpu.memory_space<vmem>>, vector<16xi32>,
      %swap3A_607 = vector.shape_cast %swap3A_606 : vector<16xi32> to vector<16xi32>
      %swap3A_608 = vector.shape_cast %get3A_453 : vector<16xi32> to vector<16xi32>
      tpu.vector_store %arg12[%swap3A_605], %swap3A_608 {strides = array<i32>} : memref<4096xi32, #tpu.memory_space<vmem>>, vector<16xi32>,
      %swap3A_609 = arith.constant 624 : index
      %swap3A_610 = tpu.vector_load %arg12[%swap3A_609] {strides = array<i32>} : memref<4096xi32, #tpu.memory_space<vmem>>, vector<16xi32>,
      %swap3A_611 = vector.shape_cast %swap3A_610 : vector<16xi32> to vector<16xi32>
      %swap3A_612 = vector.shape_cast %get3A_453 : vector<16xi32> to vector<16xi32>
      tpu.vector_store %arg12[%swap3A_609], %swap3A_612 {strides = array<i32>} : memref<4096xi32, #tpu.memory_space<vmem>>, vector<16xi32>,
      %swap3A_613 = arith.constant 640 : index
      %swap3A_614 = tpu.vector_load %arg12[%swap3A_613] {strides = array<i32>} : memref<4096xi32, #tpu.memory_space<vmem>>, vector<16xi32>,
      %swap3A_615 = vector.shape_cast %swap3A_614 : vector<16xi32> to vector<16xi32>
      %swap3A_616 = vector.shape_cast %get3A_453 : vector<16xi32> to vector<16xi32>
      tpu.vector_store %arg12[%swap3A_613], %swap3A_616 {strides = array<i32>} : memref<4096xi32, #tpu.memory_space<vmem>>, vector<16xi32>,
      %swap3A_617 = arith.constant 656 : index
      %swap3A_618 = tpu.vector_load %arg12[%swap3A_617] {strides = array<i32>} : memref<4096xi32, #tpu.memory_space<vmem>>, vector<16xi32>,
      %swap3A_619 = vector.shape_cast %swap3A_618 : vector<16xi32> to vector<16xi32>
      %swap3A_620 = vector.shape_cast %get3A_453 : vector<16xi32> to vector<16xi32>
      tpu.vector_store %arg12[%swap3A_617], %swap3A_620 {strides = array<i32>} : memref<4096xi32, #tpu.memory_space<vmem>>, vector<16xi32>,
      %swap3A_621 = arith.constant 672 : index
      %swap3A_622 = tpu.vector_load %arg12[%swap3A_621] {strides = array<i32>} : memref<4096xi32, #tpu.memory_space<vmem>>, vector<16xi32>,
      %swap3A_623 = vector.shape_cast %swap3A_622 : vector<16xi32> to vector<16xi32>
      %swap3A_624 = vector.shape_cast %get3A_453 : vector<16xi32> to vector<16xi32>
      tpu.vector_store %arg12[%swap3A_621], %swap3A_624 {strides = array<i32>} : memref<4096xi32, #tpu.memory_space<vmem>>, vector<16xi32>,
      %swap3A_625 = arith.constant 688 : index
      %swap3A_626 = tpu.vector_load %arg12[%swap3A_625] {strides = array<i32>} : memref<4096xi32, #tpu.memory_space<vmem>>, vector<16xi32>,
      %swap3A_627 = vector.shape_cast %swap3A_626 : vector<16xi32> to vector<16xi32>
      %swap3A_628 = vector.shape_cast %get3A_453 : vector<16xi32> to vector<16xi32>
      tpu.vector_store %arg12[%swap3A_625], %swap3A_628 {strides = array<i32>} : memref<4096xi32, #tpu.memory_space<vmem>>, vector<16xi32>,
      %swap3A_629 = arith.constant 704 : index
      %swap3A_630 = tpu.vector_load %arg12[%swap3A_629] {strides = array<i32>} : memref<4096xi32, #tpu.memory_space<vmem>>, vector<16xi32>,
      %swap3A_631 = vector.shape_cast %swap3A_630 : vector<16xi32> to vector<16xi32>
      %swap3A_632 = vector.shape_cast %get3A_453 : vector<16xi32> to vector<16xi32>
      tpu.vector_store %arg12[%swap3A_629], %swap3A_632 {strides = array<i32>} : memref<4096xi32, #tpu.memory_space<vmem>>, vector<16xi32>,
      %swap3A_633 = arith.constant 720 : index
      %swap3A_634 = tpu.vector_load %arg12[%swap3A_633] {strides = array<i32>} : memref<4096xi32, #tpu.memory_space<vmem>>, vector<16xi32>,
      %swap3A_635 = vector.shape_cast %swap3A_634 : vector<16xi32> to vector<16xi32>
      %swap3A_636 = vector.shape_cast %get3A_453 : vector<16xi32> to vector<16xi32>
      tpu.vector_store %arg12[%swap3A_633], %swap3A_636 {strides = array<i32>} : memref<4096xi32, #tpu.memory_space<vmem>>, vector<16xi32>,
      %swap3A_637 = arith.constant 736 : index
      %swap3A_638 = tpu.vector_load %arg12[%swap3A_637] {strides = array<i32>} : memref<4096xi32, #tpu.memory_space<vmem>>, vector<16xi32>,
      %swap3A_639 = vector.shape_cast %swap3A_638 : vector<16xi32> to vector<16xi32>
      %swap3A_640 = vector.shape_cast %get3A_453 : vector<16xi32> to vector<16xi32>
      tpu.vector_store %arg12[%swap3A_637], %swap3A_640 {strides = array<i32>} : memref<4096xi32, #tpu.memory_space<vmem>>, vector<16xi32>,
      %swap3A_641 = arith.constant 752 : index
      %swap3A_642 = tpu.vector_load %arg12[%swap3A_641] {strides = array<i32>} : memref<4096xi32, #tpu.memory_space<vmem>>, vector<16xi32>,
      %swap3A_643 = vector.shape_cast %swap3A_642 : vector<16xi32> to vector<16xi32>
      %swap3A_644 = vector.shape_cast %get3A_453 : vector<16xi32> to vector<16xi32>
      tpu.vector_store %arg12[%swap3A_641], %swap3A_644 {strides = array<i32>} : memref<4096xi32, #tpu.memory_space<vmem>>, vector<16xi32>,
      %swap3A_645 = arith.constant 768 : index
      %swap3A_646 = tpu.vector_load %arg12[%swap3A_645] {strides = array<i32>} : memref<4096xi32, #tpu.memory_space<vmem>>, vector<16xi32>,
      %swap3A_647 = vector.shape_cast %swap3A_646 : vector<16xi32> to vector<16xi32>
      %swap3A_648 = vector.shape_cast %get3A_453 : vector<16xi32> to vector<16xi32>
      tpu.vector_store %arg12[%swap3A_645], %swap3A_648 {strides = array<i32>} : memref<4096xi32, #tpu.memory_space<vmem>>, vector<16xi32>,
      %swap3A_649 = arith.constant 784 : index
      %swap3A_650 = tpu.vector_load %arg12[%swap3A_649] {strides = array<i32>} : memref<4096xi32, #tpu.memory_space<vmem>>, vector<16xi32>,
      %swap3A_651 = vector.shape_cast %swap3A_650 : vector<16xi32> to vector<16xi32>
      %swap3A_652 = vector.shape_cast %get3A_453 : vector<16xi32> to vector<16xi32>
      tpu.vector_store %arg12[%swap3A_649], %swap3A_652 {strides = array<i32>} : memref<4096xi32, #tpu.memory_space<vmem>>, vector<16xi32>,
      %swap3A_653 = arith.constant 800 : index
      %swap3A_654 = tpu.vector_load %arg12[%swap3A_653] {strides = array<i32>} : memref<4096xi32, #tpu.memory_space<vmem>>, vector<16xi32>,
      %swap3A_655 = vector.shape_cast %swap3A_654 : vector<16xi32> to vector<16xi32>
      %swap3A_656 = vector.shape_cast %get3A_453 : vector<16xi32> to vector<16xi32>
      tpu.vector_store %arg12[%swap3A_653], %swap3A_656 {strides = array<i32>} : memref<4096xi32, #tpu.memory_space<vmem>>, vector<16xi32>,
      %swap3A_657 = arith.constant 816 : index
      %swap3A_658 = tpu.vector_load %arg12[%swap3A_657] {strides = array<i32>} : memref<4096xi32, #tpu.memory_space<vmem>>, vector<16xi32>,
      %swap3A_659 = vector.shape_cast %swap3A_658 : vector<16xi32> to vector<16xi32>
      %swap3A_660 = vector.shape_cast %get3A_453 : vector<16xi32> to vector<16xi32>
      tpu.vector_store %arg12[%swap3A_657], %swap3A_660 {strides = array<i32>} : memref<4096xi32, #tpu.memory_space<vmem>>, vector<16xi32>,
      %swap3A_661 = arith.constant 832 : index
      %swap3A_662 = tpu.vector_load %arg12[%swap3A_661] {strides = array<i32>} : memref<4096xi32, #tpu.memory_space<vmem>>, vector<16xi32>,
      %swap3A_663 = vector.shape_cast %swap3A_662 : vector<16xi32> to vector<16xi32>
      %swap3A_664 = vector.shape_cast %get3A_453 : vector<16xi32> to vector<16xi32>
      tpu.vector_store %arg12[%swap3A_661], %swap3A_664 {strides = array<i32>} : memref<4096xi32, #tpu.memory_space<vmem>>, vector<16xi32>,
      %swap3A_665 = arith.constant 848 : index
      %swap3A_666 = tpu.vector_load %arg12[%swap3A_665] {strides = array<i32>} : memref<4096xi32, #tpu.memory_space<vmem>>, vector<16xi32>,
      %swap3A_667 = vector.shape_cast %swap3A_666 : vector<16xi32> to vector<16xi32>
      %swap3A_668 = vector.shape_cast %get3A_453 : vector<16xi32> to vector<16xi32>
      tpu.vector_store %arg12[%swap3A_665], %swap3A_668 {strides = array<i32>} : memref<4096xi32, #tpu.memory_space<vmem>>, vector<16xi32>,
      %swap3A_669 = arith.constant 864 : index
      %swap3A_670 = tpu.vector_load %arg12[%swap3A_669] {strides = array<i32>} : memref<4096xi32, #tpu.memory_space<vmem>>, vector<16xi32>,
      %swap3A_671 = vector.shape_cast %swap3A_670 : vector<16xi32> to vector<16xi32>
      %swap3A_672 = vector.shape_cast %get3A_453 : vector<16xi32> to vector<16xi32>
      tpu.vector_store %arg12[%swap3A_669], %swap3A_672 {strides = array<i32>} : memref<4096xi32, #tpu.memory_space<vmem>>, vector<16xi32>,
      %swap3A_673 = arith.constant 880 : index
      %swap3A_674 = tpu.vector_load %arg12[%swap3A_673] {strides = array<i32>} : memref<4096xi32, #tpu.memory_space<vmem>>, vector<16xi32>,
      %swap3A_675 = vector.shape_cast %swap3A_674 : vector<16xi32> to vector<16xi32>
      %swap3A_676 = vector.shape_cast %get3A_453 : vector<16xi32> to vector<16xi32>
      tpu.vector_store %arg12[%swap3A_673], %swap3A_676 {strides = array<i32>} : memref<4096xi32, #tpu.memory_space<vmem>>, vector<16xi32>,
      %swap3A_677 = arith.constant 896 : index
      %swap3A_678 = tpu.vector_load %arg12[%swap3A_677] {strides = array<i32>} : memref<4096xi32, #tpu.memory_space<vmem>>, vector<16xi32>,
      %swap3A_679 = vector.shape_cast %swap3A_678 : vector<16xi32> to vector<16xi32>
      %swap3A_680 = vector.shape_cast %get3A_453 : vector<16xi32> to vector<16xi32>
      tpu.vector_store %arg12[%swap3A_677], %swap3A_680 {strides = array<i32>} : memref<4096xi32, #tpu.memory_space<vmem>>, vector<16xi32>,
      %swap3A_681 = arith.constant 912 : index
      %swap3A_682 = tpu.vector_load %arg12[%swap3A_681] {strides = array<i32>} : memref<4096xi32, #tpu.memory_space<vmem>>, vector<16xi32>,
      %swap3A_683 = vector.shape_cast %swap3A_682 : vector<16xi32> to vector<16xi32>
      %swap3A_684 = vector.shape_cast %get3A_453 : vector<16xi32> to vector<16xi32>
      tpu.vector_store %arg12[%swap3A_681], %swap3A_684 {strides = array<i32>} : memref<4096xi32, #tpu.memory_space<vmem>>, vector<16xi32>,
      %swap3A_685 = arith.constant 928 : index
      %swap3A_686 = tpu.vector_load %arg12[%swap3A_685] {strides = array<i32>} : memref<4096xi32, #tpu.memory_space<vmem>>, vector<16xi32>,
      %swap3A_687 = vector.shape_cast %swap3A_686 : vector<16xi32> to vector<16xi32>
      %swap3A_688 = vector.shape_cast %get3A_453 : vector<16xi32> to vector<16xi32>
      tpu.vector_store %arg12[%swap3A_685], %swap3A_688 {strides = array<i32>} : memref<4096xi32, #tpu.memory_space<vmem>>, vector<16xi32>,
      %swap3A_689 = arith.constant 944 : index
      %swap3A_690 = tpu.vector_load %arg12[%swap3A_689] {strides = array<i32>} : memref<4096xi32, #tpu.memory_space<vmem>>, vector<16xi32>,
      %swap3A_691 = vector.shape_cast %swap3A_690 : vector<16xi32> to vector<16xi32>
      %swap3A_692 = vector.shape_cast %get3A_453 : vector<16xi32> to vector<16xi32>
      tpu.vector_store %arg12[%swap3A_689], %swap3A_692 {strides = array<i32>} : memref<4096xi32, #tpu.memory_space<vmem>>, vector<16xi32>,
      %swap3A_693 = arith.constant 960 : index
      %swap3A_694 = tpu.vector_load %arg12[%swap3A_693] {strides = array<i32>} : memref<4096xi32, #tpu.memory_space<vmem>>, vector<16xi32>,
      %swap3A_695 = vector.shape_cast %swap3A_694 : vector<16xi32> to vector<16xi32>
      %swap3A_696 = vector.shape_cast %get3A_453 : vector<16xi32> to vector<16xi32>
      tpu.vector_store %arg12[%swap3A_693], %swap3A_696 {strides = array<i32>} : memref<4096xi32, #tpu.memory_space<vmem>>, vector<16xi32>,
      %swap3A_697 = arith.constant 976 : index
      %swap3A_698 = tpu.vector_load %arg12[%swap3A_697] {strides = array<i32>} : memref<4096xi32, #tpu.memory_space<vmem>>, vector<16xi32>,
      %swap3A_699 = vector.shape_cast %swap3A_698 : vector<16xi32> to vector<16xi32>
      %swap3A_700 = vector.shape_cast %get3A_453 : vector<16xi32> to vector<16xi32>
      tpu.vector_store %arg12[%swap3A_697], %swap3A_700 {strides = array<i32>} : memref<4096xi32, #tpu.memory_space<vmem>>, vector<16xi32>,
      %swap3A_701 = arith.constant 992 : index
      %swap3A_702 = tpu.vector_load %arg12[%swap3A_701] {strides = array<i32>} : memref<4096xi32, #tpu.memory_space<vmem>>, vector<16xi32>,
      %swap3A_703 = vector.shape_cast %swap3A_702 : vector<16xi32> to vector<16xi32>
      %swap3A_704 = vector.shape_cast %get3A_453 : vector<16xi32> to vector<16xi32>
      tpu.vector_store %arg12[%swap3A_701], %swap3A_704 {strides = array<i32>} : memref<4096xi32, #tpu.memory_space<vmem>>, vector<16xi32>,
      %swap3A_705 = arith.constant 1008 : index
      %swap3A_706 = tpu.vector_load %arg12[%swap3A_705] {strides = array<i32>} : memref<4096xi32, #tpu.memory_space<vmem>>, vector<16xi32>,
      %swap3A_707 = vector.shape_cast %swap3A_706 : vector<16xi32> to vector<16xi32>
      %swap3A_708 = vector.shape_cast %get3A_453 : vector<16xi32> to vector<16xi32>
      tpu.vector_store %arg12[%swap3A_705], %swap3A_708 {strides = array<i32>} : memref<4096xi32, #tpu.memory_space<vmem>>, vector<16xi32>,
      %swap3A_709 = arith.constant 1024 : index
      %swap3A_710 = tpu.vector_load %arg12[%swap3A_709] {strides = array<i32>} : memref<4096xi32, #tpu.memory_space<vmem>>, vector<16xi32>,
      %swap3A_711 = vector.shape_cast %swap3A_710 : vector<16xi32> to vector<16xi32>
      %swap3A_712 = vector.shape_cast %get3A_453 : vector<16xi32> to vector<16xi32>
      tpu.vector_store %arg12[%swap3A_709], %swap3A_712 {strides = array<i32>} : memref<4096xi32, #tpu.memory_space<vmem>>, vector<16xi32>,
      %swap3A_713 = arith.constant 1040 : index
      %swap3A_714 = tpu.vector_load %arg12[%swap3A_713] {strides = array<i32>} : memref<4096xi32, #tpu.memory_space<vmem>>, vector<16xi32>,
      %swap3A_715 = vector.shape_cast %swap3A_714 : vector<16xi32> to vector<16xi32>
      %swap3A_716 = vector.shape_cast %get3A_453 : vector<16xi32> to vector<16xi32>
      tpu.vector_store %arg12[%swap3A_713], %swap3A_716 {strides = array<i32>} : memref<4096xi32, #tpu.memory_space<vmem>>, vector<16xi32>,
      %swap3A_717 = arith.constant 1056 : index
      %swap3A_718 = tpu.vector_load %arg12[%swap3A_717] {strides = array<i32>} : memref<4096xi32, #tpu.memory_space<vmem>>, vector<16xi32>,
      %swap3A_719 = vector.shape_cast %swap3A_718 : vector<16xi32> to vector<16xi32>
      %swap3A_720 = vector.shape_cast %get3A_453 : vector<16xi32> to vector<16xi32>
      tpu.vector_store %arg12[%swap3A_717], %swap3A_720 {strides = array<i32>} : memref<4096xi32, #tpu.memory_space<vmem>>, vector<16xi32>,
      %swap3A_721 = arith.constant 1072 : index
      %swap3A_722 = tpu.vector_load %arg12[%swap3A_721] {strides = array<i32>} : memref<4096xi32, #tpu.memory_space<vmem>>, vector<16xi32>,
      %swap3A_723 = vector.shape_cast %swap3A_722 : vector<16xi32> to vector<16xi32>
      %swap3A_724 = vector.shape_cast %get3A_453 : vector<16xi32> to vector<16xi32>
      tpu.vector_store %arg12[%swap3A_721], %swap3A_724 {strides = array<i32>} : memref<4096xi32, #tpu.memory_space<vmem>>, vector<16xi32>,
      %swap3A_725 = arith.constant 1088 : index
      %swap3A_726 = tpu.vector_load %arg12[%swap3A_725] {strides = array<i32>} : memref<4096xi32, #tpu.memory_space<vmem>>, vector<16xi32>,
      %swap3A_727 = vector.shape_cast %swap3A_726 : vector<16xi32> to vector<16xi32>
      %swap3A_728 = vector.shape_cast %get3A_453 : vector<16xi32> to vector<16xi32>
      tpu.vector_store %arg12[%swap3A_725], %swap3A_728 {strides = array<i32>} : memref<4096xi32, #tpu.memory_space<vmem>>, vector<16xi32>,
      %swap3A_729 = arith.constant 1104 : index
      %swap3A_730 = tpu.vector_load %arg12[%swap3A_729] {strides = array<i32>} : memref<4096xi32, #tpu.memory_space<vmem>>, vector<16xi32>,
      %swap3A_731 = vector.shape_cast %swap3A_730 : vector<16xi32> to vector<16xi32>
      %swap3A_732 = vector.shape_cast %get3A_453 : vector<16xi32> to vector<16xi32>
      tpu.vector_store %arg12[%swap3A_729], %swap3A_732 {strides = array<i32>} : memref<4096xi32, #tpu.memory_space<vmem>>, vector<16xi32>,
      %swap3A_733 = arith.constant 1120 : index
      %swap3A_734 = tpu.vector_load %arg12[%swap3A_733] {strides = array<i32>} : memref<4096xi32, #tpu.memory_space<vmem>>, vector<16xi32>,
      %swap3A_735 = vector.shape_cast %swap3A_734 : vector<16xi32> to vector<16xi32>
      %swap3A_736 = vector.shape_cast %get3A_453 : vector<16xi32> to vector<16xi32>
      tpu.vector_store %arg12[%swap3A_733], %swap3A_736 {strides = array<i32>} : memref<4096xi32, #tpu.memory_space<vmem>>, vector<16xi32>,
      %swap3A_737 = arith.constant 1136 : index
      %swap3A_738 = tpu.vector_load %arg12[%swap3A_737] {strides = array<i32>} : memref<4096xi32, #tpu.memory_space<vmem>>, vector<16xi32>,
      %swap3A_739 = vector.shape_cast %swap3A_738 : vector<16xi32> to vector<16xi32>
      %swap3A_740 = vector.shape_cast %get3A_453 : vector<16xi32> to vector<16xi32>
      tpu.vector_store %arg12[%swap3A_737], %swap3A_740 {strides = array<i32>} : memref<4096xi32, #tpu.memory_space<vmem>>, vector<16xi32>,
      %swap3A_741 = arith.constant 1152 : index
      %swap3A_742 = tpu.vector_load %arg12[%swap3A_741] {strides = array<i32>} : memref<4096xi32, #tpu.memory_space<vmem>>, vector<16xi32>,
      %swap3A_743 = vector.shape_cast %swap3A_742 : vector<16xi32> to vector<16xi32>
      %swap3A_744 = vector.shape_cast %get3A_453 : vector<16xi32> to vector<16xi32>
      tpu.vector_store %arg12[%swap3A_741], %swap3A_744 {strides = array<i32>} : memref<4096xi32, #tpu.memory_space<vmem>>, vector<16xi32>,
      %swap3A_745 = arith.constant 1168 : index
      %swap3A_746 = tpu.vector_load %arg12[%swap3A_745] {strides = array<i32>} : memref<4096xi32, #tpu.memory_space<vmem>>, vector<16xi32>,
      %swap3A_747 = vector.shape_cast %swap3A_746 : vector<16xi32> to vector<16xi32>
      %swap3A_748 = vector.shape_cast %get3A_453 : vector<16xi32> to vector<16xi32>
      tpu.vector_store %arg12[%swap3A_745], %swap3A_748 {strides = array<i32>} : memref<4096xi32, #tpu.memory_space<vmem>>, vector<16xi32>,
      %swap3A_749 = arith.constant 1184 : index
      %swap3A_750 = tpu.vector_load %arg12[%swap3A_749] {strides = array<i32>} : memref<4096xi32, #tpu.memory_space<vmem>>, vector<16xi32>,
      %swap3A_751 = vector.shape_cast %swap3A_750 : vector<16xi32> to vector<16xi32>
      %swap3A_752 = vector.shape_cast %get3A_453 : vector<16xi32> to vector<16xi32>
      tpu.vector_store %arg12[%swap3A_749], %swap3A_752 {strides = array<i32>} : memref<4096xi32, #tpu.memory_space<vmem>>, vector<16xi32>,
      %swap3A_753 = arith.constant 1200 : index
      %swap3A_754 = tpu.vector_load %arg12[%swap3A_753] {strides = array<i32>} : memref<4096xi32, #tpu.memory_space<vmem>>, vector<16xi32>,
      %swap3A_755 = vector.shape_cast %swap3A_754 : vector<16xi32> to vector<16xi32>
      %swap3A_756 = vector.shape_cast %get3A_453 : vector<16xi32> to vector<16xi32>
      tpu.vector_store %arg12[%swap3A_753], %swap3A_756 {strides = array<i32>} : memref<4096xi32, #tpu.memory_space<vmem>>, vector<16xi32>,
      %swap3A_757 = arith.constant 1216 : index
      %swap3A_758 = tpu.vector_load %arg12[%swap3A_757] {strides = array<i32>} : memref<4096xi32, #tpu.memory_space<vmem>>, vector<16xi32>,
      %swap3A_759 = vector.shape_cast %swap3A_758 : vector<16xi32> to vector<16xi32>
      %swap3A_760 = vector.shape_cast %get3A_453 : vector<16xi32> to vector<16xi32>
      tpu.vector_store %arg12[%swap3A_757], %swap3A_760 {strides = array<i32>} : memref<4096xi32, #tpu.memory_space<vmem>>, vector<16xi32>,
      %swap3A_761 = arith.constant 1232 : index
      %swap3A_762 = tpu.vector_load %arg12[%swap3A_761] {strides = array<i32>} : memref<4096xi32, #tpu.memory_space<vmem>>, vector<16xi32>,
      %swap3A_763 = vector.shape_cast %swap3A_762 : vector<16xi32> to vector<16xi32>
      %swap3A_764 = vector.shape_cast %get3A_453 : vector<16xi32> to vector<16xi32>
      tpu.vector_store %arg12[%swap3A_761], %swap3A_764 {strides = array<i32>} : memref<4096xi32, #tpu.memory_space<vmem>>, vector<16xi32>,
      %swap3A_765 = arith.constant 1248 : index
      %swap3A_766 = tpu.vector_load %arg12[%swap3A_765] {strides = array<i32>} : memref<4096xi32, #tpu.memory_space<vmem>>, vector<16xi32>,
      %swap3A_767 = vector.shape_cast %swap3A_766 : vector<16xi32> to vector<16xi32>
      %swap3A_768 = vector.shape_cast %get3A_453 : vector<16xi32> to vector<16xi32>
      tpu.vector_store %arg12[%swap3A_765], %swap3A_768 {strides = array<i32>} : memref<4096xi32, #tpu.memory_space<vmem>>, vector<16xi32>,
      %swap3A_769 = arith.constant 1264 : index
      %swap3A_770 = tpu.vector_load %arg12[%swap3A_769] {strides = array<i32>} : memref<4096xi32, #tpu.memory_space<vmem>>, vector<16xi32>,
      %swap3A_771 = vector.shape_cast %swap3A_770 : vector<16xi32> to vector<16xi32>
      %swap3A_772 = vector.shape_cast %get3A_453 : vector<16xi32> to vector<16xi32>
      tpu.vector_store %arg12[%swap3A_769], %swap3A_772 {strides = array<i32>} : memref<4096xi32, #tpu.memory_space<vmem>>, vector<16xi32>,
      %swap3A_773 = arith.constant 1280 : index
      %swap3A_774 = tpu.vector_load %arg12[%swap3A_773] {strides = array<i32>} : memref<4096xi32, #tpu.memory_space<vmem>>, vector<16xi32>,
      %swap3A_775 = vector.shape_cast %swap3A_774 : vector<16xi32> to vector<16xi32>
      %swap3A_776 = vector.shape_cast %get3A_453 : vector<16xi32> to vector<16xi32>
      tpu.vector_store %arg12[%swap3A_773], %swap3A_776 {strides = array<i32>} : memref<4096xi32, #tpu.memory_space<vmem>>, vector<16xi32>,
      %swap3A_777 = arith.constant 1296 : index
      %swap3A_778 = tpu.vector_load %arg12[%swap3A_777] {strides = array<i32>} : memref<4096xi32, #tpu.memory_space<vmem>>, vector<16xi32>,
      %swap3A_779 = vector.shape_cast %swap3A_778 : vector<16xi32> to vector<16xi32>
      %swap3A_780 = vector.shape_cast %get3A_453 : vector<16xi32> to vector<16xi32>
      tpu.vector_store %arg12[%swap3A_777], %swap3A_780 {strides = array<i32>} : memref<4096xi32, #tpu.memory_space<vmem>>, vector<16xi32>,
      %swap3A_781 = arith.constant 1312 : index
      %swap3A_782 = tpu.vector_load %arg12[%swap3A_781] {strides = array<i32>} : memref<4096xi32, #tpu.memory_space<vmem>>, vector<16xi32>,
      %swap3A_783 = vector.shape_cast %swap3A_782 : vector<16xi32> to vector<16xi32>
      %swap3A_784 = vector.shape_cast %get3A_453 : vector<16xi32> to vector<16xi32>
      tpu.vector_store %arg12[%swap3A_781], %swap3A_784 {strides = array<i32>} : memref<4096xi32, #tpu.memory_space<vmem>>, vector<16xi32>,
      %swap3A_785 = arith.constant 1328 : index
      %swap3A_786 = tpu.vector_load %arg12[%swap3A_785] {strides = array<i32>} : memref<4096xi32, #tpu.memory_space<vmem>>, vector<16xi32>,
      %swap3A_787 = vector.shape_cast %swap3A_786 : vector<16xi32> to vector<16xi32>
      %swap3A_788 = vector.shape_cast %get3A_453 : vector<16xi32> to vector<16xi32>
      tpu.vector_store %arg12[%swap3A_785], %swap3A_788 {strides = array<i32>} : memref<4096xi32, #tpu.memory_space<vmem>>, vector<16xi32>,
      %swap3A_789 = arith.constant 1344 : index
      %swap3A_790 = tpu.vector_load %arg12[%swap3A_789] {strides = array<i32>} : memref<4096xi32, #tpu.memory_space<vmem>>, vector<16xi32>,
      %swap3A_791 = vector.shape_cast %swap3A_790 : vector<16xi32> to vector<16xi32>
      %swap3A_792 = vector.shape_cast %get3A_453 : vector<16xi32> to vector<16xi32>
      tpu.vector_store %arg12[%swap3A_789], %swap3A_792 {strides = array<i32>} : memref<4096xi32, #tpu.memory_space<vmem>>, vector<16xi32>,
      %swap3A_793 = arith.constant 1360 : index
      %swap3A_794 = tpu.vector_load %arg12[%swap3A_793] {strides = array<i32>} : memref<4096xi32, #tpu.memory_space<vmem>>, vector<16xi32>,
      %swap3A_795 = vector.shape_cast %swap3A_794 : vector<16xi32> to vector<16xi32>
      %swap3A_796 = vector.shape_cast %get3A_453 : vector<16xi32> to vector<16xi32>
      tpu.vector_store %arg12[%swap3A_793], %swap3A_796 {strides = array<i32>} : memref<4096xi32, #tpu.memory_space<vmem>>, vector<16xi32>,
      %swap3A_797 = arith.constant 1376 : index
      %swap3A_798 = tpu.vector_load %arg12[%swap3A_797] {strides = array<i32>} : memref<4096xi32, #tpu.memory_space<vmem>>, vector<16xi32>,
      %swap3A_799 = vector.shape_cast %swap3A_798 : vector<16xi32> to vector<16xi32>
      %swap3A_800 = vector.shape_cast %get3A_453 : vector<16xi32> to vector<16xi32>
      tpu.vector_store %arg12[%swap3A_797], %swap3A_800 {strides = array<i32>} : memref<4096xi32, #tpu.memory_space<vmem>>, vector<16xi32>,
      %swap3A_801 = arith.constant 1392 : index
      %swap3A_802 = tpu.vector_load %arg12[%swap3A_801] {strides = array<i32>} : memref<4096xi32, #tpu.memory_space<vmem>>, vector<16xi32>,
      %swap3A_803 = vector.shape_cast %swap3A_802 : vector<16xi32> to vector<16xi32>
      %swap3A_804 = vector.shape_cast %get3A_453 : vector<16xi32> to vector<16xi32>
      tpu.vector_store %arg12[%swap3A_801], %swap3A_804 {strides = array<i32>} : memref<4096xi32, #tpu.memory_space<vmem>>, vector<16xi32>,
      %swap3A_805 = arith.constant 1408 : index
      %swap3A_806 = tpu.vector_load %arg12[%swap3A_805] {strides = array<i32>} : memref<4096xi32, #tpu.memory_space<vmem>>, vector<16xi32>,
      %swap3A_807 = vector.shape_cast %swap3A_806 : vector<16xi32> to vector<16xi32>
      %swap3A_808 = vector.shape_cast %get3A_453 : vector<16xi32> to vector<16xi32>
      tpu.vector_store %arg12[%swap3A_805], %swap3A_808 {strides = array<i32>} : memref<4096xi32, #tpu.memory_space<vmem>>, vector<16xi32>,
      %swap3A_809 = arith.constant 1424 : index
      %swap3A_810 = tpu.vector_load %arg12[%swap3A_809] {strides = array<i32>} : memref<4096xi32, #tpu.memory_space<vmem>>, vector<16xi32>,
      %swap3A_811 = vector.shape_cast %swap3A_810 : vector<16xi32> to vector<16xi32>
      %swap3A_812 = vector.shape_cast %get3A_453 : vector<16xi32> to vector<16xi32>
      tpu.vector_store %arg12[%swap3A_809], %swap3A_812 {strides = array<i32>} : memref<4096xi32, #tpu.memory_space<vmem>>, vector<16xi32>,
      %swap3A_813 = arith.constant 1440 : index
      %swap3A_814 = tpu.vector_load %arg12[%swap3A_813] {strides = array<i32>} : memref<4096xi32, #tpu.memory_space<vmem>>, vector<16xi32>,
      %swap3A_815 = vector.shape_cast %swap3A_814 : vector<16xi32> to vector<16xi32>
      %swap3A_816 = vector.shape_cast %get3A_453 : vector<16xi32> to vector<16xi32>
      tpu.vector_store %arg12[%swap3A_813], %swap3A_816 {strides = array<i32>} : memref<4096xi32, #tpu.memory_space<vmem>>, vector<16xi32>,
      %swap3A_817 = arith.constant 1456 : index
      %swap3A_818 = tpu.vector_load %arg12[%swap3A_817] {strides = array<i32>} : memref<4096xi32, #tpu.memory_space<vmem>>, vector<16xi32>,
      %swap3A_819 = vector.shape_cast %swap3A_818 : vector<16xi32> to vector<16xi32>
      %swap3A_820 = vector.shape_cast %get3A_453 : vector<16xi32> to vector<16xi32>
      tpu.vector_store %arg12[%swap3A_817], %swap3A_820 {strides = array<i32>} : memref<4096xi32, #tpu.memory_space<vmem>>, vector<16xi32>,
      %swap3A_821 = arith.constant 1472 : index
      %swap3A_822 = tpu.vector_load %arg12[%swap3A_821] {strides = array<i32>} : memref<4096xi32, #tpu.memory_space<vmem>>, vector<16xi32>,
      %swap3A_823 = vector.shape_cast %swap3A_822 : vector<16xi32> to vector<16xi32>
      %swap3A_824 = vector.shape_cast %get3A_453 : vector<16xi32> to vector<16xi32>
      tpu.vector_store %arg12[%swap3A_821], %swap3A_824 {strides = array<i32>} : memref<4096xi32, #tpu.memory_space<vmem>>, vector<16xi32>,
      %swap3A_825 = arith.constant 1488 : index
      %swap3A_826 = tpu.vector_load %arg12[%swap3A_825] {strides = array<i32>} : memref<4096xi32, #tpu.memory_space<vmem>>, vector<16xi32>,
      %swap3A_827 = vector.shape_cast %swap3A_826 : vector<16xi32> to vector<16xi32>
      %swap3A_828 = vector.shape_cast %get3A_453 : vector<16xi32> to vector<16xi32>
      tpu.vector_store %arg12[%swap3A_825], %swap3A_828 {strides = array<i32>} : memref<4096xi32, #tpu.memory_space<vmem>>, vector<16xi32>,
      %swap3A_829 = arith.constant 1504 : index
      %swap3A_830 = tpu.vector_load %arg12[%swap3A_829] {strides = array<i32>} : memref<4096xi32, #tpu.memory_space<vmem>>, vector<16xi32>,
      %swap3A_831 = vector.shape_cast %swap3A_830 : vector<16xi32> to vector<16xi32>
      %swap3A_832 = vector.shape_cast %get3A_453 : vector<16xi32> to vector<16xi32>
      tpu.vector_store %arg12[%swap3A_829], %swap3A_832 {strides = array<i32>} : memref<4096xi32, #tpu.memory_space<vmem>>, vector<16xi32>,
      %swap3A_833 = arith.constant 1520 : index
      %swap3A_834 = tpu.vector_load %arg12[%swap3A_833] {strides = array<i32>} : memref<4096xi32, #tpu.memory_space<vmem>>, vector<16xi32>,
      %swap3A_835 = vector.shape_cast %swap3A_834 : vector<16xi32> to vector<16xi32>
      %swap3A_836 = vector.shape_cast %get3A_453 : vector<16xi32> to vector<16xi32>
      tpu.vector_store %arg12[%swap3A_833], %swap3A_836 {strides = array<i32>} : memref<4096xi32, #tpu.memory_space<vmem>>, vector<16xi32>,
      %swap3A_837 = arith.constant 1536 : index
      %swap3A_838 = tpu.vector_load %arg12[%swap3A_837] {strides = array<i32>} : memref<4096xi32, #tpu.memory_space<vmem>>, vector<16xi32>,
      %swap3A_839 = vector.shape_cast %swap3A_838 : vector<16xi32> to vector<16xi32>
      %swap3A_840 = vector.shape_cast %get3A_453 : vector<16xi32> to vector<16xi32>
      tpu.vector_store %arg12[%swap3A_837], %swap3A_840 {strides = array<i32>} : memref<4096xi32, #tpu.memory_space<vmem>>, vector<16xi32>,
      %swap3A_841 = arith.constant 1552 : index
      %swap3A_842 = tpu.vector_load %arg12[%swap3A_841] {strides = array<i32>} : memref<4096xi32, #tpu.memory_space<vmem>>, vector<16xi32>,
      %swap3A_843 = vector.shape_cast %swap3A_842 : vector<16xi32> to vector<16xi32>
      %swap3A_844 = vector.shape_cast %get3A_453 : vector<16xi32> to vector<16xi32>
      tpu.vector_store %arg12[%swap3A_841], %swap3A_844 {strides = array<i32>} : memref<4096xi32, #tpu.memory_space<vmem>>, vector<16xi32>,
      %swap3A_845 = arith.constant 1568 : index
      %swap3A_846 = tpu.vector_load %arg12[%swap3A_845] {strides = array<i32>} : memref<4096xi32, #tpu.memory_space<vmem>>, vector<16xi32>,
      %swap3A_847 = vector.shape_cast %swap3A_846 : vector<16xi32> to vector<16xi32>
      %swap3A_848 = vector.shape_cast %get3A_453 : vector<16xi32> to vector<16xi32>
      tpu.vector_store %arg12[%swap3A_845], %swap3A_848 {strides = array<i32>} : memref<4096xi32, #tpu.memory_space<vmem>>, vector<16xi32>,
      %swap3A_849 = arith.constant 1584 : index
      %swap3A_850 = tpu.vector_load %arg12[%swap3A_849] {strides = array<i32>} : memref<4096xi32, #tpu.memory_space<vmem>>, vector<16xi32>,
      %swap3A_851 = vector.shape_cast %swap3A_850 : vector<16xi32> to vector<16xi32>
      %swap3A_852 = vector.shape_cast %get3A_453 : vector<16xi32> to vector<16xi32>
      tpu.vector_store %arg12[%swap3A_849], %swap3A_852 {strides = array<i32>} : memref<4096xi32, #tpu.memory_space<vmem>>, vector<16xi32>,
      %swap3A_853 = arith.constant 1600 : index
      %swap3A_854 = tpu.vector_load %arg12[%swap3A_853] {strides = array<i32>} : memref<4096xi32, #tpu.memory_space<vmem>>, vector<16xi32>,
      %swap3A_855 = vector.shape_cast %swap3A_854 : vector<16xi32> to vector<16xi32>
      %swap3A_856 = vector.shape_cast %get3A_453 : vector<16xi32> to vector<16xi32>
      tpu.vector_store %arg12[%swap3A_853], %swap3A_856 {strides = array<i32>} : memref<4096xi32, #tpu.memory_space<vmem>>, vector<16xi32>,
      %swap3A_857 = arith.constant 1616 : index
      %swap3A_858 = tpu.vector_load %arg12[%swap3A_857] {strides = array<i32>} : memref<4096xi32, #tpu.memory_space<vmem>>, vector<16xi32>,
      %swap3A_859 = vector.shape_cast %swap3A_858 : vector<16xi32> to vector<16xi32>
      %swap3A_860 = vector.shape_cast %get3A_453 : vector<16xi32> to vector<16xi32>
      tpu.vector_store %arg12[%swap3A_857], %swap3A_860 {strides = array<i32>} : memref<4096xi32, #tpu.memory_space<vmem>>, vector<16xi32>,
      %swap3A_861 = arith.constant 1632 : index
      %swap3A_862 = tpu.vector_load %arg12[%swap3A_861] {strides = array<i32>} : memref<4096xi32, #tpu.memory_space<vmem>>, vector<16xi32>,
      %swap3A_863 = vector.shape_cast %swap3A_862 : vector<16xi32> to vector<16xi32>
      %swap3A_864 = vector.shape_cast %get3A_453 : vector<16xi32> to vector<16xi32>
      tpu.vector_store %arg12[%swap3A_861], %swap3A_864 {strides = array<i32>} : memref<4096xi32, #tpu.memory_space<vmem>>, vector<16xi32>,
      %swap3A_865 = arith.constant 1648 : index
      %swap3A_866 = tpu.vector_load %arg12[%swap3A_865] {strides = array<i32>} : memref<4096xi32, #tpu.memory_space<vmem>>, vector<16xi32>,
      %swap3A_867 = vector.shape_cast %swap3A_866 : vector<16xi32> to vector<16xi32>
      %swap3A_868 = vector.shape_cast %get3A_453 : vector<16xi32> to vector<16xi32>
      tpu.vector_store %arg12[%swap3A_865], %swap3A_868 {strides = array<i32>} : memref<4096xi32, #tpu.memory_space<vmem>>, vector<16xi32>,
      %swap3A_869 = arith.constant 1664 : index
      %swap3A_870 = tpu.vector_load %arg12[%swap3A_869] {strides = array<i32>} : memref<4096xi32, #tpu.memory_space<vmem>>, vector<16xi32>,
      %swap3A_871 = vector.shape_cast %swap3A_870 : vector<16xi32> to vector<16xi32>
      %swap3A_872 = vector.shape_cast %get3A_453 : vector<16xi32> to vector<16xi32>
      tpu.vector_store %arg12[%swap3A_869], %swap3A_872 {strides = array<i32>} : memref<4096xi32, #tpu.memory_space<vmem>>, vector<16xi32>,
      %swap3A_873 = arith.constant 1680 : index
      %swap3A_874 = tpu.vector_load %arg12[%swap3A_873] {strides = array<i32>} : memref<4096xi32, #tpu.memory_space<vmem>>, vector<16xi32>,
      %swap3A_875 = vector.shape_cast %swap3A_874 : vector<16xi32> to vector<16xi32>
      %swap3A_876 = vector.shape_cast %get3A_453 : vector<16xi32> to vector<16xi32>
      tpu.vector_store %arg12[%swap3A_873], %swap3A_876 {strides = array<i32>} : memref<4096xi32, #tpu.memory_space<vmem>>, vector<16xi32>,
      %swap3A_877 = arith.constant 1696 : index
      %swap3A_878 = tpu.vector_load %arg12[%swap3A_877] {strides = array<i32>} : memref<4096xi32, #tpu.memory_space<vmem>>, vector<16xi32>,
      %swap3A_879 = vector.shape_cast %swap3A_878 : vector<16xi32> to vector<16xi32>
      %swap3A_880 = vector.shape_cast %get3A_453 : vector<16xi32> to vector<16xi32>
      tpu.vector_store %arg12[%swap3A_877], %swap3A_880 {strides = array<i32>} : memref<4096xi32, #tpu.memory_space<vmem>>, vector<16xi32>,
      %swap3A_881 = arith.constant 1712 : index
      %swap3A_882 = tpu.vector_load %arg12[%swap3A_881] {strides = array<i32>} : memref<4096xi32, #tpu.memory_space<vmem>>, vector<16xi32>,
      %swap3A_883 = vector.shape_cast %swap3A_882 : vector<16xi32> to vector<16xi32>
      %swap3A_884 = vector.shape_cast %get3A_453 : vector<16xi32> to vector<16xi32>
      tpu.vector_store %arg12[%swap3A_881], %swap3A_884 {strides = array<i32>} : memref<4096xi32, #tpu.memory_space<vmem>>, vector<16xi32>,
      %swap3A_885 = arith.constant 1728 : index
      %swap3A_886 = tpu.vector_load %arg12[%swap3A_885] {strides = array<i32>} : memref<4096xi32, #tpu.memory_space<vmem>>, vector<16xi32>,
      %swap3A_887 = vector.shape_cast %swap3A_886 : vector<16xi32> to vector<16xi32>
      %swap3A_888 = vector.shape_cast %get3A_453 : vector<16xi32> to vector<16xi32>
      tpu.vector_store %arg12[%swap3A_885], %swap3A_888 {strides = array<i32>} : memref<4096xi32, #tpu.memory_space<vmem>>, vector<16xi32>,
      %swap3A_889 = arith.constant 1744 : index
      %swap3A_890 = tpu.vector_load %arg12[%swap3A_889] {strides = array<i32>} : memref<4096xi32, #tpu.memory_space<vmem>>, vector<16xi32>,
      %swap3A_891 = vector.shape_cast %swap3A_890 : vector<16xi32> to vector<16xi32>
      %swap3A_892 = vector.shape_cast %get3A_453 : vector<16xi32> to vector<16xi32>
      tpu.vector_store %arg12[%swap3A_889], %swap3A_892 {strides = array<i32>} : memref<4096xi32, #tpu.memory_space<vmem>>, vector<16xi32>,
      %swap3A_893 = arith.constant 1760 : index
      %swap3A_894 = tpu.vector_load %arg12[%swap3A_893] {strides = array<i32>} : memref<4096xi32, #tpu.memory_space<vmem>>, vector<16xi32>,
      %swap3A_895 = vector.shape_cast %swap3A_894 : vector<16xi32> to vector<16xi32>
      %swap3A_896 = vector.shape_cast %get3A_453 : vector<16xi32> to vector<16xi32>
      tpu.vector_store %arg12[%swap3A_893], %swap3A_896 {strides = array<i32>} : memref<4096xi32, #tpu.memory_space<vmem>>, vector<16xi32>,
      %swap3A_897 = arith.constant 1776 : index
      %swap3A_898 = tpu.vector_load %arg12[%swap3A_897] {strides = array<i32>} : memref<4096xi32, #tpu.memory_space<vmem>>, vector<16xi32>,
      %swap3A_899 = vector.shape_cast %swap3A_898 : vector<16xi32> to vector<16xi32>
      %swap3A_900 = vector.shape_cast %get3A_453 : vector<16xi32> to vector<16xi32>
      tpu.vector_store %arg12[%swap3A_897], %swap3A_900 {strides = array<i32>} : memref<4096xi32, #tpu.memory_space<vmem>>, vector<16xi32>,
      %swap3A_901 = arith.constant 1792 : index
      %swap3A_902 = tpu.vector_load %arg12[%swap3A_901] {strides = array<i32>} : memref<4096xi32, #tpu.memory_space<vmem>>, vector<16xi32>,
      %swap3A_903 = vector.shape_cast %swap3A_902 : vector<16xi32> to vector<16xi32>
      %swap3A_904 = vector.shape_cast %get3A_453 : vector<16xi32> to vector<16xi32>
      tpu.vector_store %arg12[%swap3A_901], %swap3A_904 {strides = array<i32>} : memref<4096xi32, #tpu.memory_space<vmem>>, vector<16xi32>,
      %swap3A_905 = arith.constant 1808 : index
      %swap3A_906 = tpu.vector_load %arg12[%swap3A_905] {strides = array<i32>} : memref<4096xi32, #tpu.memory_space<vmem>>, vector<16xi32>,
      %swap3A_907 = vector.shape_cast %swap3A_906 : vector<16xi32> to vector<16xi32>
      %swap3A_908 = vector.shape_cast %get3A_453 : vector<16xi32> to vector<16xi32>
      tpu.vector_store %arg12[%swap3A_905], %swap3A_908 {strides = array<i32>} : memref<4096xi32, #tpu.memory_space<vmem>>, vector<16xi32>,
      %swap3A_909 = arith.constant 1824 : index
      %swap3A_910 = tpu.vector_load %arg12[%swap3A_909] {strides = array<i32>} : memref<4096xi32, #tpu.memory_space<vmem>>, vector<16xi32>,
      %swap3A_911 = vector.shape_cast %swap3A_910 : vector<16xi32> to vector<16xi32>
      %swap3A_912 = vector.shape_cast %get3A_453 : vector<16xi32> to vector<16xi32>
      tpu.vector_store %arg12[%swap3A_909], %swap3A_912 {strides = array<i32>} : memref<4096xi32, #tpu.memory_space<vmem>>, vector<16xi32>,
      %swap3A_913 = arith.constant 1840 : index
      %swap3A_914 = tpu.vector_load %arg12[%swap3A_913] {strides = array<i32>} : memref<4096xi32, #tpu.memory_space<vmem>>, vector<16xi32>,
      %swap3A_915 = vector.shape_cast %swap3A_914 : vector<16xi32> to vector<16xi32>
      %swap3A_916 = vector.shape_cast %get3A_453 : vector<16xi32> to vector<16xi32>
      tpu.vector_store %arg12[%swap3A_913], %swap3A_916 {strides = array<i32>} : memref<4096xi32, #tpu.memory_space<vmem>>, vector<16xi32>,
      %swap3A_917 = arith.constant 1856 : index
      %swap3A_918 = tpu.vector_load %arg12[%swap3A_917] {strides = array<i32>} : memref<4096xi32, #tpu.memory_space<vmem>>, vector<16xi32>,
      %swap3A_919 = vector.shape_cast %swap3A_918 : vector<16xi32> to vector<16xi32>
      %swap3A_920 = vector.shape_cast %get3A_453 : vector<16xi32> to vector<16xi32>
      tpu.vector_store %arg12[%swap3A_917], %swap3A_920 {strides = array<i32>} : memref<4096xi32, #tpu.memory_space<vmem>>, vector<16xi32>,
      %swap3A_921 = arith.constant 1872 : index
      %swap3A_922 = tpu.vector_load %arg12[%swap3A_921] {strides = array<i32>} : memref<4096xi32, #tpu.memory_space<vmem>>, vector<16xi32>,
      %swap3A_923 = vector.shape_cast %swap3A_922 : vector<16xi32> to vector<16xi32>
      %swap3A_924 = vector.shape_cast %get3A_453 : vector<16xi32> to vector<16xi32>
      tpu.vector_store %arg12[%swap3A_921], %swap3A_924 {strides = array<i32>} : memref<4096xi32, #tpu.memory_space<vmem>>, vector<16xi32>,
      %swap3A_925 = arith.constant 1888 : index
      %swap3A_926 = tpu.vector_load %arg12[%swap3A_925] {strides = array<i32>} : memref<4096xi32, #tpu.memory_space<vmem>>, vector<16xi32>,
      %swap3A_927 = vector.shape_cast %swap3A_926 : vector<16xi32> to vector<16xi32>
      %swap3A_928 = vector.shape_cast %get3A_453 : vector<16xi32> to vector<16xi32>
      tpu.vector_store %arg12[%swap3A_925], %swap3A_928 {strides = array<i32>} : memref<4096xi32, #tpu.memory_space<vmem>>, vector<16xi32>,
      %swap3A_929 = arith.constant 1904 : index
      %swap3A_930 = tpu.vector_load %arg12[%swap3A_929] {strides = array<i32>} : memref<4096xi32, #tpu.memory_space<vmem>>, vector<16xi32>,
      %swap3A_931 = vector.shape_cast %swap3A_930 : vector<16xi32> to vector<16xi32>
      %swap3A_932 = vector.shape_cast %get3A_453 : vector<16xi32> to vector<16xi32>
      tpu.vector_store %arg12[%swap3A_929], %swap3A_932 {strides = array<i32>} : memref<4096xi32, #tpu.memory_space<vmem>>, vector<16xi32>,
      %swap3A_933 = arith.constant 1920 : index
      %swap3A_934 = tpu.vector_load %arg12[%swap3A_933] {strides = array<i32>} : memref<4096xi32, #tpu.memory_space<vmem>>, vector<16xi32>,
      %swap3A_935 = vector.shape_cast %swap3A_934 : vector<16xi32> to vector<16xi32>
      %swap3A_936 = vector.shape_cast %get3A_453 : vector<16xi32> to vector<16xi32>
      tpu.vector_store %arg12[%swap3A_933], %swap3A_936 {strides = array<i32>} : memref<4096xi32, #tpu.memory_space<vmem>>, vector<16xi32>,
      %swap3A_937 = arith.constant 1936 : index
      %swap3A_938 = tpu.vector_load %arg12[%swap3A_937] {strides = array<i32>} : memref<4096xi32, #tpu.memory_space<vmem>>, vector<16xi32>,
      %swap3A_939 = vector.shape_cast %swap3A_938 : vector<16xi32> to vector<16xi32>
      %swap3A_940 = vector.shape_cast %get3A_453 : vector<16xi32> to vector<16xi32>
      tpu.vector_store %arg12[%swap3A_937], %swap3A_940 {strides = array<i32>} : memref<4096xi32, #tpu.memory_space<vmem>>, vector<16xi32>,
      %swap3A_941 = arith.constant 1952 : index
      %swap3A_942 = tpu.vector_load %arg12[%swap3A_941] {strides = array<i32>} : memref<4096xi32, #tpu.memory_space<vmem>>, vector<16xi32>,
      %swap3A_943 = vector.shape_cast %swap3A_942 : vector<16xi32> to vector<16xi32>
      %swap3A_944 = vector.shape_cast %get3A_453 : vector<16xi32> to vector<16xi32>
      tpu.vector_store %arg12[%swap3A_941], %swap3A_944 {strides = array<i32>} : memref<4096xi32, #tpu.memory_space<vmem>>, vector<16xi32>,
      %swap3A_945 = arith.constant 1968 : index
      %swap3A_946 = tpu.vector_load %arg12[%swap3A_945] {strides = array<i32>} : memref<4096xi32, #tpu.memory_space<vmem>>, vector<16xi32>,
      %swap3A_947 = vector.shape_cast %swap3A_946 : vector<16xi32> to vector<16xi32>
      %swap3A_948 = vector.shape_cast %get3A_453 : vector<16xi32> to vector<16xi32>
      tpu.vector_store %arg12[%swap3A_945], %swap3A_948 {strides = array<i32>} : memref<4096xi32, #tpu.memory_space<vmem>>, vector<16xi32>,
      %swap3A_949 = arith.constant 1984 : index
      %swap3A_950 = tpu.vector_load %arg12[%swap3A_949] {strides = array<i32>} : memref<4096xi32, #tpu.memory_space<vmem>>, vector<16xi32>,
      %swap3A_951 = vector.shape_cast %swap3A_950 : vector<16xi32> to vector<16xi32>
      %swap3A_952 = vector.shape_cast %get3A_453 : vector<16xi32> to vector<16xi32>
      tpu.vector_store %arg12[%swap3A_949], %swap3A_952 {strides = array<i32>} : memref<4096xi32, #tpu.memory_space<vmem>>, vector<16xi32>,
      %swap3A_953 = arith.constant 2000 : index
      %swap3A_954 = tpu.vector_load %arg12[%swap3A_953] {strides = array<i32>} : memref<4096xi32, #tpu.memory_space<vmem>>, vector<16xi32>,
      %swap3A_955 = vector.shape_cast %swap3A_954 : vector<16xi32> to vector<16xi32>
      %swap3A_956 = vector.shape_cast %get3A_453 : vector<16xi32> to vector<16xi32>
      tpu.vector_store %arg12[%swap3A_953], %swap3A_956 {strides = array<i32>} : memref<4096xi32, #tpu.memory_space<vmem>>, vector<16xi32>,
      %swap3A_957 = arith.constant 2016 : index
      %swap3A_958 = tpu.vector_load %arg12[%swap3A_957] {strides = array<i32>} : memref<4096xi32, #tpu.memory_space<vmem>>, vector<16xi32>,
      %swap3A_959 = vector.shape_cast %swap3A_958 : vector<16xi32> to vector<16xi32>
      %swap3A_960 = vector.shape_cast %get3A_453 : vector<16xi32> to vector<16xi32>
      tpu.vector_store %arg12[%swap3A_957], %swap3A_960 {strides = array<i32>} : memref<4096xi32, #tpu.memory_space<vmem>>, vector<16xi32>,
      %swap3A_961 = arith.constant 2032 : index
      %swap3A_962 = tpu.vector_load %arg12[%swap3A_961] {strides = array<i32>} : memref<4096xi32, #tpu.memory_space<vmem>>, vector<16xi32>,
      %swap3A_963 = vector.shape_cast %swap3A_962 : vector<16xi32> to vector<16xi32>
      %swap3A_964 = vector.shape_cast %get3A_453 : vector<16xi32> to vector<16xi32>
      tpu.vector_store %arg12[%swap3A_961], %swap3A_964 {strides = array<i32>} : memref<4096xi32, #tpu.memory_space<vmem>>, vector<16xi32>,
      %swap3A_965 = arith.constant 2048 : index
      %swap3A_966 = tpu.vector_load %arg12[%swap3A_965] {strides = array<i32>} : memref<4096xi32, #tpu.memory_space<vmem>>, vector<16xi32>,
      %swap3A_967 = vector.shape_cast %swap3A_966 : vector<16xi32> to vector<16xi32>
      %swap3A_968 = vector.shape_cast %get3A_453 : vector<16xi32> to vector<16xi32>
      tpu.vector_store %arg12[%swap3A_965], %swap3A_968 {strides = array<i32>} : memref<4096xi32, #tpu.memory_space<vmem>>, vector<16xi32>,
      %swap3A_969 = arith.constant 2064 : index
      %swap3A_970 = tpu.vector_load %arg12[%swap3A_969] {strides = array<i32>} : memref<4096xi32, #tpu.memory_space<vmem>>, vector<16xi32>,
      %swap3A_971 = vector.shape_cast %swap3A_970 : vector<16xi32> to vector<16xi32>
      %swap3A_972 = vector.shape_cast %get3A_453 : vector<16xi32> to vector<16xi32>
      tpu.vector_store %arg12[%swap3A_969], %swap3A_972 {strides = array<i32>} : memref<4096xi32, #tpu.memory_space<vmem>>, vector<16xi32>,
      %swap3A_973 = arith.constant 2080 : index
      %swap3A_974 = tpu.vector_load %arg12[%swap3A_973] {strides = array<i32>} : memref<4096xi32, #tpu.memory_space<vmem>>, vector<16xi32>,
      %swap3A_975 = vector.shape_cast %swap3A_974 : vector<16xi32> to vector<16xi32>
      %swap3A_976 = vector.shape_cast %get3A_453 : vector<16xi32> to vector<16xi32>
      tpu.vector_store %arg12[%swap3A_973], %swap3A_976 {strides = array<i32>} : memref<4096xi32, #tpu.memory_space<vmem>>, vector<16xi32>,
      %swap3A_977 = arith.constant 2096 : index
      %swap3A_978 = tpu.vector_load %arg12[%swap3A_977] {strides = array<i32>} : memref<4096xi32, #tpu.memory_space<vmem>>, vector<16xi32>,
      %swap3A_979 = vector.shape_cast %swap3A_978 : vector<16xi32> to vector<16xi32>
      %swap3A_980 = vector.shape_cast %get3A_453 : vector<16xi32> to vector<16xi32>
      tpu.vector_store %arg12[%swap3A_977], %swap3A_980 {strides = array<i32>} : memref<4096xi32, #tpu.memory_space<vmem>>, vector<16xi32>,
      %swap3A_981 = arith.constant 2112 : index
      %swap3A_982 = tpu.vector_load %arg12[%swap3A_981] {strides = array<i32>} : memref<4096xi32, #tpu.memory_space<vmem>>, vector<16xi32>,
      %swap3A_983 = vector.shape_cast %swap3A_982 : vector<16xi32> to vector<16xi32>
      %swap3A_984 = vector.shape_cast %get3A_453 : vector<16xi32> to vector<16xi32>
      tpu.vector_store %arg12[%swap3A_981], %swap3A_984 {strides = array<i32>} : memref<4096xi32, #tpu.memory_space<vmem>>, vector<16xi32>,
      %swap3A_985 = arith.constant 2128 : index
      %swap3A_986 = tpu.vector_load %arg12[%swap3A_985] {strides = array<i32>} : memref<4096xi32, #tpu.memory_space<vmem>>, vector<16xi32>,
      %swap3A_987 = vector.shape_cast %swap3A_986 : vector<16xi32> to vector<16xi32>
      %swap3A_988 = vector.shape_cast %get3A_453 : vector<16xi32> to vector<16xi32>
      tpu.vector_store %arg12[%swap3A_985], %swap3A_988 {strides = array<i32>} : memref<4096xi32, #tpu.memory_space<vmem>>, vector<16xi32>,
      %swap3A_989 = arith.constant 2144 : index
      %swap3A_990 = tpu.vector_load %arg12[%swap3A_989] {strides = array<i32>} : memref<4096xi32, #tpu.memory_space<vmem>>, vector<16xi32>,
      %swap3A_991 = vector.shape_cast %swap3A_990 : vector<16xi32> to vector<16xi32>
      %swap3A_992 = vector.shape_cast %get3A_453 : vector<16xi32> to vector<16xi32>
      tpu.vector_store %arg12[%swap3A_989], %swap3A_992 {strides = array<i32>} : memref<4096xi32, #tpu.memory_space<vmem>>, vector<16xi32>,
      %swap3A_993 = arith.constant 2160 : index
      %swap3A_994 = tpu.vector_load %arg12[%swap3A_993] {strides = array<i32>} : memref<4096xi32, #tpu.memory_space<vmem>>, vector<16xi32>,
      %swap3A_995 = vector.shape_cast %swap3A_994 : vector<16xi32> to vector<16xi32>
      %swap3A_996 = vector.shape_cast %get3A_453 : vector<16xi32> to vector<16xi32>
      tpu.vector_store %arg12[%swap3A_993], %swap3A_996 {strides = array<i32>} : memref<4096xi32, #tpu.memory_space<vmem>>, vector<16xi32>,
      %swap3A_997 = arith.constant 2176 : index
      %swap3A_998 = tpu.vector_load %arg12[%swap3A_997] {strides = array<i32>} : memref<4096xi32, #tpu.memory_space<vmem>>, vector<16xi32>,
      %swap3A_999 = vector.shape_cast %swap3A_998 : vector<16xi32> to vector<16xi32>
      %swap3A_1000 = vector.shape_cast %get3A_453 : vector<16xi32> to vector<16xi32>
      tpu.vector_store %arg12[%swap3A_997], %swap3A_1000 {strides = array<i32>} : memref<4096xi32, #tpu.memory_space<vmem>>, vector<16xi32>,
      %swap3A_1001 = arith.constant 2192 : index
      %swap3A_1002 = tpu.vector_load %arg12[%swap3A_1001] {strides = array<i32>} : memref<4096xi32, #tpu.memory_space<vmem>>, vector<16xi32>,
      %swap3A_1003 = vector.shape_cast %swap3A_1002 : vector<16xi32> to vector<16xi32>
      %swap3A_1004 = vector.shape_cast %get3A_453 : vector<16xi32> to vector<16xi32>
      tpu.vector_store %arg12[%swap3A_1001], %swap3A_1004 {strides = array<i32>} : memref<4096xi32, #tpu.memory_space<vmem>>, vector<16xi32>,
      %swap3A_1005 = arith.constant 2208 : index
      %swap3A_1006 = tpu.vector_load %arg12[%swap3A_1005] {strides = array<i32>} : memref<4096xi32, #tpu.memory_space<vmem>>, vector<16xi32>,
      %swap3A_1007 = vector.shape_cast %swap3A_1006 : vector<16xi32> to vector<16xi32>
      %swap3A_1008 = vector.shape_cast %get3A_453 : vector<16xi32> to vector<16xi32>
      tpu.vector_store %arg12[%swap3A_1005], %swap3A_1008 {strides = array<i32>} : memref<4096xi32, #tpu.memory_space<vmem>>, vector<16xi32>,
      %swap3A_1009 = arith.constant 2224 : index
      %swap3A_1010 = tpu.vector_load %arg12[%swap3A_1009] {strides = array<i32>} : memref<4096xi32, #tpu.memory_space<vmem>>, vector<16xi32>,
      %swap3A_1011 = vector.shape_cast %swap3A_1010 : vector<16xi32> to vector<16xi32>
      %swap3A_1012 = vector.shape_cast %get3A_453 : vector<16xi32> to vector<16xi32>
      tpu.vector_store %arg12[%swap3A_1009], %swap3A_1012 {strides = array<i32>} : memref<4096xi32, #tpu.memory_space<vmem>>, vector<16xi32>,
      %swap3A_1013 = arith.constant 2240 : index
      %swap3A_1014 = tpu.vector_load %arg12[%swap3A_1013] {strides = array<i32>} : memref<4096xi32, #tpu.memory_space<vmem>>, vector<16xi32>,
      %swap3A_1015 = vector.shape_cast %swap3A_1014 : vector<16xi32> to vector<16xi32>
      %swap3A_1016 = vector.shape_cast %get3A_453 : vector<16xi32> to vector<16xi32>
      tpu.vector_store %arg12[%swap3A_1013], %swap3A_1016 {strides = array<i32>} : memref<4096xi32, #tpu.memory_space<vmem>>, vector<16xi32>,
      %swap3A_1017 = arith.constant 2256 : index
      %swap3A_1018 = tpu.vector_load %arg12[%swap3A_1017] {strides = array<i32>} : memref<4096xi32, #tpu.memory_space<vmem>>, vector<16xi32>,
      %swap3A_1019 = vector.shape_cast %swap3A_1018 : vector<16xi32> to vector<16xi32>
      %swap3A_1020 = vector.shape_cast %get3A_453 : vector<16xi32> to vector<16xi32>
      tpu.vector_store %arg12[%swap3A_1017], %swap3A_1020 {strides = array<i32>} : memref<4096xi32, #tpu.memory_space<vmem>>, vector<16xi32>,
      %swap3A_1021 = arith.constant 2272 : index
      %swap3A_1022 = tpu.vector_load %arg12[%swap3A_1021] {strides = array<i32>} : memref<4096xi32, #tpu.memory_space<vmem>>, vector<16xi32>,
      %swap3A_1023 = vector.shape_cast %swap3A_1022 : vector<16xi32> to vector<16xi32>
      %swap3A_1024 = vector.shape_cast %get3A_453 : vector<16xi32> to vector<16xi32>
      tpu.vector_store %arg12[%swap3A_1021], %swap3A_1024 {strides = array<i32>} : memref<4096xi32, #tpu.memory_space<vmem>>, vector<16xi32>,
      %swap3A_1025 = arith.constant 2288 : index
      %swap3A_1026 = tpu.vector_load %arg12[%swap3A_1025] {strides = array<i32>} : memref<4096xi32, #tpu.memory_space<vmem>>, vector<16xi32>,
      %swap3A_1027 = vector.shape_cast %swap3A_1026 : vector<16xi32> to vector<16xi32>
      %swap3A_1028 = vector.shape_cast %get3A_453 : vector<16xi32> to vector<16xi32>
      tpu.vector_store %arg12[%swap3A_1025], %swap3A_1028 {strides = array<i32>} : memref<4096xi32, #tpu.memory_space<vmem>>, vector<16xi32>,
      %swap3A_1029 = arith.constant 2304 : index
      %swap3A_1030 = tpu.vector_load %arg12[%swap3A_1029] {strides = array<i32>} : memref<4096xi32, #tpu.memory_space<vmem>>, vector<16xi32>,
      %swap3A_1031 = vector.shape_cast %swap3A_1030 : vector<16xi32> to vector<16xi32>
      %swap3A_1032 = vector.shape_cast %get3A_453 : vector<16xi32> to vector<16xi32>
      tpu.vector_store %arg12[%swap3A_1029], %swap3A_1032 {strides = array<i32>} : memref<4096xi32, #tpu.memory_space<vmem>>, vector<16xi32>,
      %swap3A_1033 = arith.constant 2320 : index
      %swap3A_1034 = tpu.vector_load %arg12[%swap3A_1033] {strides = array<i32>} : memref<4096xi32, #tpu.memory_space<vmem>>, vector<16xi32>,
      %swap3A_1035 = vector.shape_cast %swap3A_1034 : vector<16xi32> to vector<16xi32>
      %swap3A_1036 = vector.shape_cast %get3A_453 : vector<16xi32> to vector<16xi32>
      tpu.vector_store %arg12[%swap3A_1033], %swap3A_1036 {strides = array<i32>} : memref<4096xi32, #tpu.memory_space<vmem>>, vector<16xi32>,
      %swap3A_1037 = arith.constant 2336 : index
      %swap3A_1038 = tpu.vector_load %arg12[%swap3A_1037] {strides = array<i32>} : memref<4096xi32, #tpu.memory_space<vmem>>, vector<16xi32>,
      %swap3A_1039 = vector.shape_cast %swap3A_1038 : vector<16xi32> to vector<16xi32>
      %swap3A_1040 = vector.shape_cast %get3A_453 : vector<16xi32> to vector<16xi32>
      tpu.vector_store %arg12[%swap3A_1037], %swap3A_1040 {strides = array<i32>} : memref<4096xi32, #tpu.memory_space<vmem>>, vector<16xi32>,
      %swap3A_1041 = arith.constant 2352 : index
      %swap3A_1042 = tpu.vector_load %arg12[%swap3A_1041] {strides = array<i32>} : memref<4096xi32, #tpu.memory_space<vmem>>, vector<16xi32>,
      %swap3A_1043 = vector.shape_cast %swap3A_1042 : vector<16xi32> to vector<16xi32>
      %swap3A_1044 = vector.shape_cast %get3A_453 : vector<16xi32> to vector<16xi32>
      tpu.vector_store %arg12[%swap3A_1041], %swap3A_1044 {strides = array<i32>} : memref<4096xi32, #tpu.memory_space<vmem>>, vector<16xi32>,
      %swap3A_1045 = arith.constant 2368 : index
      %swap3A_1046 = tpu.vector_load %arg12[%swap3A_1045] {strides = array<i32>} : memref<4096xi32, #tpu.memory_space<vmem>>, vector<16xi32>,
      %swap3A_1047 = vector.shape_cast %swap3A_1046 : vector<16xi32> to vector<16xi32>
      %swap3A_1048 = vector.shape_cast %get3A_453 : vector<16xi32> to vector<16xi32>
      tpu.vector_store %arg12[%swap3A_1045], %swap3A_1048 {strides = array<i32>} : memref<4096xi32, #tpu.memory_space<vmem>>, vector<16xi32>,
      %swap3A_1049 = arith.constant 2384 : index
      %swap3A_1050 = tpu.vector_load %arg12[%swap3A_1049] {strides = array<i32>} : memref<4096xi32, #tpu.memory_space<vmem>>, vector<16xi32>,
      %swap3A_1051 = vector.shape_cast %swap3A_1050 : vector<16xi32> to vector<16xi32>
      %swap3A_1052 = vector.shape_cast %get3A_453 : vector<16xi32> to vector<16xi32>
      tpu.vector_store %arg12[%swap3A_1049], %swap3A_1052 {strides = array<i32>} : memref<4096xi32, #tpu.memory_space<vmem>>, vector<16xi32>,
      %swap3A_1053 = arith.constant 2400 : index
      %swap3A_1054 = tpu.vector_load %arg12[%swap3A_1053] {strides = array<i32>} : memref<4096xi32, #tpu.memory_space<vmem>>, vector<16xi32>,
      %swap3A_1055 = vector.shape_cast %swap3A_1054 : vector<16xi32> to vector<16xi32>
      %swap3A_1056 = vector.shape_cast %get3A_453 : vector<16xi32> to vector<16xi32>
      tpu.vector_store %arg12[%swap3A_1053], %swap3A_1056 {strides = array<i32>} : memref<4096xi32, #tpu.memory_space<vmem>>, vector<16xi32>,
      %swap3A_1057 = arith.constant 2416 : index
      %swap3A_1058 = tpu.vector_load %arg12[%swap3A_1057] {strides = array<i32>} : memref<4096xi32, #tpu.memory_space<vmem>>, vector<16xi32>,
      %swap3A_1059 = vector.shape_cast %swap3A_1058 : vector<16xi32> to vector<16xi32>
      %swap3A_1060 = vector.shape_cast %get3A_453 : vector<16xi32> to vector<16xi32>
      tpu.vector_store %arg12[%swap3A_1057], %swap3A_1060 {strides = array<i32>} : memref<4096xi32, #tpu.memory_space<vmem>>, vector<16xi32>,
      %swap3A_1061 = arith.constant 2432 : index
      %swap3A_1062 = tpu.vector_load %arg12[%swap3A_1061] {strides = array<i32>} : memref<4096xi32, #tpu.memory_space<vmem>>, vector<16xi32>,
      %swap3A_1063 = vector.shape_cast %swap3A_1062 : vector<16xi32> to vector<16xi32>
      %swap3A_1064 = vector.shape_cast %get3A_453 : vector<16xi32> to vector<16xi32>
      tpu.vector_store %arg12[%swap3A_1061], %swap3A_1064 {strides = array<i32>} : memref<4096xi32, #tpu.memory_space<vmem>>, vector<16xi32>,
      %swap3A_1065 = arith.constant 2448 : index
      %swap3A_1066 = tpu.vector_load %arg12[%swap3A_1065] {strides = array<i32>} : memref<4096xi32, #tpu.memory_space<vmem>>, vector<16xi32>,
      %swap3A_1067 = vector.shape_cast %swap3A_1066 : vector<16xi32> to vector<16xi32>
      %swap3A_1068 = vector.shape_cast %get3A_453 : vector<16xi32> to vector<16xi32>
      tpu.vector_store %arg12[%swap3A_1065], %swap3A_1068 {strides = array<i32>} : memref<4096xi32, #tpu.memory_space<vmem>>, vector<16xi32>,
      %swap3A_1069 = arith.constant 2464 : index
      %swap3A_1070 = tpu.vector_load %arg12[%swap3A_1069] {strides = array<i32>} : memref<4096xi32, #tpu.memory_space<vmem>>, vector<16xi32>,
      %swap3A_1071 = vector.shape_cast %swap3A_1070 : vector<16xi32> to vector<16xi32>
      %swap3A_1072 = vector.shape_cast %get3A_453 : vector<16xi32> to vector<16xi32>
      tpu.vector_store %arg12[%swap3A_1069], %swap3A_1072 {strides = array<i32>} : memref<4096xi32, #tpu.memory_space<vmem>>, vector<16xi32>,
      %swap3A_1073 = arith.constant 2480 : index
      %swap3A_1074 = tpu.vector_load %arg12[%swap3A_1073] {strides = array<i32>} : memref<4096xi32, #tpu.memory_space<vmem>>, vector<16xi32>,
      %swap3A_1075 = vector.shape_cast %swap3A_1074 : vector<16xi32> to vector<16xi32>
      %swap3A_1076 = vector.shape_cast %get3A_453 : vector<16xi32> to vector<16xi32>
      tpu.vector_store %arg12[%swap3A_1073], %swap3A_1076 {strides = array<i32>} : memref<4096xi32, #tpu.memory_space<vmem>>, vector<16xi32>,
      %swap3A_1077 = arith.constant 2496 : index
      %swap3A_1078 = tpu.vector_load %arg12[%swap3A_1077] {strides = array<i32>} : memref<4096xi32, #tpu.memory_space<vmem>>, vector<16xi32>,
      %swap3A_1079 = vector.shape_cast %swap3A_1078 : vector<16xi32> to vector<16xi32>
      %swap3A_1080 = vector.shape_cast %get3A_453 : vector<16xi32> to vector<16xi32>
      tpu.vector_store %arg12[%swap3A_1077], %swap3A_1080 {strides = array<i32>} : memref<4096xi32, #tpu.memory_space<vmem>>, vector<16xi32>,
      %swap3A_1081 = arith.constant 2512 : index
      %swap3A_1082 = tpu.vector_load %arg12[%swap3A_1081] {strides = array<i32>} : memref<4096xi32, #tpu.memory_space<vmem>>, vector<16xi32>,
      %swap3A_1083 = vector.shape_cast %swap3A_1082 : vector<16xi32> to vector<16xi32>
      %swap3A_1084 = vector.shape_cast %get3A_453 : vector<16xi32> to vector<16xi32>
      tpu.vector_store %arg12[%swap3A_1081], %swap3A_1084 {strides = array<i32>} : memref<4096xi32, #tpu.memory_space<vmem>>, vector<16xi32>,
      %swap3A_1085 = arith.constant 2528 : index
      %swap3A_1086 = tpu.vector_load %arg12[%swap3A_1085] {strides = array<i32>} : memref<4096xi32, #tpu.memory_space<vmem>>, vector<16xi32>,
      %swap3A_1087 = vector.shape_cast %swap3A_1086 : vector<16xi32> to vector<16xi32>
      %swap3A_1088 = vector.shape_cast %get3A_453 : vector<16xi32> to vector<16xi32>
      tpu.vector_store %arg12[%swap3A_1085], %swap3A_1088 {strides = array<i32>} : memref<4096xi32, #tpu.memory_space<vmem>>, vector<16xi32>,
      %swap3A_1089 = arith.constant 2544 : index
      %swap3A_1090 = tpu.vector_load %arg12[%swap3A_1089] {strides = array<i32>} : memref<4096xi32, #tpu.memory_space<vmem>>, vector<16xi32>,
      %swap3A_1091 = vector.shape_cast %swap3A_1090 : vector<16xi32> to vector<16xi32>
      %swap3A_1092 = vector.shape_cast %get3A_453 : vector<16xi32> to vector<16xi32>
      tpu.vector_store %arg12[%swap3A_1089], %swap3A_1092 {strides = array<i32>} : memref<4096xi32, #tpu.memory_space<vmem>>, vector<16xi32>,
      %swap3A_1093 = arith.constant 2560 : index
      %swap3A_1094 = tpu.vector_load %arg12[%swap3A_1093] {strides = array<i32>} : memref<4096xi32, #tpu.memory_space<vmem>>, vector<16xi32>,
      %swap3A_1095 = vector.shape_cast %swap3A_1094 : vector<16xi32> to vector<16xi32>
      %swap3A_1096 = vector.shape_cast %get3A_453 : vector<16xi32> to vector<16xi32>
      tpu.vector_store %arg12[%swap3A_1093], %swap3A_1096 {strides = array<i32>} : memref<4096xi32, #tpu.memory_space<vmem>>, vector<16xi32>,
      %swap3A_1097 = arith.constant 2576 : index
      %swap3A_1098 = tpu.vector_load %arg12[%swap3A_1097] {strides = array<i32>} : memref<4096xi32, #tpu.memory_space<vmem>>, vector<16xi32>,
      %swap3A_1099 = vector.shape_cast %swap3A_1098 : vector<16xi32> to vector<16xi32>
      %swap3A_1100 = vector.shape_cast %get3A_453 : vector<16xi32> to vector<16xi32>
      tpu.vector_store %arg12[%swap3A_1097], %swap3A_1100 {strides = array<i32>} : memref<4096xi32, #tpu.memory_space<vmem>>, vector<16xi32>,
      %swap3A_1101 = arith.constant 2592 : index
      %swap3A_1102 = tpu.vector_load %arg12[%swap3A_1101] {strides = array<i32>} : memref<4096xi32, #tpu.memory_space<vmem>>, vector<16xi32>,
      %swap3A_1103 = vector.shape_cast %swap3A_1102 : vector<16xi32> to vector<16xi32>
      %swap3A_1104 = vector.shape_cast %get3A_453 : vector<16xi32> to vector<16xi32>
      tpu.vector_store %arg12[%swap3A_1101], %swap3A_1104 {strides = array<i32>} : memref<4096xi32, #tpu.memory_space<vmem>>, vector<16xi32>,
      %swap3A_1105 = arith.constant 2608 : index
      %swap3A_1106 = tpu.vector_load %arg12[%swap3A_1105] {strides = array<i32>} : memref<4096xi32, #tpu.memory_space<vmem>>, vector<16xi32>,
      %swap3A_1107 = vector.shape_cast %swap3A_1106 : vector<16xi32> to vector<16xi32>
      %swap3A_1108 = vector.shape_cast %get3A_453 : vector<16xi32> to vector<16xi32>
      tpu.vector_store %arg12[%swap3A_1105], %swap3A_1108 {strides = array<i32>} : memref<4096xi32, #tpu.memory_space<vmem>>, vector<16xi32>,
      %swap3A_1109 = arith.constant 2624 : index
      %swap3A_1110 = tpu.vector_load %arg12[%swap3A_1109] {strides = array<i32>} : memref<4096xi32, #tpu.memory_space<vmem>>, vector<16xi32>,
      %swap3A_1111 = vector.shape_cast %swap3A_1110 : vector<16xi32> to vector<16xi32>
      %swap3A_1112 = vector.shape_cast %get3A_453 : vector<16xi32> to vector<16xi32>
      tpu.vector_store %arg12[%swap3A_1109], %swap3A_1112 {strides = array<i32>} : memref<4096xi32, #tpu.memory_space<vmem>>, vector<16xi32>,
      %swap3A_1113 = arith.constant 2640 : index
      %swap3A_1114 = tpu.vector_load %arg12[%swap3A_1113] {strides = array<i32>} : memref<4096xi32, #tpu.memory_space<vmem>>, vector<16xi32>,
      %swap3A_1115 = vector.shape_cast %swap3A_1114 : vector<16xi32> to vector<16xi32>
      %swap3A_1116 = vector.shape_cast %get3A_453 : vector<16xi32> to vector<16xi32>
      tpu.vector_store %arg12[%swap3A_1113], %swap3A_1116 {strides = array<i32>} : memref<4096xi32, #tpu.memory_space<vmem>>, vector<16xi32>,
      %swap3A_1117 = arith.constant 2656 : index
      %swap3A_1118 = tpu.vector_load %arg12[%swap3A_1117] {strides = array<i32>} : memref<4096xi32, #tpu.memory_space<vmem>>, vector<16xi32>,
      %swap3A_1119 = vector.shape_cast %swap3A_1118 : vector<16xi32> to vector<16xi32>
      %swap3A_1120 = vector.shape_cast %get3A_453 : vector<16xi32> to vector<16xi32>
      tpu.vector_store %arg12[%swap3A_1117], %swap3A_1120 {strides = array<i32>} : memref<4096xi32, #tpu.memory_space<vmem>>, vector<16xi32>,
      %swap3A_1121 = arith.constant 2672 : index
      %swap3A_1122 = tpu.vector_load %arg12[%swap3A_1121] {strides = array<i32>} : memref<4096xi32, #tpu.memory_space<vmem>>, vector<16xi32>,
      %swap3A_1123 = vector.shape_cast %swap3A_1122 : vector<16xi32> to vector<16xi32>
      %swap3A_1124 = vector.shape_cast %get3A_453 : vector<16xi32> to vector<16xi32>
      tpu.vector_store %arg12[%swap3A_1121], %swap3A_1124 {strides = array<i32>} : memref<4096xi32, #tpu.memory_space<vmem>>, vector<16xi32>,
      %swap3A_1125 = arith.constant 2688 : index
      %swap3A_1126 = tpu.vector_load %arg12[%swap3A_1125] {strides = array<i32>} : memref<4096xi32, #tpu.memory_space<vmem>>, vector<16xi32>,
      %swap3A_1127 = vector.shape_cast %swap3A_1126 : vector<16xi32> to vector<16xi32>
      %swap3A_1128 = vector.shape_cast %get3A_453 : vector<16xi32> to vector<16xi32>
      tpu.vector_store %arg12[%swap3A_1125], %swap3A_1128 {strides = array<i32>} : memref<4096xi32, #tpu.memory_space<vmem>>, vector<16xi32>,
      %swap3A_1129 = arith.constant 2704 : index
      %swap3A_1130 = tpu.vector_load %arg12[%swap3A_1129] {strides = array<i32>} : memref<4096xi32, #tpu.memory_space<vmem>>, vector<16xi32>,
      %swap3A_1131 = vector.shape_cast %swap3A_1130 : vector<16xi32> to vector<16xi32>
      %swap3A_1132 = vector.shape_cast %get3A_453 : vector<16xi32> to vector<16xi32>
      tpu.vector_store %arg12[%swap3A_1129], %swap3A_1132 {strides = array<i32>} : memref<4096xi32, #tpu.memory_space<vmem>>, vector<16xi32>,
      %swap3A_1133 = arith.constant 2720 : index
      %swap3A_1134 = tpu.vector_load %arg12[%swap3A_1133] {strides = array<i32>} : memref<4096xi32, #tpu.memory_space<vmem>>, vector<16xi32>,
      %swap3A_1135 = vector.shape_cast %swap3A_1134 : vector<16xi32> to vector<16xi32>
      %swap3A_1136 = vector.shape_cast %get3A_453 : vector<16xi32> to vector<16xi32>
      tpu.vector_store %arg12[%swap3A_1133], %swap3A_1136 {strides = array<i32>} : memref<4096xi32, #tpu.memory_space<vmem>>, vector<16xi32>,
      %swap3A_1137 = arith.constant 2736 : index
      %swap3A_1138 = tpu.vector_load %arg12[%swap3A_1137] {strides = array<i32>} : memref<4096xi32, #tpu.memory_space<vmem>>, vector<16xi32>,
      %swap3A_1139 = vector.shape_cast %swap3A_1138 : vector<16xi32> to vector<16xi32>
      %swap3A_1140 = vector.shape_cast %get3A_453 : vector<16xi32> to vector<16xi32>
      tpu.vector_store %arg12[%swap3A_1137], %swap3A_1140 {strides = array<i32>} : memref<4096xi32, #tpu.memory_space<vmem>>, vector<16xi32>,
      %swap3A_1141 = arith.constant 2752 : index
      %swap3A_1142 = tpu.vector_load %arg12[%swap3A_1141] {strides = array<i32>} : memref<4096xi32, #tpu.memory_space<vmem>>, vector<16xi32>,
      %swap3A_1143 = vector.shape_cast %swap3A_1142 : vector<16xi32> to vector<16xi32>
      %swap3A_1144 = vector.shape_cast %get3A_453 : vector<16xi32> to vector<16xi32>
      tpu.vector_store %arg12[%swap3A_1141], %swap3A_1144 {strides = array<i32>} : memref<4096xi32, #tpu.memory_space<vmem>>, vector<16xi32>,
      %swap3A_1145 = arith.constant 2768 : index
      %swap3A_1146 = tpu.vector_load %arg12[%swap3A_1145] {strides = array<i32>} : memref<4096xi32, #tpu.memory_space<vmem>>, vector<16xi32>,
      %swap3A_1147 = vector.shape_cast %swap3A_1146 : vector<16xi32> to vector<16xi32>
      %swap3A_1148 = vector.shape_cast %get3A_453 : vector<16xi32> to vector<16xi32>
      tpu.vector_store %arg12[%swap3A_1145], %swap3A_1148 {strides = array<i32>} : memref<4096xi32, #tpu.memory_space<vmem>>, vector<16xi32>,
      %swap3A_1149 = arith.constant 2784 : index
      %swap3A_1150 = tpu.vector_load %arg12[%swap3A_1149] {strides = array<i32>} : memref<4096xi32, #tpu.memory_space<vmem>>, vector<16xi32>,
      %swap3A_1151 = vector.shape_cast %swap3A_1150 : vector<16xi32> to vector<16xi32>
      %swap3A_1152 = vector.shape_cast %get3A_453 : vector<16xi32> to vector<16xi32>
      tpu.vector_store %arg12[%swap3A_1149], %swap3A_1152 {strides = array<i32>} : memref<4096xi32, #tpu.memory_space<vmem>>, vector<16xi32>,
      %swap3A_1153 = arith.constant 2800 : index
      %swap3A_1154 = tpu.vector_load %arg12[%swap3A_1153] {strides = array<i32>} : memref<4096xi32, #tpu.memory_space<vmem>>, vector<16xi32>,
      %swap3A_1155 = vector.shape_cast %swap3A_1154 : vector<16xi32> to vector<16xi32>
      %swap3A_1156 = vector.shape_cast %get3A_453 : vector<16xi32> to vector<16xi32>
      tpu.vector_store %arg12[%swap3A_1153], %swap3A_1156 {strides = array<i32>} : memref<4096xi32, #tpu.memory_space<vmem>>, vector<16xi32>,
      %swap3A_1157 = arith.constant 2816 : index
      %swap3A_1158 = tpu.vector_load %arg12[%swap3A_1157] {strides = array<i32>} : memref<4096xi32, #tpu.memory_space<vmem>>, vector<16xi32>,
      %swap3A_1159 = vector.shape_cast %swap3A_1158 : vector<16xi32> to vector<16xi32>
      %swap3A_1160 = vector.shape_cast %get3A_453 : vector<16xi32> to vector<16xi32>
      tpu.vector_store %arg12[%swap3A_1157], %swap3A_1160 {strides = array<i32>} : memref<4096xi32, #tpu.memory_space<vmem>>, vector<16xi32>,
      %swap3A_1161 = arith.constant 2832 : index
      %swap3A_1162 = tpu.vector_load %arg12[%swap3A_1161] {strides = array<i32>} : memref<4096xi32, #tpu.memory_space<vmem>>, vector<16xi32>,
      %swap3A_1163 = vector.shape_cast %swap3A_1162 : vector<16xi32> to vector<16xi32>
      %swap3A_1164 = vector.shape_cast %get3A_453 : vector<16xi32> to vector<16xi32>
      tpu.vector_store %arg12[%swap3A_1161], %swap3A_1164 {strides = array<i32>} : memref<4096xi32, #tpu.memory_space<vmem>>, vector<16xi32>,
      %swap3A_1165 = arith.constant 2848 : index
      %swap3A_1166 = tpu.vector_load %arg12[%swap3A_1165] {strides = array<i32>} : memref<4096xi32, #tpu.memory_space<vmem>>, vector<16xi32>,
      %swap3A_1167 = vector.shape_cast %swap3A_1166 : vector<16xi32> to vector<16xi32>
      %swap3A_1168 = vector.shape_cast %get3A_453 : vector<16xi32> to vector<16xi32>
      tpu.vector_store %arg12[%swap3A_1165], %swap3A_1168 {strides = array<i32>} : memref<4096xi32, #tpu.memory_space<vmem>>, vector<16xi32>,
      %swap3A_1169 = arith.constant 2864 : index
      %swap3A_1170 = tpu.vector_load %arg12[%swap3A_1169] {strides = array<i32>} : memref<4096xi32, #tpu.memory_space<vmem>>, vector<16xi32>,
      %swap3A_1171 = vector.shape_cast %swap3A_1170 : vector<16xi32> to vector<16xi32>
      %swap3A_1172 = vector.shape_cast %get3A_453 : vector<16xi32> to vector<16xi32>
      tpu.vector_store %arg12[%swap3A_1169], %swap3A_1172 {strides = array<i32>} : memref<4096xi32, #tpu.memory_space<vmem>>, vector<16xi32>,
      %swap3A_1173 = arith.constant 2880 : index
      %swap3A_1174 = tpu.vector_load %arg12[%swap3A_1173] {strides = array<i32>} : memref<4096xi32, #tpu.memory_space<vmem>>, vector<16xi32>,
      %swap3A_1175 = vector.shape_cast %swap3A_1174 : vector<16xi32> to vector<16xi32>
      %swap3A_1176 = vector.shape_cast %get3A_453 : vector<16xi32> to vector<16xi32>
      tpu.vector_store %arg12[%swap3A_1173], %swap3A_1176 {strides = array<i32>} : memref<4096xi32, #tpu.memory_space<vmem>>, vector<16xi32>,
      %swap3A_1177 = arith.constant 2896 : index
      %swap3A_1178 = tpu.vector_load %arg12[%swap3A_1177] {strides = array<i32>} : memref<4096xi32, #tpu.memory_space<vmem>>, vector<16xi32>,
      %swap3A_1179 = vector.shape_cast %swap3A_1178 : vector<16xi32> to vector<16xi32>
      %swap3A_1180 = vector.shape_cast %get3A_453 : vector<16xi32> to vector<16xi32>
      tpu.vector_store %arg12[%swap3A_1177], %swap3A_1180 {strides = array<i32>} : memref<4096xi32, #tpu.memory_space<vmem>>, vector<16xi32>,
      %swap3A_1181 = arith.constant 2912 : index
      %swap3A_1182 = tpu.vector_load %arg12[%swap3A_1181] {strides = array<i32>} : memref<4096xi32, #tpu.memory_space<vmem>>, vector<16xi32>,
      %swap3A_1183 = vector.shape_cast %swap3A_1182 : vector<16xi32> to vector<16xi32>
      %swap3A_1184 = vector.shape_cast %get3A_453 : vector<16xi32> to vector<16xi32>
      tpu.vector_store %arg12[%swap3A_1181], %swap3A_1184 {strides = array<i32>} : memref<4096xi32, #tpu.memory_space<vmem>>, vector<16xi32>,
      %swap3A_1185 = arith.constant 2928 : index
      %swap3A_1186 = tpu.vector_load %arg12[%swap3A_1185] {strides = array<i32>} : memref<4096xi32, #tpu.memory_space<vmem>>, vector<16xi32>,
      %swap3A_1187 = vector.shape_cast %swap3A_1186 : vector<16xi32> to vector<16xi32>
      %swap3A_1188 = vector.shape_cast %get3A_453 : vector<16xi32> to vector<16xi32>
      tpu.vector_store %arg12[%swap3A_1185], %swap3A_1188 {strides = array<i32>} : memref<4096xi32, #tpu.memory_space<vmem>>, vector<16xi32>,
      %swap3A_1189 = arith.constant 2944 : index
      %swap3A_1190 = tpu.vector_load %arg12[%swap3A_1189] {strides = array<i32>} : memref<4096xi32, #tpu.memory_space<vmem>>, vector<16xi32>,
      %swap3A_1191 = vector.shape_cast %swap3A_1190 : vector<16xi32> to vector<16xi32>
      %swap3A_1192 = vector.shape_cast %get3A_453 : vector<16xi32> to vector<16xi32>
      tpu.vector_store %arg12[%swap3A_1189], %swap3A_1192 {strides = array<i32>} : memref<4096xi32, #tpu.memory_space<vmem>>, vector<16xi32>,
      %swap3A_1193 = arith.constant 2960 : index
      %swap3A_1194 = tpu.vector_load %arg12[%swap3A_1193] {strides = array<i32>} : memref<4096xi32, #tpu.memory_space<vmem>>, vector<16xi32>,
      %swap3A_1195 = vector.shape_cast %swap3A_1194 : vector<16xi32> to vector<16xi32>
      %swap3A_1196 = vector.shape_cast %get3A_453 : vector<16xi32> to vector<16xi32>
      tpu.vector_store %arg12[%swap3A_1193], %swap3A_1196 {strides = array<i32>} : memref<4096xi32, #tpu.memory_space<vmem>>, vector<16xi32>,
      %swap3A_1197 = arith.constant 2976 : index
      %swap3A_1198 = tpu.vector_load %arg12[%swap3A_1197] {strides = array<i32>} : memref<4096xi32, #tpu.memory_space<vmem>>, vector<16xi32>,
      %swap3A_1199 = vector.shape_cast %swap3A_1198 : vector<16xi32> to vector<16xi32>
      %swap3A_1200 = vector.shape_cast %get3A_453 : vector<16xi32> to vector<16xi32>
      tpu.vector_store %arg12[%swap3A_1197], %swap3A_1200 {strides = array<i32>} : memref<4096xi32, #tpu.memory_space<vmem>>, vector<16xi32>,
      %swap3A_1201 = arith.constant 2992 : index
      %swap3A_1202 = tpu.vector_load %arg12[%swap3A_1201] {strides = array<i32>} : memref<4096xi32, #tpu.memory_space<vmem>>, vector<16xi32>,
      %swap3A_1203 = vector.shape_cast %swap3A_1202 : vector<16xi32> to vector<16xi32>
      %swap3A_1204 = vector.shape_cast %get3A_453 : vector<16xi32> to vector<16xi32>
      tpu.vector_store %arg12[%swap3A_1201], %swap3A_1204 {strides = array<i32>} : memref<4096xi32, #tpu.memory_space<vmem>>, vector<16xi32>,
      %swap3A_1205 = arith.constant 3008 : index
      %swap3A_1206 = tpu.vector_load %arg12[%swap3A_1205] {strides = array<i32>} : memref<4096xi32, #tpu.memory_space<vmem>>, vector<16xi32>,
      %swap3A_1207 = vector.shape_cast %swap3A_1206 : vector<16xi32> to vector<16xi32>
      %swap3A_1208 = vector.shape_cast %get3A_453 : vector<16xi32> to vector<16xi32>
      tpu.vector_store %arg12[%swap3A_1205], %swap3A_1208 {strides = array<i32>} : memref<4096xi32, #tpu.memory_space<vmem>>, vector<16xi32>,
      %swap3A_1209 = arith.constant 3024 : index
      %swap3A_1210 = tpu.vector_load %arg12[%swap3A_1209] {strides = array<i32>} : memref<4096xi32, #tpu.memory_space<vmem>>, vector<16xi32>,
      %swap3A_1211 = vector.shape_cast %swap3A_1210 : vector<16xi32> to vector<16xi32>
      %swap3A_1212 = vector.shape_cast %get3A_453 : vector<16xi32> to vector<16xi32>
      tpu.vector_store %arg12[%swap3A_1209], %swap3A_1212 {strides = array<i32>} : memref<4096xi32, #tpu.memory_space<vmem>>, vector<16xi32>,
      %swap3A_1213 = arith.constant 3040 : index
      %swap3A_1214 = tpu.vector_load %arg12[%swap3A_1213] {strides = array<i32>} : memref<4096xi32, #tpu.memory_space<vmem>>, vector<16xi32>,
      %swap3A_1215 = vector.shape_cast %swap3A_1214 : vector<16xi32> to vector<16xi32>
      %swap3A_1216 = vector.shape_cast %get3A_453 : vector<16xi32> to vector<16xi32>
      tpu.vector_store %arg12[%swap3A_1213], %swap3A_1216 {strides = array<i32>} : memref<4096xi32, #tpu.memory_space<vmem>>, vector<16xi32>,
      %swap3A_1217 = arith.constant 3056 : index
      %swap3A_1218 = tpu.vector_load %arg12[%swap3A_1217] {strides = array<i32>} : memref<4096xi32, #tpu.memory_space<vmem>>, vector<16xi32>,
      %swap3A_1219 = vector.shape_cast %swap3A_1218 : vector<16xi32> to vector<16xi32>
      %swap3A_1220 = vector.shape_cast %get3A_453 : vector<16xi32> to vector<16xi32>
      tpu.vector_store %arg12[%swap3A_1217], %swap3A_1220 {strides = array<i32>} : memref<4096xi32, #tpu.memory_space<vmem>>, vector<16xi32>,
      %swap3A_1221 = arith.constant 3072 : index
      %swap3A_1222 = tpu.vector_load %arg12[%swap3A_1221] {strides = array<i32>} : memref<4096xi32, #tpu.memory_space<vmem>>, vector<16xi32>,
      %swap3A_1223 = vector.shape_cast %swap3A_1222 : vector<16xi32> to vector<16xi32>
      %swap3A_1224 = vector.shape_cast %get3A_453 : vector<16xi32> to vector<16xi32>
      tpu.vector_store %arg12[%swap3A_1221], %swap3A_1224 {strides = array<i32>} : memref<4096xi32, #tpu.memory_space<vmem>>, vector<16xi32>,
      %swap3A_1225 = arith.constant 3088 : index
      %swap3A_1226 = tpu.vector_load %arg12[%swap3A_1225] {strides = array<i32>} : memref<4096xi32, #tpu.memory_space<vmem>>, vector<16xi32>,
      %swap3A_1227 = vector.shape_cast %swap3A_1226 : vector<16xi32> to vector<16xi32>
      %swap3A_1228 = vector.shape_cast %get3A_453 : vector<16xi32> to vector<16xi32>
      tpu.vector_store %arg12[%swap3A_1225], %swap3A_1228 {strides = array<i32>} : memref<4096xi32, #tpu.memory_space<vmem>>, vector<16xi32>,
      %swap3A_1229 = arith.constant 3104 : index
      %swap3A_1230 = tpu.vector_load %arg12[%swap3A_1229] {strides = array<i32>} : memref<4096xi32, #tpu.memory_space<vmem>>, vector<16xi32>,
      %swap3A_1231 = vector.shape_cast %swap3A_1230 : vector<16xi32> to vector<16xi32>
      %swap3A_1232 = vector.shape_cast %get3A_453 : vector<16xi32> to vector<16xi32>
      tpu.vector_store %arg12[%swap3A_1229], %swap3A_1232 {strides = array<i32>} : memref<4096xi32, #tpu.memory_space<vmem>>, vector<16xi32>,
      %swap3A_1233 = arith.constant 3120 : index
      %swap3A_1234 = tpu.vector_load %arg12[%swap3A_1233] {strides = array<i32>} : memref<4096xi32, #tpu.memory_space<vmem>>, vector<16xi32>,
      %swap3A_1235 = vector.shape_cast %swap3A_1234 : vector<16xi32> to vector<16xi32>
      %swap3A_1236 = vector.shape_cast %get3A_453 : vector<16xi32> to vector<16xi32>
      tpu.vector_store %arg12[%swap3A_1233], %swap3A_1236 {strides = array<i32>} : memref<4096xi32, #tpu.memory_space<vmem>>, vector<16xi32>,
      %swap3A_1237 = arith.constant 3136 : index
      %swap3A_1238 = tpu.vector_load %arg12[%swap3A_1237] {strides = array<i32>} : memref<4096xi32, #tpu.memory_space<vmem>>, vector<16xi32>,
      %swap3A_1239 = vector.shape_cast %swap3A_1238 : vector<16xi32> to vector<16xi32>
      %swap3A_1240 = vector.shape_cast %get3A_453 : vector<16xi32> to vector<16xi32>
      tpu.vector_store %arg12[%swap3A_1237], %swap3A_1240 {strides = array<i32>} : memref<4096xi32, #tpu.memory_space<vmem>>, vector<16xi32>,
      %swap3A_1241 = arith.constant 3152 : index
      %swap3A_1242 = tpu.vector_load %arg12[%swap3A_1241] {strides = array<i32>} : memref<4096xi32, #tpu.memory_space<vmem>>, vector<16xi32>,
      %swap3A_1243 = vector.shape_cast %swap3A_1242 : vector<16xi32> to vector<16xi32>
      %swap3A_1244 = vector.shape_cast %get3A_453 : vector<16xi32> to vector<16xi32>
      tpu.vector_store %arg12[%swap3A_1241], %swap3A_1244 {strides = array<i32>} : memref<4096xi32, #tpu.memory_space<vmem>>, vector<16xi32>,
      %swap3A_1245 = arith.constant 3168 : index
      %swap3A_1246 = tpu.vector_load %arg12[%swap3A_1245] {strides = array<i32>} : memref<4096xi32, #tpu.memory_space<vmem>>, vector<16xi32>,
      %swap3A_1247 = vector.shape_cast %swap3A_1246 : vector<16xi32> to vector<16xi32>
      %swap3A_1248 = vector.shape_cast %get3A_453 : vector<16xi32> to vector<16xi32>
      tpu.vector_store %arg12[%swap3A_1245], %swap3A_1248 {strides = array<i32>} : memref<4096xi32, #tpu.memory_space<vmem>>, vector<16xi32>,
      %swap3A_1249 = arith.constant 3184 : index
      %swap3A_1250 = tpu.vector_load %arg12[%swap3A_1249] {strides = array<i32>} : memref<4096xi32, #tpu.memory_space<vmem>>, vector<16xi32>,
      %swap3A_1251 = vector.shape_cast %swap3A_1250 : vector<16xi32> to vector<16xi32>
      %swap3A_1252 = vector.shape_cast %get3A_453 : vector<16xi32> to vector<16xi32>
      tpu.vector_store %arg12[%swap3A_1249], %swap3A_1252 {strides = array<i32>} : memref<4096xi32, #tpu.memory_space<vmem>>, vector<16xi32>,
      %swap3A_1253 = arith.constant 3200 : index
      %swap3A_1254 = tpu.vector_load %arg12[%swap3A_1253] {strides = array<i32>} : memref<4096xi32, #tpu.memory_space<vmem>>, vector<16xi32>,
      %swap3A_1255 = vector.shape_cast %swap3A_1254 : vector<16xi32> to vector<16xi32>
      %swap3A_1256 = vector.shape_cast %get3A_453 : vector<16xi32> to vector<16xi32>
      tpu.vector_store %arg12[%swap3A_1253], %swap3A_1256 {strides = array<i32>} : memref<4096xi32, #tpu.memory_space<vmem>>, vector<16xi32>,
      %swap3A_1257 = arith.constant 3216 : index
      %swap3A_1258 = tpu.vector_load %arg12[%swap3A_1257] {strides = array<i32>} : memref<4096xi32, #tpu.memory_space<vmem>>, vector<16xi32>,
      %swap3A_1259 = vector.shape_cast %swap3A_1258 : vector<16xi32> to vector<16xi32>
      %swap3A_1260 = vector.shape_cast %get3A_453 : vector<16xi32> to vector<16xi32>
      tpu.vector_store %arg12[%swap3A_1257], %swap3A_1260 {strides = array<i32>} : memref<4096xi32, #tpu.memory_space<vmem>>, vector<16xi32>,
      %swap3A_1261 = arith.constant 3232 : index
      %swap3A_1262 = tpu.vector_load %arg12[%swap3A_1261] {strides = array<i32>} : memref<4096xi32, #tpu.memory_space<vmem>>, vector<16xi32>,
      %swap3A_1263 = vector.shape_cast %swap3A_1262 : vector<16xi32> to vector<16xi32>
      %swap3A_1264 = vector.shape_cast %get3A_453 : vector<16xi32> to vector<16xi32>
      tpu.vector_store %arg12[%swap3A_1261], %swap3A_1264 {strides = array<i32>} : memref<4096xi32, #tpu.memory_space<vmem>>, vector<16xi32>,
      %swap3A_1265 = arith.constant 3248 : index
      %swap3A_1266 = tpu.vector_load %arg12[%swap3A_1265] {strides = array<i32>} : memref<4096xi32, #tpu.memory_space<vmem>>, vector<16xi32>,
      %swap3A_1267 = vector.shape_cast %swap3A_1266 : vector<16xi32> to vector<16xi32>
      %swap3A_1268 = vector.shape_cast %get3A_453 : vector<16xi32> to vector<16xi32>
      tpu.vector_store %arg12[%swap3A_1265], %swap3A_1268 {strides = array<i32>} : memref<4096xi32, #tpu.memory_space<vmem>>, vector<16xi32>,
      %swap3A_1269 = arith.constant 3264 : index
      %swap3A_1270 = tpu.vector_load %arg12[%swap3A_1269] {strides = array<i32>} : memref<4096xi32, #tpu.memory_space<vmem>>, vector<16xi32>,
      %swap3A_1271 = vector.shape_cast %swap3A_1270 : vector<16xi32> to vector<16xi32>
      %swap3A_1272 = vector.shape_cast %get3A_453 : vector<16xi32> to vector<16xi32>
      tpu.vector_store %arg12[%swap3A_1269], %swap3A_1272 {strides = array<i32>} : memref<4096xi32, #tpu.memory_space<vmem>>, vector<16xi32>,
      %swap3A_1273 = arith.constant 3280 : index
      %swap3A_1274 = tpu.vector_load %arg12[%swap3A_1273] {strides = array<i32>} : memref<4096xi32, #tpu.memory_space<vmem>>, vector<16xi32>,
      %swap3A_1275 = vector.shape_cast %swap3A_1274 : vector<16xi32> to vector<16xi32>
      %swap3A_1276 = vector.shape_cast %get3A_453 : vector<16xi32> to vector<16xi32>
      tpu.vector_store %arg12[%swap3A_1273], %swap3A_1276 {strides = array<i32>} : memref<4096xi32, #tpu.memory_space<vmem>>, vector<16xi32>,
      %swap3A_1277 = arith.constant 3296 : index
      %swap3A_1278 = tpu.vector_load %arg12[%swap3A_1277] {strides = array<i32>} : memref<4096xi32, #tpu.memory_space<vmem>>, vector<16xi32>,
      %swap3A_1279 = vector.shape_cast %swap3A_1278 : vector<16xi32> to vector<16xi32>
      %swap3A_1280 = vector.shape_cast %get3A_453 : vector<16xi32> to vector<16xi32>
      tpu.vector_store %arg12[%swap3A_1277], %swap3A_1280 {strides = array<i32>} : memref<4096xi32, #tpu.memory_space<vmem>>, vector<16xi32>,
      %swap3A_1281 = arith.constant 3312 : index
      %swap3A_1282 = tpu.vector_load %arg12[%swap3A_1281] {strides = array<i32>} : memref<4096xi32, #tpu.memory_space<vmem>>, vector<16xi32>,
      %swap3A_1283 = vector.shape_cast %swap3A_1282 : vector<16xi32> to vector<16xi32>
      %swap3A_1284 = vector.shape_cast %get3A_453 : vector<16xi32> to vector<16xi32>
      tpu.vector_store %arg12[%swap3A_1281], %swap3A_1284 {strides = array<i32>} : memref<4096xi32, #tpu.memory_space<vmem>>, vector<16xi32>,
      %swap3A_1285 = arith.constant 3328 : index
      %swap3A_1286 = tpu.vector_load %arg12[%swap3A_1285] {strides = array<i32>} : memref<4096xi32, #tpu.memory_space<vmem>>, vector<16xi32>,
      %swap3A_1287 = vector.shape_cast %swap3A_1286 : vector<16xi32> to vector<16xi32>
      %swap3A_1288 = vector.shape_cast %get3A_453 : vector<16xi32> to vector<16xi32>
      tpu.vector_store %arg12[%swap3A_1285], %swap3A_1288 {strides = array<i32>} : memref<4096xi32, #tpu.memory_space<vmem>>, vector<16xi32>,
      %swap3A_1289 = arith.constant 3344 : index
      %swap3A_1290 = tpu.vector_load %arg12[%swap3A_1289] {strides = array<i32>} : memref<4096xi32, #tpu.memory_space<vmem>>, vector<16xi32>,
      %swap3A_1291 = vector.shape_cast %swap3A_1290 : vector<16xi32> to vector<16xi32>
      %swap3A_1292 = vector.shape_cast %get3A_453 : vector<16xi32> to vector<16xi32>
      tpu.vector_store %arg12[%swap3A_1289], %swap3A_1292 {strides = array<i32>} : memref<4096xi32, #tpu.memory_space<vmem>>, vector<16xi32>,
      %swap3A_1293 = arith.constant 3360 : index
      %swap3A_1294 = tpu.vector_load %arg12[%swap3A_1293] {strides = array<i32>} : memref<4096xi32, #tpu.memory_space<vmem>>, vector<16xi32>,
      %swap3A_1295 = vector.shape_cast %swap3A_1294 : vector<16xi32> to vector<16xi32>
      %swap3A_1296 = vector.shape_cast %get3A_453 : vector<16xi32> to vector<16xi32>
      tpu.vector_store %arg12[%swap3A_1293], %swap3A_1296 {strides = array<i32>} : memref<4096xi32, #tpu.memory_space<vmem>>, vector<16xi32>,
      %swap3A_1297 = arith.constant 3376 : index
      %swap3A_1298 = tpu.vector_load %arg12[%swap3A_1297] {strides = array<i32>} : memref<4096xi32, #tpu.memory_space<vmem>>, vector<16xi32>,
      %swap3A_1299 = vector.shape_cast %swap3A_1298 : vector<16xi32> to vector<16xi32>
      %swap3A_1300 = vector.shape_cast %get3A_453 : vector<16xi32> to vector<16xi32>
      tpu.vector_store %arg12[%swap3A_1297], %swap3A_1300 {strides = array<i32>} : memref<4096xi32, #tpu.memory_space<vmem>>, vector<16xi32>,
      %swap3A_1301 = arith.constant 3392 : index
      %swap3A_1302 = tpu.vector_load %arg12[%swap3A_1301] {strides = array<i32>} : memref<4096xi32, #tpu.memory_space<vmem>>, vector<16xi32>,
      %swap3A_1303 = vector.shape_cast %swap3A_1302 : vector<16xi32> to vector<16xi32>
      %swap3A_1304 = vector.shape_cast %get3A_453 : vector<16xi32> to vector<16xi32>
      tpu.vector_store %arg12[%swap3A_1301], %swap3A_1304 {strides = array<i32>} : memref<4096xi32, #tpu.memory_space<vmem>>, vector<16xi32>,
      %swap3A_1305 = arith.constant 3408 : index
      %swap3A_1306 = tpu.vector_load %arg12[%swap3A_1305] {strides = array<i32>} : memref<4096xi32, #tpu.memory_space<vmem>>, vector<16xi32>,
      %swap3A_1307 = vector.shape_cast %swap3A_1306 : vector<16xi32> to vector<16xi32>
      %swap3A_1308 = vector.shape_cast %get3A_453 : vector<16xi32> to vector<16xi32>
      tpu.vector_store %arg12[%swap3A_1305], %swap3A_1308 {strides = array<i32>} : memref<4096xi32, #tpu.memory_space<vmem>>, vector<16xi32>,
      %swap3A_1309 = arith.constant 3424 : index
      %swap3A_1310 = tpu.vector_load %arg12[%swap3A_1309] {strides = array<i32>} : memref<4096xi32, #tpu.memory_space<vmem>>, vector<16xi32>,
      %swap3A_1311 = vector.shape_cast %swap3A_1310 : vector<16xi32> to vector<16xi32>
      %swap3A_1312 = vector.shape_cast %get3A_453 : vector<16xi32> to vector<16xi32>
      tpu.vector_store %arg12[%swap3A_1309], %swap3A_1312 {strides = array<i32>} : memref<4096xi32, #tpu.memory_space<vmem>>, vector<16xi32>,
      %swap3A_1313 = arith.constant 3440 : index
      %swap3A_1314 = tpu.vector_load %arg12[%swap3A_1313] {strides = array<i32>} : memref<4096xi32, #tpu.memory_space<vmem>>, vector<16xi32>,
      %swap3A_1315 = vector.shape_cast %swap3A_1314 : vector<16xi32> to vector<16xi32>
      %swap3A_1316 = vector.shape_cast %get3A_453 : vector<16xi32> to vector<16xi32>
      tpu.vector_store %arg12[%swap3A_1313], %swap3A_1316 {strides = array<i32>} : memref<4096xi32, #tpu.memory_space<vmem>>, vector<16xi32>,
      %swap3A_1317 = arith.constant 3456 : index
      %swap3A_1318 = tpu.vector_load %arg12[%swap3A_1317] {strides = array<i32>} : memref<4096xi32, #tpu.memory_space<vmem>>, vector<16xi32>,
      %swap3A_1319 = vector.shape_cast %swap3A_1318 : vector<16xi32> to vector<16xi32>
      %swap3A_1320 = vector.shape_cast %get3A_453 : vector<16xi32> to vector<16xi32>
      tpu.vector_store %arg12[%swap3A_1317], %swap3A_1320 {strides = array<i32>} : memref<4096xi32, #tpu.memory_space<vmem>>, vector<16xi32>,
      %swap3A_1321 = arith.constant 3472 : index
      %swap3A_1322 = tpu.vector_load %arg12[%swap3A_1321] {strides = array<i32>} : memref<4096xi32, #tpu.memory_space<vmem>>, vector<16xi32>,
      %swap3A_1323 = vector.shape_cast %swap3A_1322 : vector<16xi32> to vector<16xi32>
      %swap3A_1324 = vector.shape_cast %get3A_453 : vector<16xi32> to vector<16xi32>
      tpu.vector_store %arg12[%swap3A_1321], %swap3A_1324 {strides = array<i32>} : memref<4096xi32, #tpu.memory_space<vmem>>, vector<16xi32>,
      %swap3A_1325 = arith.constant 3488 : index
      %swap3A_1326 = tpu.vector_load %arg12[%swap3A_1325] {strides = array<i32>} : memref<4096xi32, #tpu.memory_space<vmem>>, vector<16xi32>,
      %swap3A_1327 = vector.shape_cast %swap3A_1326 : vector<16xi32> to vector<16xi32>
      %swap3A_1328 = vector.shape_cast %get3A_453 : vector<16xi32> to vector<16xi32>
      tpu.vector_store %arg12[%swap3A_1325], %swap3A_1328 {strides = array<i32>} : memref<4096xi32, #tpu.memory_space<vmem>>, vector<16xi32>,
      %swap3A_1329 = arith.constant 3504 : index
      %swap3A_1330 = tpu.vector_load %arg12[%swap3A_1329] {strides = array<i32>} : memref<4096xi32, #tpu.memory_space<vmem>>, vector<16xi32>,
      %swap3A_1331 = vector.shape_cast %swap3A_1330 : vector<16xi32> to vector<16xi32>
      %swap3A_1332 = vector.shape_cast %get3A_453 : vector<16xi32> to vector<16xi32>
      tpu.vector_store %arg12[%swap3A_1329], %swap3A_1332 {strides = array<i32>} : memref<4096xi32, #tpu.memory_space<vmem>>, vector<16xi32>,
      %swap3A_1333 = arith.constant 3520 : index
      %swap3A_1334 = tpu.vector_load %arg12[%swap3A_1333] {strides = array<i32>} : memref<4096xi32, #tpu.memory_space<vmem>>, vector<16xi32>,
      %swap3A_1335 = vector.shape_cast %swap3A_1334 : vector<16xi32> to vector<16xi32>
      %swap3A_1336 = vector.shape_cast %get3A_453 : vector<16xi32> to vector<16xi32>
      tpu.vector_store %arg12[%swap3A_1333], %swap3A_1336 {strides = array<i32>} : memref<4096xi32, #tpu.memory_space<vmem>>, vector<16xi32>,
      %swap3A_1337 = arith.constant 3536 : index
      %swap3A_1338 = tpu.vector_load %arg12[%swap3A_1337] {strides = array<i32>} : memref<4096xi32, #tpu.memory_space<vmem>>, vector<16xi32>,
      %swap3A_1339 = vector.shape_cast %swap3A_1338 : vector<16xi32> to vector<16xi32>
      %swap3A_1340 = vector.shape_cast %get3A_453 : vector<16xi32> to vector<16xi32>
      tpu.vector_store %arg12[%swap3A_1337], %swap3A_1340 {strides = array<i32>} : memref<4096xi32, #tpu.memory_space<vmem>>, vector<16xi32>,
      %swap3A_1341 = arith.constant 3552 : index
      %swap3A_1342 = tpu.vector_load %arg12[%swap3A_1341] {strides = array<i32>} : memref<4096xi32, #tpu.memory_space<vmem>>, vector<16xi32>,
      %swap3A_1343 = vector.shape_cast %swap3A_1342 : vector<16xi32> to vector<16xi32>
      %swap3A_1344 = vector.shape_cast %get3A_453 : vector<16xi32> to vector<16xi32>
      tpu.vector_store %arg12[%swap3A_1341], %swap3A_1344 {strides = array<i32>} : memref<4096xi32, #tpu.memory_space<vmem>>, vector<16xi32>,
      %swap3A_1345 = arith.constant 3568 : index
      %swap3A_1346 = tpu.vector_load %arg12[%swap3A_1345] {strides = array<i32>} : memref<4096xi32, #tpu.memory_space<vmem>>, vector<16xi32>,
      %swap3A_1347 = vector.shape_cast %swap3A_1346 : vector<16xi32> to vector<16xi32>
      %swap3A_1348 = vector.shape_cast %get3A_453 : vector<16xi32> to vector<16xi32>
      tpu.vector_store %arg12[%swap3A_1345], %swap3A_1348 {strides = array<i32>} : memref<4096xi32, #tpu.memory_space<vmem>>, vector<16xi32>,
      %swap3A_1349 = arith.constant 3584 : index
      %swap3A_1350 = tpu.vector_load %arg12[%swap3A_1349] {strides = array<i32>} : memref<4096xi32, #tpu.memory_space<vmem>>, vector<16xi32>,
      %swap3A_1351 = vector.shape_cast %swap3A_1350 : vector<16xi32> to vector<16xi32>
      %swap3A_1352 = vector.shape_cast %get3A_453 : vector<16xi32> to vector<16xi32>
      tpu.vector_store %arg12[%swap3A_1349], %swap3A_1352 {strides = array<i32>} : memref<4096xi32, #tpu.memory_space<vmem>>, vector<16xi32>,
      %swap3A_1353 = arith.constant 3600 : index
      %swap3A_1354 = tpu.vector_load %arg12[%swap3A_1353] {strides = array<i32>} : memref<4096xi32, #tpu.memory_space<vmem>>, vector<16xi32>,
      %swap3A_1355 = vector.shape_cast %swap3A_1354 : vector<16xi32> to vector<16xi32>
      %swap3A_1356 = vector.shape_cast %get3A_453 : vector<16xi32> to vector<16xi32>
      tpu.vector_store %arg12[%swap3A_1353], %swap3A_1356 {strides = array<i32>} : memref<4096xi32, #tpu.memory_space<vmem>>, vector<16xi32>,
      %swap3A_1357 = arith.constant 3616 : index
      %swap3A_1358 = tpu.vector_load %arg12[%swap3A_1357] {strides = array<i32>} : memref<4096xi32, #tpu.memory_space<vmem>>, vector<16xi32>,
      %swap3A_1359 = vector.shape_cast %swap3A_1358 : vector<16xi32> to vector<16xi32>
      %swap3A_1360 = vector.shape_cast %get3A_453 : vector<16xi32> to vector<16xi32>
      tpu.vector_store %arg12[%swap3A_1357], %swap3A_1360 {strides = array<i32>} : memref<4096xi32, #tpu.memory_space<vmem>>, vector<16xi32>,
      %swap3A_1361 = arith.constant 3632 : index
      %swap3A_1362 = tpu.vector_load %arg12[%swap3A_1361] {strides = array<i32>} : memref<4096xi32, #tpu.memory_space<vmem>>, vector<16xi32>,
      %swap3A_1363 = vector.shape_cast %swap3A_1362 : vector<16xi32> to vector<16xi32>
      %swap3A_1364 = vector.shape_cast %get3A_453 : vector<16xi32> to vector<16xi32>
      tpu.vector_store %arg12[%swap3A_1361], %swap3A_1364 {strides = array<i32>} : memref<4096xi32, #tpu.memory_space<vmem>>, vector<16xi32>,
      %swap3A_1365 = arith.constant 3648 : index
      %swap3A_1366 = tpu.vector_load %arg12[%swap3A_1365] {strides = array<i32>} : memref<4096xi32, #tpu.memory_space<vmem>>, vector<16xi32>,
      %swap3A_1367 = vector.shape_cast %swap3A_1366 : vector<16xi32> to vector<16xi32>
      %swap3A_1368 = vector.shape_cast %get3A_453 : vector<16xi32> to vector<16xi32>
      tpu.vector_store %arg12[%swap3A_1365], %swap3A_1368 {strides = array<i32>} : memref<4096xi32, #tpu.memory_space<vmem>>, vector<16xi32>,
      %swap3A_1369 = arith.constant 3664 : index
      %swap3A_1370 = tpu.vector_load %arg12[%swap3A_1369] {strides = array<i32>} : memref<4096xi32, #tpu.memory_space<vmem>>, vector<16xi32>,
      %swap3A_1371 = vector.shape_cast %swap3A_1370 : vector<16xi32> to vector<16xi32>
      %swap3A_1372 = vector.shape_cast %get3A_453 : vector<16xi32> to vector<16xi32>
      tpu.vector_store %arg12[%swap3A_1369], %swap3A_1372 {strides = array<i32>} : memref<4096xi32, #tpu.memory_space<vmem>>, vector<16xi32>,
      %swap3A_1373 = arith.constant 3680 : index
      %swap3A_1374 = tpu.vector_load %arg12[%swap3A_1373] {strides = array<i32>} : memref<4096xi32, #tpu.memory_space<vmem>>, vector<16xi32>,
      %swap3A_1375 = vector.shape_cast %swap3A_1374 : vector<16xi32> to vector<16xi32>
      %swap3A_1376 = vector.shape_cast %get3A_453 : vector<16xi32> to vector<16xi32>
      tpu.vector_store %arg12[%swap3A_1373], %swap3A_1376 {strides = array<i32>} : memref<4096xi32, #tpu.memory_space<vmem>>, vector<16xi32>,
      %swap3A_1377 = arith.constant 3696 : index
      %swap3A_1378 = tpu.vector_load %arg12[%swap3A_1377] {strides = array<i32>} : memref<4096xi32, #tpu.memory_space<vmem>>, vector<16xi32>,
      %swap3A_1379 = vector.shape_cast %swap3A_1378 : vector<16xi32> to vector<16xi32>
      %swap3A_1380 = vector.shape_cast %get3A_453 : vector<16xi32> to vector<16xi32>
      tpu.vector_store %arg12[%swap3A_1377], %swap3A_1380 {strides = array<i32>} : memref<4096xi32, #tpu.memory_space<vmem>>, vector<16xi32>,
      %swap3A_1381 = arith.constant 3712 : index
      %swap3A_1382 = tpu.vector_load %arg12[%swap3A_1381] {strides = array<i32>} : memref<4096xi32, #tpu.memory_space<vmem>>, vector<16xi32>,
      %swap3A_1383 = vector.shape_cast %swap3A_1382 : vector<16xi32> to vector<16xi32>
      %swap3A_1384 = vector.shape_cast %get3A_453 : vector<16xi32> to vector<16xi32>
      tpu.vector_store %arg12[%swap3A_1381], %swap3A_1384 {strides = array<i32>} : memref<4096xi32, #tpu.memory_space<vmem>>, vector<16xi32>,
      %swap3A_1385 = arith.constant 3728 : index
      %swap3A_1386 = tpu.vector_load %arg12[%swap3A_1385] {strides = array<i32>} : memref<4096xi32, #tpu.memory_space<vmem>>, vector<16xi32>,
      %swap3A_1387 = vector.shape_cast %swap3A_1386 : vector<16xi32> to vector<16xi32>
      %swap3A_1388 = vector.shape_cast %get3A_453 : vector<16xi32> to vector<16xi32>
      tpu.vector_store %arg12[%swap3A_1385], %swap3A_1388 {strides = array<i32>} : memref<4096xi32, #tpu.memory_space<vmem>>, vector<16xi32>,
      %swap3A_1389 = arith.constant 3744 : index
      %swap3A_1390 = tpu.vector_load %arg12[%swap3A_1389] {strides = array<i32>} : memref<4096xi32, #tpu.memory_space<vmem>>, vector<16xi32>,
      %swap3A_1391 = vector.shape_cast %swap3A_1390 : vector<16xi32> to vector<16xi32>
      %swap3A_1392 = vector.shape_cast %get3A_453 : vector<16xi32> to vector<16xi32>
      tpu.vector_store %arg12[%swap3A_1389], %swap3A_1392 {strides = array<i32>} : memref<4096xi32, #tpu.memory_space<vmem>>, vector<16xi32>,
      %swap3A_1393 = arith.constant 3760 : index
      %swap3A_1394 = tpu.vector_load %arg12[%swap3A_1393] {strides = array<i32>} : memref<4096xi32, #tpu.memory_space<vmem>>, vector<16xi32>,
      %swap3A_1395 = vector.shape_cast %swap3A_1394 : vector<16xi32> to vector<16xi32>
      %swap3A_1396 = vector.shape_cast %get3A_453 : vector<16xi32> to vector<16xi32>
      tpu.vector_store %arg12[%swap3A_1393], %swap3A_1396 {strides = array<i32>} : memref<4096xi32, #tpu.memory_space<vmem>>, vector<16xi32>,
      %swap3A_1397 = arith.constant 3776 : index
      %swap3A_1398 = tpu.vector_load %arg12[%swap3A_1397] {strides = array<i32>} : memref<4096xi32, #tpu.memory_space<vmem>>, vector<16xi32>,
      %swap3A_1399 = vector.shape_cast %swap3A_1398 : vector<16xi32> to vector<16xi32>
      %swap3A_1400 = vector.shape_cast %get3A_453 : vector<16xi32> to vector<16xi32>
      tpu.vector_store %arg12[%swap3A_1397], %swap3A_1400 {strides = array<i32>} : memref<4096xi32, #tpu.memory_space<vmem>>, vector<16xi32>,
      %swap3A_1401 = arith.constant 3792 : index
      %swap3A_1402 = tpu.vector_load %arg12[%swap3A_1401] {strides = array<i32>} : memref<4096xi32, #tpu.memory_space<vmem>>, vector<16xi32>,
      %swap3A_1403 = vector.shape_cast %swap3A_1402 : vector<16xi32> to vector<16xi32>
      %swap3A_1404 = vector.shape_cast %get3A_453 : vector<16xi32> to vector<16xi32>
      tpu.vector_store %arg12[%swap3A_1401], %swap3A_1404 {strides = array<i32>} : memref<4096xi32, #tpu.memory_space<vmem>>, vector<16xi32>,
      %swap3A_1405 = arith.constant 3808 : index
      %swap3A_1406 = tpu.vector_load %arg12[%swap3A_1405] {strides = array<i32>} : memref<4096xi32, #tpu.memory_space<vmem>>, vector<16xi32>,
      %swap3A_1407 = vector.shape_cast %swap3A_1406 : vector<16xi32> to vector<16xi32>
      %swap3A_1408 = vector.shape_cast %get3A_453 : vector<16xi32> to vector<16xi32>
      tpu.vector_store %arg12[%swap3A_1405], %swap3A_1408 {strides = array<i32>} : memref<4096xi32, #tpu.memory_space<vmem>>, vector<16xi32>,
      %swap3A_1409 = arith.constant 3824 : index
      %swap3A_1410 = tpu.vector_load %arg12[%swap3A_1409] {strides = array<i32>} : memref<4096xi32, #tpu.memory_space<vmem>>, vector<16xi32>,
      %swap3A_1411 = vector.shape_cast %swap3A_1410 : vector<16xi32> to vector<16xi32>
      %swap3A_1412 = vector.shape_cast %get3A_453 : vector<16xi32> to vector<16xi32>
      tpu.vector_store %arg12[%swap3A_1409], %swap3A_1412 {strides = array<i32>} : memref<4096xi32, #tpu.memory_space<vmem>>, vector<16xi32>,
      %swap3A_1413 = arith.constant 3840 : index
      %swap3A_1414 = tpu.vector_load %arg12[%swap3A_1413] {strides = array<i32>} : memref<4096xi32, #tpu.memory_space<vmem>>, vector<16xi32>,
      %swap3A_1415 = vector.shape_cast %swap3A_1414 : vector<16xi32> to vector<16xi32>
      %swap3A_1416 = vector.shape_cast %get3A_453 : vector<16xi32> to vector<16xi32>
      tpu.vector_store %arg12[%swap3A_1413], %swap3A_1416 {strides = array<i32>} : memref<4096xi32, #tpu.memory_space<vmem>>, vector<16xi32>,
      %swap3A_1417 = arith.constant 3856 : index
      %swap3A_1418 = tpu.vector_load %arg12[%swap3A_1417] {strides = array<i32>} : memref<4096xi32, #tpu.memory_space<vmem>>, vector<16xi32>,
      %swap3A_1419 = vector.shape_cast %swap3A_1418 : vector<16xi32> to vector<16xi32>
      %swap3A_1420 = vector.shape_cast %get3A_453 : vector<16xi32> to vector<16xi32>
      tpu.vector_store %arg12[%swap3A_1417], %swap3A_1420 {strides = array<i32>} : memref<4096xi32, #tpu.memory_space<vmem>>, vector<16xi32>,
      %swap3A_1421 = arith.constant 3872 : index
      %swap3A_1422 = tpu.vector_load %arg12[%swap3A_1421] {strides = array<i32>} : memref<4096xi32, #tpu.memory_space<vmem>>, vector<16xi32>,
      %swap3A_1423 = vector.shape_cast %swap3A_1422 : vector<16xi32> to vector<16xi32>
      %swap3A_1424 = vector.shape_cast %get3A_453 : vector<16xi32> to vector<16xi32>
      tpu.vector_store %arg12[%swap3A_1421], %swap3A_1424 {strides = array<i32>} : memref<4096xi32, #tpu.memory_space<vmem>>, vector<16xi32>,
      %swap3A_1425 = arith.constant 3888 : index
      %swap3A_1426 = tpu.vector_load %arg12[%swap3A_1425] {strides = array<i32>} : memref<4096xi32, #tpu.memory_space<vmem>>, vector<16xi32>,
      %swap3A_1427 = vector.shape_cast %swap3A_1426 : vector<16xi32> to vector<16xi32>
      %swap3A_1428 = vector.shape_cast %get3A_453 : vector<16xi32> to vector<16xi32>
      tpu.vector_store %arg12[%swap3A_1425], %swap3A_1428 {strides = array<i32>} : memref<4096xi32, #tpu.memory_space<vmem>>, vector<16xi32>,
      %swap3A_1429 = arith.constant 3904 : index
      %swap3A_1430 = tpu.vector_load %arg12[%swap3A_1429] {strides = array<i32>} : memref<4096xi32, #tpu.memory_space<vmem>>, vector<16xi32>,
      %swap3A_1431 = vector.shape_cast %swap3A_1430 : vector<16xi32> to vector<16xi32>
      %swap3A_1432 = vector.shape_cast %get3A_453 : vector<16xi32> to vector<16xi32>
      tpu.vector_store %arg12[%swap3A_1429], %swap3A_1432 {strides = array<i32>} : memref<4096xi32, #tpu.memory_space<vmem>>, vector<16xi32>,
      %swap3A_1433 = arith.constant 3920 : index
      %swap3A_1434 = tpu.vector_load %arg12[%swap3A_1433] {strides = array<i32>} : memref<4096xi32, #tpu.memory_space<vmem>>, vector<16xi32>,
      %swap3A_1435 = vector.shape_cast %swap3A_1434 : vector<16xi32> to vector<16xi32>
      %swap3A_1436 = vector.shape_cast %get3A_453 : vector<16xi32> to vector<16xi32>
      tpu.vector_store %arg12[%swap3A_1433], %swap3A_1436 {strides = array<i32>} : memref<4096xi32, #tpu.memory_space<vmem>>, vector<16xi32>,
      %swap3A_1437 = arith.constant 3936 : index
      %swap3A_1438 = tpu.vector_load %arg12[%swap3A_1437] {strides = array<i32>} : memref<4096xi32, #tpu.memory_space<vmem>>, vector<16xi32>,
      %swap3A_1439 = vector.shape_cast %swap3A_1438 : vector<16xi32> to vector<16xi32>
      %swap3A_1440 = vector.shape_cast %get3A_453 : vector<16xi32> to vector<16xi32>
      tpu.vector_store %arg12[%swap3A_1437], %swap3A_1440 {strides = array<i32>} : memref<4096xi32, #tpu.memory_space<vmem>>, vector<16xi32>,
      %swap3A_1441 = arith.constant 3952 : index
      %swap3A_1442 = tpu.vector_load %arg12[%swap3A_1441] {strides = array<i32>} : memref<4096xi32, #tpu.memory_space<vmem>>, vector<16xi32>,
      %swap3A_1443 = vector.shape_cast %swap3A_1442 : vector<16xi32> to vector<16xi32>
      %swap3A_1444 = vector.shape_cast %get3A_453 : vector<16xi32> to vector<16xi32>
      tpu.vector_store %arg12[%swap3A_1441], %swap3A_1444 {strides = array<i32>} : memref<4096xi32, #tpu.memory_space<vmem>>, vector<16xi32>,
      %swap3A_1445 = arith.constant 3968 : index
      %swap3A_1446 = tpu.vector_load %arg12[%swap3A_1445] {strides = array<i32>} : memref<4096xi32, #tpu.memory_space<vmem>>, vector<16xi32>,
      %swap3A_1447 = vector.shape_cast %swap3A_1446 : vector<16xi32> to vector<16xi32>
      %swap3A_1448 = vector.shape_cast %get3A_453 : vector<16xi32> to vector<16xi32>
      tpu.vector_store %arg12[%swap3A_1445], %swap3A_1448 {strides = array<i32>} : memref<4096xi32, #tpu.memory_space<vmem>>, vector<16xi32>,
      %swap3A_1449 = arith.constant 3984 : index
      %swap3A_1450 = tpu.vector_load %arg12[%swap3A_1449] {strides = array<i32>} : memref<4096xi32, #tpu.memory_space<vmem>>, vector<16xi32>,
      %swap3A_1451 = vector.shape_cast %swap3A_1450 : vector<16xi32> to vector<16xi32>
      %swap3A_1452 = vector.shape_cast %get3A_453 : vector<16xi32> to vector<16xi32>
      tpu.vector_store %arg12[%swap3A_1449], %swap3A_1452 {strides = array<i32>} : memref<4096xi32, #tpu.memory_space<vmem>>, vector<16xi32>,
      %swap3A_1453 = arith.constant 4000 : index
      %swap3A_1454 = tpu.vector_load %arg12[%swap3A_1453] {strides = array<i32>} : memref<4096xi32, #tpu.memory_space<vmem>>, vector<16xi32>,
      %swap3A_1455 = vector.shape_cast %swap3A_1454 : vector<16xi32> to vector<16xi32>
      %swap3A_1456 = vector.shape_cast %get3A_453 : vector<16xi32> to vector<16xi32>
      tpu.vector_store %arg12[%swap3A_1453], %swap3A_1456 {strides = array<i32>} : memref<4096xi32, #tpu.memory_space<vmem>>, vector<16xi32>,
      %swap3A_1457 = arith.constant 4016 : index
      %swap3A_1458 = tpu.vector_load %arg12[%swap3A_1457] {strides = array<i32>} : memref<4096xi32, #tpu.memory_space<vmem>>, vector<16xi32>,
      %swap3A_1459 = vector.shape_cast %swap3A_1458 : vector<16xi32> to vector<16xi32>
      %swap3A_1460 = vector.shape_cast %get3A_453 : vector<16xi32> to vector<16xi32>
      tpu.vector_store %arg12[%swap3A_1457], %swap3A_1460 {strides = array<i32>} : memref<4096xi32, #tpu.memory_space<vmem>>, vector<16xi32>,
      %swap3A_1461 = arith.constant 4032 : index
      %swap3A_1462 = tpu.vector_load %arg12[%swap3A_1461] {strides = array<i32>} : memref<4096xi32, #tpu.memory_space<vmem>>, vector<16xi32>,
      %swap3A_1463 = vector.shape_cast %swap3A_1462 : vector<16xi32> to vector<16xi32>
      %swap3A_1464 = vector.shape_cast %get3A_453 : vector<16xi32> to vector<16xi32>
      tpu.vector_store %arg12[%swap3A_1461], %swap3A_1464 {strides = array<i32>} : memref<4096xi32, #tpu.memory_space<vmem>>, vector<16xi32>,
      %swap3A_1465 = arith.constant 4048 : index
      %swap3A_1466 = tpu.vector_load %arg12[%swap3A_1465] {strides = array<i32>} : memref<4096xi32, #tpu.memory_space<vmem>>, vector<16xi32>,
      %swap3A_1467 = vector.shape_cast %swap3A_1466 : vector<16xi32> to vector<16xi32>
      %swap3A_1468 = vector.shape_cast %get3A_453 : vector<16xi32> to vector<16xi32>
      tpu.vector_store %arg12[%swap3A_1465], %swap3A_1468 {strides = array<i32>} : memref<4096xi32, #tpu.memory_space<vmem>>, vector<16xi32>,
      %swap3A_1469 = arith.constant 4064 : index
      %swap3A_1470 = tpu.vector_load %arg12[%swap3A_1469] {strides = array<i32>} : memref<4096xi32, #tpu.memory_space<vmem>>, vector<16xi32>,
      %swap3A_1471 = vector.shape_cast %swap3A_1470 : vector<16xi32> to vector<16xi32>
      %swap3A_1472 = vector.shape_cast %get3A_453 : vector<16xi32> to vector<16xi32>
      tpu.vector_store %arg12[%swap3A_1469], %swap3A_1472 {strides = array<i32>} : memref<4096xi32, #tpu.memory_space<vmem>>, vector<16xi32>,
      %swap3A_1473 = arith.constant 4080 : index
      %swap3A_1474 = tpu.vector_load %arg12[%swap3A_1473] {strides = array<i32>} : memref<4096xi32, #tpu.memory_space<vmem>>, vector<16xi32>,
      %swap3A_1475 = vector.shape_cast %swap3A_1474 : vector<16xi32> to vector<16xi32>
      %swap3A_1476 = vector.shape_cast %get3A_453 : vector<16xi32> to vector<16xi32>
      tpu.vector_store %arg12[%swap3A_1473], %swap3A_1476 {strides = array<i32>} : memref<4096xi32, #tpu.memory_space<vmem>>, vector<16xi32>,
      %dma_start3A_1477 = arith.constant 0 : i32
      %dma_start3A_1478 = tpu.memref_slice %arg10[%dma_start3A_1477] : memref<10000xi32, #tpu.memory_space<hbm>> -> memref<4096xi32, #tpu.memory_space<hbm>>
      %dma_start3A_1479 = arith.constant 0 : i32
      %dma_start3A_1480 = tpu.memref_slice %arg10[%dma_start3A_1479] : memref<10000xi32, #tpu.memory_space<hbm>> -> memref<4096xi32, #tpu.memory_space<hbm>>
      tpu.enqueue_dma source(%arg12 : memref<4096xi32, #tpu.memory_space<vmem>>) target(%dma_start3A_1480 : memref<4096xi32, #tpu.memory_space<hbm>>) target_semaphore(%arg15 : memref<!tpu.dma_semaphore, #tpu.memory_space<semaphore_mem>>)
      %dma_wait3A_1481 = arith.constant 0 : i32
      %dma_wait3A_1482 = tpu.memref_slice %arg10[%dma_wait3A_1481] : memref<10000xi32, #tpu.memory_space<hbm>> -> memref<4096xi32, #tpu.memory_space<hbm>>
      %dma_wait3A_1483 = arith.constant 0 : i32
      %dma_wait3A_1484 = tpu.memref_slice %arg10[%dma_wait3A_1483] : memref<10000xi32, #tpu.memory_space<hbm>> -> memref<4096xi32, #tpu.memory_space<hbm>>
      tpu.wait_dma2 semaphore(%arg15 : memref<!tpu.dma_semaphore, #tpu.memory_space<semaphore_mem>>) src(%arg12 : memref<4096xi32, #tpu.memory_space<vmem>>) dst(%dma_wait3A_1484 : memref<4096xi32, #tpu.memory_space<hbm>>)
      %dma_wait3A_1485 = arith.constant 4096 : i32
      %dma_wait3A_1486 = tpu.memref_slice %arg7[%dma_wait3A_1485] : memref<10000xi32, #tpu.memory_space<hbm>> -> memref<5904xi32, #tpu.memory_space<hbm>>
      %dma_wait3A_1487 = arith.constant 4096 : i32
      %dma_wait3A_1488 = tpu.memref_slice %arg7[%dma_wait3A_1487] : memref<10000xi32, #tpu.memory_space<hbm>> -> memref<5904xi32, #tpu.memory_space<hbm>>
      tpu.wait_dma2 semaphore(%arg16 : memref<!tpu.dma_semaphore, #tpu.memory_space<semaphore_mem>>) src(%dma_wait3A_1488 : memref<5904xi32, #tpu.memory_space<hbm>>) dst(%arg13 : memref<5904xi32, #tpu.memory_space<vmem>>)
      %dma_start3A_1489 = arith.constant 4096 : i32
      %dma_start3A_1490 = tpu.memref_slice %arg10[%dma_start3A_1489] : memref<10000xi32, #tpu.memory_space<hbm>> -> memref<5904xi32, #tpu.memory_space<hbm>>
      %dma_start3A_1491 = arith.constant 4096 : i32
      %dma_start3A_1492 = tpu.memref_slice %arg10[%dma_start3A_1491] : memref<10000xi32, #tpu.memory_space<hbm>> -> memref<5904xi32, #tpu.memory_space<hbm>>
      tpu.enqueue_dma source(%arg13 : memref<5904xi32, #tpu.memory_space<vmem>>) target(%dma_start3A_1492 : memref<5904xi32, #tpu.memory_space<hbm>>) target_semaphore(%arg16 : memref<!tpu.dma_semaphore, #tpu.memory_space<semaphore_mem>>)
      %dma_wait3A_1493 = arith.constant 4096 : i32
      %dma_wait3A_1494 = tpu.memref_slice %arg10[%dma_wait3A_1493] : memref<10000xi32, #tpu.memory_space<hbm>> -> memref<5904xi32, #tpu.memory_space<hbm>>
      %dma_wait3A_1495 = arith.constant 4096 : i32
      %dma_wait3A_1496 = tpu.memref_slice %arg10[%dma_wait3A_1495] : memref<10000xi32, #tpu.memory_space<hbm>> -> memref<5904xi32, #tpu.memory_space<hbm>>
      tpu.wait_dma2 semaphore(%arg16 : memref<!tpu.dma_semaphore, #tpu.memory_space<semaphore_mem>>) src(%arg13 : memref<5904xi32, #tpu.memory_space<vmem>>) dst(%dma_wait3A_1496 : memref<5904xi32, #tpu.memory_space<hbm>>)
    } else {
    }
    return
  }
}

</mosaic_0001>

<sc_bundles>
// kernel: _er_update.3.cloned.1.call-start
scs
__scs_entry_jumppad:
0x0: {  	(pc) =	sbr.rel $0x88, $3  }
0x1: {  	(tag) =	ssettag $0x0;
	lr =	simm.s32 $0x1  }
0x2: {  	[smem:$0x3F9B] =	sst lr;
	_ =	strace $0xD0000000  }
0x3: {  	_ = 	snop  }
0x4: {  	_ = 	snop  }
0x5: {  	_ = 	snop  }
0x6: {  	_ = 	snop  }
0x7: {  	_ = 	snop  }
__scs_overlays_trampoline_lowered:
0x8: {  	[smem:$0x3FAA] =	sst s0  }
0x9: {  	[smem:$0x3FAB] =	sst s1  }
0xa: {  	[smem:$0x3FAC] =	sst s2  }
0xb: {  	[smem:$0x3FAD] =	sst s3  }
0xc: {  	[smem:$0x3FAE] =	sst s4  }
0xd: {  	[smem:$0x3FAF] =	sst s5  }
0xe: {  	[smem:$0x3FB0] =	sst s6  }
0xf: {  	[smem:$0x3FB1] =	sst s7  }
0x10: {  	[smem:$0x3FB2] =	sst s8  }
0x11: {  	[smem:$0x3FB3] =	sst s9;
	s0 =	simm.s32 @!p0 $0x0  }
0x12: {  	s1 =	sld [smem:$0x3F99];
	s0 =	simm.s32 @p0 $0x1  }
0x13: {  	[smem:$0x3FB4] =	sst s0;
	s0 =	simm.s32 @!p1 $0x0  }
0x14: {  	s2 =	sld [smem:$0x3F98];
	s0 =	simm.s32 @p1 $0x1  }
0x15: {  	[smem:$0x3FB5] =	sst s0;
	s0 =	simm.s32 @!p2 $0x0  }
0x16: {  	s3 =	sld [smem:$0x3FDB];
	s0 =	simm.s32 @p2 $0x1  }
0x17: {  	s4 =	simm.s32 $0x1BF5;
	[smem:$0x3FB7] =	sst s0  }
0x18: {  	s0 =	sld [smem:$0x3F9A];
	_ =	swait.ge [sflag:s4], $0x0  }
0x19: {  	s7 =	sld [smem:$0x3F9B]  }
0x1a: {  	s8 =	sadd.s32 $0xFFFFE003, lr  }
0x1b: {  	s9 =	sadd.s32 $0xFFFFFEF7, lr;
	s5 =	simm.s32 $0xFFFFFFFF;
	p2 =	slt.u32 s8, $0xFFFFF086  }
0x1c: {  	p1 =	slt.u32 s9, $0xF7A;
	s5 =	simm.s32 @!p2 $0x0  }
0x1d: {  	s5 =	simm.s32 @p1 $0x1;
	p0 =	seq.s32 s7, s2  }
0x1e: {  	s7 =	smul.u32 @!p0 $0xF7A, s2;
	p2 =	seq.s32 @!p0 s5, $0x0  }
0x1f: {  	s9 =	smul.u32 $0xF7A, s1;
	s8 =	simm.s32 @!p0 $0x1BF5;
	p2 =	por !p2, p0  }
0x20: {  	[sflag:s8] =	ssyncset.s32 @!p0 $0xFFFFF086;
	s6 =	sadd.s32 @!p0 s3, s7;
	s7 =	simm.s32 @!p0 $0x108  }
0x21: {  	s3 =	sadd.s32 s3, s9;
	s6 =	sadd.s32 @!p0 $0x88, s6;
	s7 =	simm.s32 @p2 $0x1082  }
0x22: {  	[simem:s7], [sflag:s8] =	dma.local @!p0 [hbm:s6], $0xF7A  }
0x23: {  	s9 =	sor.u32 $0xD0000000, s2;
	s6 =	simm.s32 $0x108;
	_ =	swait.ge @!p0 [sflag:s8], $0x0  }
0x24: {  	s3 =	sadd.s32 $0x88, s3;
	s6 =	simm.s32 @!p1 $0x1082;
	[sflag:s4] =	ssyncset.s32 $0xFFFFF086  }
0x25: {  	[simem:s6], [sflag:s4] =	dma.local [hbm:s3], $0xF7A  }
0x26: {  	[smem:$0x3F9B] =	sst s1;
	(tag) =	ssettag s2;
	_ =	strace s9  }
0x27: {  	s1 =	sld [smem:$0x3FAB]  }
0x28: {  	s2 =	sld [smem:$0x3FAC]  }
0x29: {  	s4 =	sld [smem:$0x3FAE]  }
0x2a: {  	p0 =	seq.s32 s5, $0x0;
	s5 =	sld [smem:$0x3FAF]  }
0x2b: {  	s6 =	sld [smem:$0x3FB0]  }
0x2c: {  	s7 =	sld [smem:$0x3FB1]  }
0x2d: {  	s3 =	simm.s32 $0x108;
	s8 =	sld [smem:$0x3FB2]  }
0x2e: {  	s3 =	simm.s32 @!p0 $0x1082;
	s9 =	sld [smem:$0x3FB3]  }
0x2f: {  	lr =	sadd.s32 s0, s3;
	s0 =	sld [smem:$0x3FAA]  }
0x30: {  	s3 =	sld [smem:$0x3FAD]  }
0x31: {  	[smem:$0x3FB6] =	sst s10  }
0x32: {  	s10 =	sld [smem:$0x3FB4];
	_ =	sdelay $0x3  }
0x33: {  	p0 =	seq.s32 s10, $0x1;
	s10 =	sld [smem:$0x3FB6];
	_ =	sdelay $0x3  }
0x34: {  	[smem:$0x3FB6] =	sst s10  }
0x35: {  	s10 =	sld [smem:$0x3FB5];
	_ =	sdelay $0x3  }
0x36: {  	p1 =	seq.s32 s10, $0x1;
	s10 =	sld [smem:$0x3FB6];
	_ =	sdelay $0x3  }
0x37: {  	[smem:$0x3FB6] =	sst s10  }
0x38: {  	s10 =	sld [smem:$0x3FB7]  }
0x39: {  	_ = 	snop;
	(pc) =	sbr.ind lr, $3  }
0x3a: {  	_ = 	snop  }
0x3b: {  	_ = 	snop  }
0x3c: {  	p2 =	seq.s32 s10, $0x1;
	s10 =	sld [smem:$0x3FB6]  }
0x3d: {  	_ =	shalt  }
0x3e: {  	_ =	shalt  }
0x3f: {  	_ =	shalt  }
0x40: {  	_ =	shalt  }
0x41: {  	_ =	shalt  }
0x42: {  	_ =	shalt  }
0x43: {  	_ =	shalt  }
0x44: {  	_ =	shalt  }
0x45: {  	_ =	shalt  }
0x46: {  	_ =	shalt  }
0x47: {  	_ =	shalt  }
0x48: {  	_ =	shalt  }
0x49: {  	_ =	shalt  }
0x4a: {  	_ =	shalt  }
0x4b: {  	_ =	shalt  }
0x4c: {  	_ =	shalt  }
0x4d: {  	_ =	shalt  }
0x4e: {  	_ =	shalt  }
0x4f: {  	_ =	shalt  }
0x50: {  	_ =	shalt  }
0x51: {  	_ =	shalt  }
0x52: {  	_ =	shalt  }
0x53: {  	_ =	shalt  }
0x54: {  	_ =	shalt  }
0x55: {  	_ =	shalt  }
0x56: {  	_ =	shalt  }
0x57: {  	_ =	shalt  }
0x58: {  	_ =	shalt  }
0x59: {  	_ =	shalt  }
0x5a: {  	_ =	shalt  }
0x5b: {  	_ =	shalt  }
0x5c: {  	_ =	shalt  }
0x5d: {  	_ =	shalt  }
0x5e: {  	_ =	shalt  }
0x5f: {  	_ =	shalt  }
0x60: {  	_ =	shalt  }
0x61: {  	_ =	shalt  }
0x62: {  	_ =	shalt  }
0x63: {  	_ =	shalt  }
0x64: {  	_ =	shalt  }
0x65: {  	_ =	shalt  }
0x66: {  	_ =	shalt  }
0x67: {  	_ =	shalt  }
0x68: {  	_ =	shalt  }
0x69: {  	_ =	shalt  }
0x6a: {  	_ =	shalt  }
0x6b: {  	_ =	shalt  }
0x6c: {  	_ =	shalt  }
0x6d: {  	_ =	shalt  }
0x6e: {  	_ =	shalt  }
0x6f: {  	_ =	shalt  }
0x70: {  	_ =	shalt  }
0x71: {  	_ =	shalt  }
0x72: {  	_ =	shalt  }
0x73: {  	_ =	shalt  }
0x74: {  	_ =	shalt  }
0x75: {  	_ =	shalt  }
0x76: {  	_ =	shalt  }
0x77: {  	_ =	shalt  }
0x78: {  	_ =	shalt  }
0x79: {  	_ =	shalt  }
0x7a: {  	_ =	shalt  }
0x7b: {  	_ =	shalt  }
0x7c: {  	_ =	shalt  }
0x7d: {  	_ =	shalt  }
0x7e: {  	_ =	shalt  }
0x7f: {  	_ =	shalt  }
0x80: {  	_ =	shalt  }
0x81: {  	_ =	shalt  }
0x82: {  	_ =	shalt  }
0x83: {  	_ =	shalt  }
0x84: {  	_ =	shalt  }
0x85: {  	_ =	shalt  }
0x86: {  	_ =	shalt  }
0x87: {  	_ =	shalt  }
.Lfunc_end0:
.L_simem_size_0:
called_computation.1_lowered:
.L_overlay_start_0:
0x88: {  	s2 =	sld [smem:$0x3FD9]  }
0x89: {  	s3 =	sld [smem:$0x3FFE];
	_ =	sdelay $0x1  }
0x8a: {  	s1 =	srdreg.scid  }
0x8b: {  	s0 =	sand.u32 $0x1, s1  }
0x8c: {  	s14 =	sshll.u32 s0, $0xA;
	s2 =	sadd.s32 s3, s2  }
0x8d: {  	s2 =	sadd.s32 s2, s14  }
0x8e: {  	[smem:$0x3FC2] =	sst s2  }
0x8f: {  	_ = 	snop  }
0x90: {  	s2 =	sld [smem:$0x3FC8]  }
0x91: {  	s15 =	sld [smem:$0x3FD0]  }
0x92: {  	s4 =	sld [smem:$0x3FC7]  }
0x93: {  	s5 =	sld [smem:$0x3FC5]  }
0x94: {  	s7 =	simm.s32 $0xA;
	s8 =	simm.s32 $0x10;
	s6 =	sld [smem:$0x3FC4]  }
0x95: {  	[smem:s8], [sflag:s7] =	dma.local [hbm:s15], $0x1  }
0x96: {  	_ =	swait.eq [sflag:s7], $0x1  }
0x97: {  	s16 =	sld [smem:$0x10];
	[sflag:s7] =	ssyncset.done $0x0  }
0x98: {  	s17 =	sld [smem:$0x11];
	[sflag:s7] =	ssyncadd.s32 $0xFFFFFFFF  }
0x99: {  	s18 =	sld [smem:$0x12];
	(tm) =	ssettm $0x1  }
0x9a: {  	s9 =	sld [smem:$0x3FFB];
	_ =	sdelay $0x3  }
0x9b: {  	_ =	strace s9  }
0x9c: {  	s9 =	sld [smem:$0x3FFC];
	_ =	sdelay $0x3  }
0x9d: {  	_ =	strace s9  }
0x9e: {  	s9 =	sld [smem:$0x3FFD];
	_ =	sdelay $0x3  }
0x9f: {  	_ =	strace s9  }
0xa0: {  	_ =	strace $0x8FFFFFFF  }
0xa1: {  	s19 =	sld [smem:$0x3FDB];
	_ =	sdelay $0x1  }
0xa2: {  	s10 =	simm.s32 $_scs_section_size  }
0xa3: {  	s11 =	simm.s32 $_size__tile_overlayer_lowered;
	s12 =	simm.s32 $_tile_overlayer_lowered  }
0xa4: {  	s22 =	simm.s32 $0x1BFF;
	s21 =	sshll.u32 s12, $0x1;
	s9 =	sadd.s32 s10, s19  }
0xa5: {  	s13 =	simm.s32 $0x0;
	s20 =	sshll.u32 s11, $0x1;
	s11 =	sadd.s32 s21, s9  }
0xa6: {  	[timem:s13], [sflag:s22] =	dma.local [hbm:s11], s20  }
0xa7: {  	_ =	swait.ge [sflag:s22], s20  }
0xa8: {  	s10 =	ssub.s32 $0x0, s20;
	[sflag:s22] =	ssyncset.done $0x0  }
0xa9: {  	[sflag:s22] =	ssyncadd.s32 s10;
	_ =	sdelay $0x1  }
0xaa: {  	s23 =	simm.s32 $0x1B8B  }
0xab: {  	_ =	swait.ge [sflag:s23], $0x1  }
0xac: {  	[sflag:s23] =	ssyncset.done $0x0  }
0xad: {  	s25 =	simm.s32 $0x1B8E;
	s24 =	sld [smem:$0x3FFE];
	[sflag:s23] =	ssyncadd.s32 $0xFFFFFFFF  }
0xae: {  	s26 =	simm.s32 $execute0_lowered;
	[smem:$0x3FD2] =	sst s25  }
0xaf: {  	s11 =	sshll.u32 s26, $0x1;
	_ =	strace $0x80000046;
	[dreg:$0x1] =	wrdreg $0xFFFFFFFF  }
0xb0: {  	s28 =	simm.s32 $_size_execute0_lowered;
	s9 =	sadd.s32 s9, s11;
	[dreg:$0x0] =	wrdreg $0x0  }
0xb1: {  	s11 =	sshll.u32 s28, $0x1;
	[dreg:$0x2] =	wrdreg s9  }
0xb2: {  	[dreg:$0x3] =	wrdreg s11  }
0xb3: {  	[dreg:$0x4] =	wrdreg $0xC0  }
0xb4: {  	_ =	task [dreg:s13], $0x5FFFF  }
0xb5: {  	[dreg:$0x1] =	wrdreg $0xFFFFFFFF  }
0xb6: {  	[dreg:$0x0] =	wrdreg $0x60  }
0xb7: {  	[dreg:$0x2] =	wrdreg s24  }
0xb8: {  	[dreg:$0x3] =	wrdreg s2  }
0xb9: {  	[dreg:$0x4] =	wrdreg s4  }
0xba: {  	[dreg:$0x5] =	wrdreg s16  }
0xbb: {  	[dreg:$0x6] =	wrdreg s5  }
0xbc: {  	[dreg:$0x7] =	wrdreg s6  }
0xbd: {  	[dreg:$0x8] =	wrdreg s17  }
0xbe: {  	[dreg:$0x9] =	wrdreg s18  }
0xbf: {  	[dreg:$0xa] =	wrdreg $0x0  }
0xc0: {  	[dreg:$0xb] =	wrdreg $0x9  }
0xc1: {  	_ =	task.clear_ibuf [dreg:s13], $0xCFFFF;
	_ =	strace $0x90000046  }
0xc2: {  	s29 =	simm.s32 $0x9;
	_ =	strace $0x80000048  }
0xc3: {  	_ =	swait.ge [sflag:s29], $0x1  }
0xc4: {  	[sflag:s29] =	ssyncadd.s32 $0xFFFFFFFF  }
0xc5: {  	_ =	strace $0x90000048  }
0xc6: {  	_ =	sfence  }
0xc7: {  	s30 =	sld [smem:$0x0];
	_ =	sdelay $0x2  }
0xc8: {  	s31 =	sshll.u32 s1, $0xD;
	s1 =	sshrl.u32 s1, $0x2  }
0xc9: {  	s3 =	sand.u32 $0x4000, s31;
	s1 =	sadd.s32 s1, s30  }
0xca: {  	s0 =	sor.u32 s3, s0;
	s1 =	sshll.u32 s1, $0x11  }
0xcb: {  	s0 =	sor.u32 s1, s0  }
0xcc: {  	s0 =	sadd.s32 $0x8F2B, s0  }
0xcd: {  	[sflag:s0] =	ssyncadd.remote.s32 $0x1  }
0xce: {  	_ =	sfence.sel $0xFFFF  }
0xcf: {  	[dreg:$0x0] =	wrdreg $0xFFFFFFFF;
	(pc) =	sbr.abs _section_cstart, $3  }
0xd0: {  	[dreg:$0x1] =	wrdreg $0xFFFFFFFF  }
0xd1: {  	_ =	task.clear_ibuf [dreg:s13], $0x2FFFF;
	_ =	strace $0x9FFFFFFF  }
0xd2: {  	(tm) =	ssettm $0x7FFFFFFF  }
0xd3: {  	_ =	shalt  }
tec
execute0_lowered:
.L_overlay_start_1:
0x0: {  	(tag) =	ssettag $0x1  }
0x1: {  	s0 =	srdreg.scid;
	s19 =	stileid.u32  }
0x2: {  	s3 =	rddreg [dreg:$0x0];
	s0 =	sand.u32 $0x1, s0;
	s1 =	sshll.u32 s19, $0x1  }
0x3: {  	s2 =	rddreg [dreg:$0x3];
	s6 =	smul.u32 $0x60000, s19;
	s13 =	sor.u32 s0, s1  }
0x4: {  	s4 =	rddreg [dreg:$0x8];
	s7 =	sadd.s32 $0x600C00, s3;
	s5 =	smul.u32 $0x60000, s13  }
0x5: {  	s15 =	sadd.s32 $0xC00, s3;
	s1 =	simm.s32 $0x0;
	s0 =	ssub.s32 $0x2, s0  }
0x6: {  	[smem:$0x7FF] =	sst s1;
	s26 =	sshrl.u32 s6, $0x2;
	s3 =	sshrl.u32 s5, $0x3  }
0x7: {  	s25 =	sshrl.u32 s0, $0x1;
	s20 =	sadd.s32 s26, s4;
	s4 =	sadd.s32 s7, s3  }
0x8: {  	s5 =	sor.u32 $0x1800, s3;
	s6 =	sadd.s32 s15, s3;
	[dreg:$0xa] =	wrdreg s4  }
0x9: {  	s14 =	ssub.s32 s0, s25;
	[dreg:$0xb] =	wrdreg s6;
	s8 =	sadd.s32 s7, s5  }
0xa: {  	s9 =	sor.u32 $0x3000, s3;
	s0 =	sadd.s32 s15, s5;
	[dreg:$0xc] =	wrdreg s8  }
0xb: {  	s10 =	sadd.s32 s7, s9;
	[dreg:$0xd] =	wrdreg s0  }
0xc: {  	s11 =	sadd.s32 $0x4800, s3;
	s4 =	sadd.s32 s15, s9;
	[dreg:$0xe] =	wrdreg s10  }
0xd: {  	s16 =	sadd.s32 $0x6000, s3;
	s12 =	sadd.s32 s7, s11;
	[dreg:$0xf] =	wrdreg s4  }
0xe: {  	s23 =	smul.u32 $0x8A600, s13;
	s17 =	sadd.s32 s7, s16;
	[dreg:$0x10] =	wrdreg s12  }
0xf: {  	s21 =	sadd.s32 $0x7800, s3;
	s18 =	sadd.s32 s15, s16;
	[dreg:$0x12] =	wrdreg s17  }
0x10: {  	s22 =	sadd.s32 $0x9000, s3;
	s24 =	sadd.s32 s7, s21;
	[dreg:$0x13] =	wrdreg s18  }
0x11: {  	p0 =	seq.s32 s13, $0x1F;
	s25 =	sadd.s32 s7, s22;
	[dreg:$0x14] =	wrdreg s24  }
0x12: {  	p1 =	sne.s32 s13, $0x1E;
	s26 =	sadd.s32 s15, s22;
	[dreg:$0x16] =	wrdreg s25  }
0x13: {  	s13 =	smax.u32 s14, $0x1;
	s0 =	sadd.s32 s15, s11;
	[dreg:$0x17] =	wrdreg s26  }
0x14: {  	s4 =	sadd.s32 $0xA800, s3;
	s12 =	sshrl.u32 s23, $0x3;
	s25 =	sadd.s32 $0x80, s20  }
0x15: {  	[dreg:$0x11] =	wrdreg s0;
	s0 =	sadd.s32 s15, s21;
	s5 =	sadd.s32 $0x180000, s12  }
0x16: {  	s3 =	sadd.s32 s7, s4;
	s7 =	sadd.s32 $0x181800, s12;
	s11 =	sadd.s32 $0x184800, s12  }
0x17: {  	s9 =	sadd.s32 $0x183000, s12;
	s17 =	sadd.s32 $0x186000, s12;
	s18 =	sadd.s32 $0x187800, s12  }
0x18: {  	s21 =	sadd.s32 $0x189000, s12;
	s22 =	sadd.s32 $0x18C000, s12;
	[dreg:$0x15] =	wrdreg s0  }
0x19: {  	s14 =	sshrl.u32 s25, $0x3;
	[dreg:$0x18] =	wrdreg s3;
	s0 =	sadd.s32 s15, s4  }
0x1a: {  	s6 =	sadd.s32 s2, s5;
	s8 =	sadd.s32 s2, s7;
	s10 =	sadd.s32 s2, s9  }
0x1b: {  	s28 =	sadd.s32 s2, s17;
	s29 =	sadd.s32 s15, s17;
	s17 =	rddreg [dreg:$0x5]  }
0x1c: {  	s16 =	sadd.s32 s2, s11;
	s26 =	sadd.s32 s15, s11;
	[dreg:$0x19] =	wrdreg s0  }
0x1d: {  	s30 =	sadd.s32 s2, s18;
	s31 =	sadd.s32 s15, s18;
	[dreg:$0x1a] =	wrdreg s6  }
0x1e: {  	s3 =	sadd.s32 s15, s21;
	s11 =	sadd.s32 $0x18F000, s12;
	[dreg:$0x1c] =	wrdreg s8  }
0x1f: {  	s18 =	sadd.s32 $0x190800, s12;
	s0 =	sadd.s32 s15, s5;
	[dreg:$0x1e] =	wrdreg s10  }
0x20: {  	[smem:$0x7FB] =	sst s16;
	s5 =	sadd.s32 $0x18A800, s12;
	s6 =	sadd.s32 s2, s22  }
0x21: {  	s16 =	rddreg [dreg:$0x4];
	s10 =	sadd.s32 s2, s11;
	s11 =	sadd.s32 s15, s11  }
0x22: {  	s23 =	sadd.s32 $0x200, s17;
	s17 =	simm.s32 $0x1;
	[dreg:$0x1b] =	wrdreg s0  }
0x23: {  	s0 =	sadd.s32 s15, s7;
	s4 =	sadd.s32 s2, s5;
	s5 =	sadd.s32 s15, s5  }
0x24: {  	s7 =	sadd.s32 s15, s22;
	s24 =	sadd.s32 $0x200, s16;
	[dreg:$0x1d] =	wrdreg s0  }
0x25: {  	s0 =	sadd.s32 s15, s9;
	s9 =	sadd.s32 $0x18D800, s12;
	s12 =	sadd.s32 s2, s18  }
.Ltmp0:
0x26: {  	[dreg:$0x1f] =	wrdreg s0;
	s0 =	sadd.s32 s2, s21;
	(pc) =	sbr.rel .LBB2_1-.Ltmp0, $4  }
0x27: {  	s8 =	sadd.s32 s2, s9;
	s9 =	sadd.s32 s15, s9;
	s2 =	sadd.s32 s15, s18  }
0x28: {  	s15 =	sshll.u32 s19, $0x6;
	_ =	strace $0x80000047;
	[smem:$0x7FC] =	sst s23  }
0x29: {  	s18 =	simm.s32 $0x20;
	s19 =	simm.s32 $0x10;
	[smem:$0x7FD] =	sst s24  }
0x2a: {  	s23 =	smov.u32 s20;
	s16 =	sor.u32 $0x1C01, s15;
	s20 =	simm.s32 $0x2  }
.LBB2_4:
0x2b: {  	s21 =	rddreg [dreg:$0x2];
	s22 =	simm.s32 $0x1A780;
	s24 =	simm.s32 $0x3  }
0x2c: {  	[tilespmem:s22], [sflag:$0x3] =	stream.linear.gather [hbm4b:s21+s1], $0x80, $0x38;
	[tilespmem:$0x1A800] =	vst v63  }
0x2d: {  	_ =	swait.ge [sflag:s24], $0x80  }
0x2e: {  	s25 =	sld [smem:$0x7FC]  }
0x2f: {  	[sflag:s24] =	ssyncset.done $0x0  }
0x30: {  	[sflag:s24] =	ssyncadd.s32 $0xFFFFFF80;
	s24 =	simm.s32 $0x19000  }
0x31: {  	[tilespmem:s24], [sflag:$0x2] =	stream.linear.gather [hbm4b:s25+s1], $0x1710, $0x38;
	[tilespmem:$0x1A800] =	vst v63  }
0x32: {  	v0 =	vld [tilespmem:$0x1A780];
	_ =	sdelay $0x4  }
0x33: {  	[tilespmem:$0x18000] =	vst v0  }
0x34: {  	[tilespmem:$0x18010] =	vst v0  }
0x35: {  	[tilespmem:$0x18020] =	vst v0  }
0x36: {  	[tilespmem:$0x18030] =	vst v0  }
0x37: {  	[tilespmem:$0x18040] =	vst v0  }
0x38: {  	[tilespmem:$0x18050] =	vst v0  }
0x39: {  	[tilespmem:$0x18060] =	vst v0  }
0x3a: {  	[tilespmem:$0x18070] =	vst v0  }
0x3b: {  	[tilespmem:$0x18080] =	vst v0  }
0x3c: {  	[tilespmem:$0x18090] =	vst v0  }
0x3d: {  	[tilespmem:$0x180A0] =	vst v0  }
0x3e: {  	[tilespmem:$0x180B0] =	vst v0  }
0x3f: {  	[tilespmem:$0x180C0] =	vst v0  }
0x40: {  	[tilespmem:$0x180D0] =	vst v0  }
0x41: {  	[tilespmem:$0x180E0] =	vst v0  }
0x42: {  	[tilespmem:$0x180F0] =	vst v0  }
0x43: {  	[tilespmem:$0x18100] =	vst v0  }
0x44: {  	[tilespmem:$0x18110] =	vst v0  }
0x45: {  	[tilespmem:$0x18120] =	vst v0  }
0x46: {  	[tilespmem:$0x18130] =	vst v0  }
0x47: {  	[tilespmem:$0x18140] =	vst v0  }
0x48: {  	[tilespmem:$0x18150] =	vst v0  }
0x49: {  	[tilespmem:$0x18160] =	vst v0  }
0x4a: {  	[tilespmem:$0x18170] =	vst v0  }
0x4b: {  	[tilespmem:$0x18180] =	vst v0  }
0x4c: {  	[tilespmem:$0x18190] =	vst v0  }
0x4d: {  	[tilespmem:$0x181A0] =	vst v0  }
0x4e: {  	[tilespmem:$0x181B0] =	vst v0  }
0x4f: {  	[tilespmem:$0x181C0] =	vst v0  }
0x50: {  	[tilespmem:$0x181D0] =	vst v0  }
0x51: {  	[tilespmem:$0x181E0] =	vst v0  }
0x52: {  	[tilespmem:$0x181F0] =	vst v0  }
0x53: {  	[tilespmem:$0x18200] =	vst v0  }
0x54: {  	[tilespmem:$0x18210] =	vst v0  }
0x55: {  	[tilespmem:$0x18220] =	vst v0  }
0x56: {  	[tilespmem:$0x18230] =	vst v0  }
0x57: {  	[tilespmem:$0x18240] =	vst v0  }
0x58: {  	[tilespmem:$0x18250] =	vst v0  }
0x59: {  	[tilespmem:$0x18260] =	vst v0  }
0x5a: {  	[tilespmem:$0x18270] =	vst v0  }
0x5b: {  	[tilespmem:$0x18280] =	vst v0  }
0x5c: {  	[tilespmem:$0x18290] =	vst v0  }
0x5d: {  	[tilespmem:$0x182A0] =	vst v0  }
0x5e: {  	[tilespmem:$0x182B0] =	vst v0  }
0x5f: {  	[tilespmem:$0x182C0] =	vst v0  }
0x60: {  	[tilespmem:$0x182D0] =	vst v0  }
0x61: {  	[tilespmem:$0x182E0] =	vst v0  }
0x62: {  	[tilespmem:$0x182F0] =	vst v0  }
0x63: {  	[tilespmem:$0x18300] =	vst v0  }
0x64: {  	[tilespmem:$0x18310] =	vst v0  }
0x65: {  	[tilespmem:$0x18320] =	vst v0  }
0x66: {  	[tilespmem:$0x18330] =	vst v0  }
0x67: {  	[tilespmem:$0x18340] =	vst v0  }
0x68: {  	[tilespmem:$0x18350] =	vst v0  }
0x69: {  	[tilespmem:$0x18360] =	vst v0  }
0x6a: {  	[tilespmem:$0x18370] =	vst v0  }
0x6b: {  	[tilespmem:$0x18380] =	vst v0  }
0x6c: {  	[tilespmem:$0x18390] =	vst v0  }
0x6d: {  	[tilespmem:$0x183A0] =	vst v0  }
0x6e: {  	[tilespmem:$0x183B0] =	vst v0  }
0x6f: {  	[tilespmem:$0x183C0] =	vst v0  }
0x70: {  	[tilespmem:$0x183D0] =	vst v0  }
0x71: {  	[tilespmem:$0x183E0] =	vst v0  }
0x72: {  	[tilespmem:$0x183F0] =	vst v0  }
0x73: {  	[tilespmem:$0x18400] =	vst v0  }
0x74: {  	[tilespmem:$0x18410] =	vst v0  }
0x75: {  	[tilespmem:$0x18420] =	vst v0  }
0x76: {  	[tilespmem:$0x18430] =	vst v0  }
0x77: {  	[tilespmem:$0x18440] =	vst v0  }
0x78: {  	[tilespmem:$0x18450] =	vst v0  }
0x79: {  	[tilespmem:$0x18460] =	vst v0  }
0x7a: {  	[tilespmem:$0x18470] =	vst v0  }
0x7b: {  	[tilespmem:$0x18480] =	vst v0  }
0x7c: {  	[tilespmem:$0x18490] =	vst v0  }
0x7d: {  	[tilespmem:$0x184A0] =	vst v0  }
0x7e: {  	[tilespmem:$0x184B0] =	vst v0  }
0x7f: {  	[tilespmem:$0x184C0] =	vst v0  }
0x80: {  	[tilespmem:$0x184D0] =	vst v0  }
0x81: {  	[tilespmem:$0x184E0] =	vst v0  }
0x82: {  	[tilespmem:$0x184F0] =	vst v0  }
0x83: {  	[tilespmem:$0x18500] =	vst v0  }
0x84: {  	[tilespmem:$0x18510] =	vst v0  }
0x85: {  	[tilespmem:$0x18520] =	vst v0  }
0x86: {  	[tilespmem:$0x18530] =	vst v0  }
0x87: {  	[tilespmem:$0x18540] =	vst v0  }
0x88: {  	[tilespmem:$0x18550] =	vst v0  }
0x89: {  	[tilespmem:$0x18560] =	vst v0  }
0x8a: {  	[tilespmem:$0x18570] =	vst v0  }
0x8b: {  	[tilespmem:$0x18580] =	vst v0  }
0x8c: {  	[tilespmem:$0x18590] =	vst v0  }
0x8d: {  	[tilespmem:$0x185A0] =	vst v0  }
0x8e: {  	[tilespmem:$0x185B0] =	vst v0  }
0x8f: {  	[tilespmem:$0x185C0] =	vst v0  }
0x90: {  	[tilespmem:$0x185D0] =	vst v0  }
0x91: {  	[tilespmem:$0x185E0] =	vst v0  }
0x92: {  	[tilespmem:$0x185F0] =	vst v0  }
0x93: {  	[tilespmem:$0x18600] =	vst v0  }
0x94: {  	[tilespmem:$0x18610] =	vst v0  }
0x95: {  	[tilespmem:$0x18620] =	vst v0  }
0x96: {  	[tilespmem:$0x18630] =	vst v0  }
0x97: {  	[tilespmem:$0x18640] =	vst v0  }
0x98: {  	[tilespmem:$0x18650] =	vst v0  }
0x99: {  	[tilespmem:$0x18660] =	vst v0  }
0x9a: {  	[tilespmem:$0x18670] =	vst v0  }
0x9b: {  	[tilespmem:$0x18680] =	vst v0  }
0x9c: {  	[tilespmem:$0x18690] =	vst v0  }
0x9d: {  	[tilespmem:$0x186A0] =	vst v0  }
0x9e: {  	[tilespmem:$0x186B0] =	vst v0  }
0x9f: {  	[tilespmem:$0x186C0] =	vst v0  }
0xa0: {  	[tilespmem:$0x186D0] =	vst v0  }
0xa1: {  	[tilespmem:$0x186E0] =	vst v0  }
0xa2: {  	[tilespmem:$0x186F0] =	vst v0  }
0xa3: {  	[tilespmem:$0x18700] =	vst v0  }
0xa4: {  	[tilespmem:$0x18710] =	vst v0  }
0xa5: {  	[tilespmem:$0x18720] =	vst v0  }
0xa6: {  	[tilespmem:$0x18730] =	vst v0  }
0xa7: {  	[tilespmem:$0x18740] =	vst v0  }
0xa8: {  	[tilespmem:$0x18750] =	vst v0  }
0xa9: {  	[tilespmem:$0x18760] =	vst v0  }
0xaa: {  	[tilespmem:$0x18770] =	vst v0  }
0xab: {  	[tilespmem:$0x18780] =	vst v0  }
0xac: {  	[tilespmem:$0x18790] =	vst v0  }
0xad: {  	[tilespmem:$0x187A0] =	vst v0  }
0xae: {  	[tilespmem:$0x187B0] =	vst v0  }
0xaf: {  	[tilespmem:$0x187C0] =	vst v0  }
0xb0: {  	[tilespmem:$0x187D0] =	vst v0  }
0xb1: {  	[tilespmem:$0x187E0] =	vst v0  }
0xb2: {  	[tilespmem:$0x187F0] =	vst v0  }
0xb3: {  	[tilespmem:$0x18800] =	vst v0  }
0xb4: {  	[tilespmem:$0x18810] =	vst v0  }
0xb5: {  	[tilespmem:$0x18820] =	vst v0  }
0xb6: {  	[tilespmem:$0x18830] =	vst v0  }
0xb7: {  	[tilespmem:$0x18840] =	vst v0  }
0xb8: {  	[tilespmem:$0x18850] =	vst v0  }
0xb9: {  	[tilespmem:$0x18860] =	vst v0  }
0xba: {  	[tilespmem:$0x18870] =	vst v0  }
0xbb: {  	[tilespmem:$0x18880] =	vst v0  }
0xbc: {  	[tilespmem:$0x18890] =	vst v0  }
0xbd: {  	[tilespmem:$0x188A0] =	vst v0  }
0xbe: {  	[tilespmem:$0x188B0] =	vst v0  }
0xbf: {  	[tilespmem:$0x188C0] =	vst v0  }
0xc0: {  	[tilespmem:$0x188D0] =	vst v0  }
0xc1: {  	[tilespmem:$0x188E0] =	vst v0  }
0xc2: {  	[tilespmem:$0x188F0] =	vst v0  }
0xc3: {  	[tilespmem:$0x18900] =	vst v0  }
0xc4: {  	[tilespmem:$0x18910] =	vst v0  }
0xc5: {  	[tilespmem:$0x18920] =	vst v0  }
0xc6: {  	[tilespmem:$0x18930] =	vst v0  }
0xc7: {  	[tilespmem:$0x18940] =	vst v0  }
0xc8: {  	[tilespmem:$0x18950] =	vst v0  }
0xc9: {  	[tilespmem:$0x18960] =	vst v0  }
0xca: {  	[tilespmem:$0x18970] =	vst v0  }
0xcb: {  	[tilespmem:$0x18980] =	vst v0  }
0xcc: {  	[tilespmem:$0x18990] =	vst v0  }
0xcd: {  	[tilespmem:$0x189A0] =	vst v0  }
0xce: {  	[tilespmem:$0x189B0] =	vst v0  }
0xcf: {  	[tilespmem:$0x189C0] =	vst v0  }
0xd0: {  	[tilespmem:$0x189D0] =	vst v0  }
0xd1: {  	[tilespmem:$0x189E0] =	vst v0  }
0xd2: {  	[tilespmem:$0x189F0] =	vst v0  }
0xd3: {  	[tilespmem:$0x18A00] =	vst v0  }
0xd4: {  	[tilespmem:$0x18A10] =	vst v0  }
0xd5: {  	[tilespmem:$0x18A20] =	vst v0  }
0xd6: {  	[tilespmem:$0x18A30] =	vst v0  }
0xd7: {  	[tilespmem:$0x18A40] =	vst v0  }
0xd8: {  	[tilespmem:$0x18A50] =	vst v0  }
0xd9: {  	[tilespmem:$0x18A60] =	vst v0  }
0xda: {  	[tilespmem:$0x18A70] =	vst v0  }
0xdb: {  	[tilespmem:$0x18A80] =	vst v0  }
0xdc: {  	[tilespmem:$0x18A90] =	vst v0  }
0xdd: {  	[tilespmem:$0x18AA0] =	vst v0  }
0xde: {  	[tilespmem:$0x18AB0] =	vst v0  }
0xdf: {  	[tilespmem:$0x18AC0] =	vst v0  }
0xe0: {  	[tilespmem:$0x18AD0] =	vst v0  }
0xe1: {  	[tilespmem:$0x18AE0] =	vst v0  }
0xe2: {  	[tilespmem:$0x18AF0] =	vst v0  }
0xe3: {  	[tilespmem:$0x18B00] =	vst v0  }
0xe4: {  	[tilespmem:$0x18B10] =	vst v0  }
0xe5: {  	[tilespmem:$0x18B20] =	vst v0  }
0xe6: {  	[tilespmem:$0x18B30] =	vst v0  }
0xe7: {  	[tilespmem:$0x18B40] =	vst v0  }
0xe8: {  	[tilespmem:$0x18B50] =	vst v0  }
0xe9: {  	[tilespmem:$0x18B60] =	vst v0  }
0xea: {  	[tilespmem:$0x18B70] =	vst v0  }
0xeb: {  	[tilespmem:$0x18B80] =	vst v0  }
0xec: {  	[tilespmem:$0x18B90] =	vst v0  }
0xed: {  	[tilespmem:$0x18BA0] =	vst v0  }
0xee: {  	[tilespmem:$0x18BB0] =	vst v0  }
0xef: {  	[tilespmem:$0x18BC0] =	vst v0  }
0xf0: {  	[tilespmem:$0x18BD0] =	vst v0  }
0xf1: {  	[tilespmem:$0x18BE0] =	vst v0  }
0xf2: {  	[tilespmem:$0x18BF0] =	vst v0  }
0xf3: {  	[tilespmem:$0x18C00] =	vst v0  }
0xf4: {  	[tilespmem:$0x18C10] =	vst v0  }
0xf5: {  	[tilespmem:$0x18C20] =	vst v0  }
0xf6: {  	[tilespmem:$0x18C30] =	vst v0  }
0xf7: {  	[tilespmem:$0x18C40] =	vst v0  }
0xf8: {  	[tilespmem:$0x18C50] =	vst v0  }
0xf9: {  	[tilespmem:$0x18C60] =	vst v0  }
0xfa: {  	[tilespmem:$0x18C70] =	vst v0  }
0xfb: {  	[tilespmem:$0x18C80] =	vst v0  }
0xfc: {  	[tilespmem:$0x18C90] =	vst v0  }
0xfd: {  	[tilespmem:$0x18CA0] =	vst v0  }
0xfe: {  	[tilespmem:$0x18CB0] =	vst v0  }
0xff: {  	[tilespmem:$0x18CC0] =	vst v0  }
0x100: {  	[tilespmem:$0x18CD0] =	vst v0  }
0x101: {  	[tilespmem:$0x18CE0] =	vst v0  }
0x102: {  	[tilespmem:$0x18CF0] =	vst v0  }
0x103: {  	[tilespmem:$0x18D00] =	vst v0  }
0x104: {  	[tilespmem:$0x18D10] =	vst v0  }
0x105: {  	[tilespmem:$0x18D20] =	vst v0  }
0x106: {  	[tilespmem:$0x18D30] =	vst v0  }
0x107: {  	[tilespmem:$0x18D40] =	vst v0  }
0x108: {  	[tilespmem:$0x18D50] =	vst v0  }
0x109: {  	[tilespmem:$0x18D60] =	vst v0  }
0x10a: {  	[tilespmem:$0x18D70] =	vst v0  }
0x10b: {  	[tilespmem:$0x18D80] =	vst v0  }
0x10c: {  	[tilespmem:$0x18D90] =	vst v0  }
0x10d: {  	[tilespmem:$0x18DA0] =	vst v0  }
0x10e: {  	[tilespmem:$0x18DB0] =	vst v0  }
0x10f: {  	[tilespmem:$0x18DC0] =	vst v0  }
0x110: {  	[tilespmem:$0x18DD0] =	vst v0  }
0x111: {  	[tilespmem:$0x18DE0] =	vst v0  }
0x112: {  	[tilespmem:$0x18DF0] =	vst v0  }
0x113: {  	[tilespmem:$0x18E00] =	vst v0  }
0x114: {  	[tilespmem:$0x18E10] =	vst v0  }
0x115: {  	[tilespmem:$0x18E20] =	vst v0  }
0x116: {  	[tilespmem:$0x18E30] =	vst v0  }
0x117: {  	[tilespmem:$0x18E40] =	vst v0  }
0x118: {  	[tilespmem:$0x18E50] =	vst v0  }
0x119: {  	[tilespmem:$0x18E60] =	vst v0  }
0x11a: {  	[tilespmem:$0x18E70] =	vst v0  }
0x11b: {  	[tilespmem:$0x18E80] =	vst v0  }
0x11c: {  	[tilespmem:$0x18E90] =	vst v0  }
0x11d: {  	[tilespmem:$0x18EA0] =	vst v0  }
0x11e: {  	[tilespmem:$0x18EB0] =	vst v0  }
0x11f: {  	[tilespmem:$0x18EC0] =	vst v0  }
0x120: {  	[tilespmem:$0x18ED0] =	vst v0  }
0x121: {  	[tilespmem:$0x18EE0] =	vst v0  }
0x122: {  	[tilespmem:$0x18EF0] =	vst v0  }
0x123: {  	[tilespmem:$0x18F00] =	vst v0  }
0x124: {  	[tilespmem:$0x18F10] =	vst v0  }
0x125: {  	[tilespmem:$0x18F20] =	vst v0  }
0x126: {  	[tilespmem:$0x18F30] =	vst v0  }
0x127: {  	[tilespmem:$0x18F40] =	vst v0  }
0x128: {  	[tilespmem:$0x18F50] =	vst v0  }
0x129: {  	[tilespmem:$0x18F60] =	vst v0  }
0x12a: {  	[tilespmem:$0x18F70] =	vst v0  }
0x12b: {  	[tilespmem:$0x18F80] =	vst v0  }
0x12c: {  	[tilespmem:$0x18F90] =	vst v0  }
0x12d: {  	[tilespmem:$0x18FA0] =	vst v0  }
0x12e: {  	[tilespmem:$0x18FB0] =	vst v0  }
0x12f: {  	[tilespmem:$0x18FC0] =	vst v0  }
0x130: {  	[tilespmem:$0x18FD0] =	vst v0  }
0x131: {  	s21 =	rddreg [dreg:$0x7];
	[tilespmem:$0x18FE0] =	vst v0  }
0x132: {  	s22 =	smov.u32 s21;
	s25 =	simm.s32 $0x18000;
	[tilespmem:$0x18FF0] =	vst v0  }
.LBB2_5:
0x133: {  	[hbm4b:s22+s1] =	stream.linear.scatter [tilespmem:s25], [sflag:$0x1], $0x1000, $0x38;
	[tilespmem:$0x1A800] =	vst v63  }
0x134: {  	_ =	swait.ge [sflag:s17], $0x1000  }
0x135: {  	[sflag:s17] =	ssyncset.done $0x0  }
0x136: {  	[sflag:s17] =	ssyncadd.s32 $0xFFFFF000  }
0x137: {  	_ =	swait.ge [sflag:s20], $0x1710  }
0x138: {  	[sflag:s20] =	ssyncset.done $0x0  }
0x139: {  	s21 =	sadd.s32 $0x200, s21;
	[sflag:s20] =	ssyncadd.s32 $0xFFFFE8F0  }
0x13a: {  	[hbm4b:s21+s1] =	stream.linear.scatter [tilespmem:s24], [sflag:$0x2], $0x1710, $0x38;
	[tilespmem:$0x1A800] =	vst v63  }
0x13b: {  	_ =	swait.ge [sflag:s20], $0x1710  }
0x13c: {  	[sflag:s20] =	ssyncset.done $0x0  }
0x13d: {  	[sflag:s20] =	ssyncadd.s32 $0xFFFFE8F0  }
.LBB2_6:
0x13e: {  	s13 =	sadd.s32 $0xFFFFFFFF, s13  }
0x13f: {  	p2 =	sne.s32 s13, $0x0  }
.Ltmp1:
0x140: {  	_ = 	snop;
	(pc) =	sbr.rel @!p2 .LBB2_7-.Ltmp1, $1  }
0x141: {  	_ =	sdelay $0x3  }
.LBB2_1:
0x142: {  	s22 =	sshrl.u32 s23, $0x3;
	s21 =	rddreg [dreg:$0xa]  }
0x143: {  	[spmem:s22@s18], [sflag:s16] =	dma.strided [hbm:s21@s19], $0x1800, s17, $0x10   }
0x144: {  	_ =	swait.ge [sflag:s17], $0x1800  }
0x145: {  	[sflag:s17] =	ssyncset.done $0x0  }
0x146: {  	s24 =	rddreg [dreg:$0xb];
	[sflag:s17] =	ssyncadd.s32 $0xFFFFE800  }
0x147: {  	[hbm:s24@s19], [sflag:s16] =	dma.strided [spmem:s22@s18], $0x1800, s17, $0x10   }
0x148: {  	s21 =	sor.u32 $0x1C02, s15;
	s24 =	rddreg [dreg:$0xc]  }
0x149: {  	[spmem:s14@s18], [sflag:s21] =	dma.strided [hbm:s24@s19], $0x1800, s17, $0x10   }
0x14a: {  	_ =	swait.ge [sflag:s20], $0x1800  }
0x14b: {  	[sflag:s20] =	ssyncset.done $0x0  }
0x14c: {  	s25 =	rddreg [dreg:$0xd];
	[sflag:s20] =	ssyncadd.s32 $0xFFFFE800  }
0x14d: {  	[hbm:s25@s19], [sflag:s21] =	dma.strided [spmem:s14@s18], $0x1800, s17, $0x10   }
0x14e: {  	_ =	swait.ge [sflag:s17], $0x1800  }
0x14f: {  	[sflag:s17] =	ssyncset.done $0x0  }
0x150: {  	s25 =	rddreg [dreg:$0xe];
	[sflag:s17] =	ssyncadd.s32 $0xFFFFE800  }
0x151: {  	[spmem:s22@s18], [sflag:s16] =	dma.strided [hbm:s25@s19], $0x1800, s17, $0x10   }
0x152: {  	_ =	swait.ge [sflag:s17], $0x1800  }
0x153: {  	[sflag:s17] =	ssyncset.done $0x0  }
0x154: {  	s25 =	rddreg [dreg:$0xf];
	[sflag:s17] =	ssyncadd.s32 $0xFFFFE800  }
0x155: {  	[hbm:s25@s19], [sflag:s16] =	dma.strided [spmem:s22@s18], $0x1800, s17, $0x10   }
0x156: {  	_ =	swait.ge [sflag:s20], $0x1800  }
0x157: {  	[sflag:s20] =	ssyncset.done $0x0  }
0x158: {  	s25 =	rddreg [dreg:$0x10];
	[sflag:s20] =	ssyncadd.s32 $0xFFFFE800  }
0x159: {  	[spmem:s14@s18], [sflag:s21] =	dma.strided [hbm:s25@s19], $0x1800, s17, $0x10   }
0x15a: {  	_ =	swait.ge [sflag:s20], $0x1800  }
0x15b: {  	[sflag:s20] =	ssyncset.done $0x0  }
0x15c: {  	s25 =	rddreg [dreg:$0x11];
	[sflag:s20] =	ssyncadd.s32 $0xFFFFE800  }
0x15d: {  	[hbm:s25@s19], [sflag:s21] =	dma.strided [spmem:s14@s18], $0x1800, s17, $0x10   }
0x15e: {  	_ =	swait.ge [sflag:s17], $0x1800  }
0x15f: {  	[sflag:s17] =	ssyncset.done $0x0  }
0x160: {  	s25 =	rddreg [dreg:$0x12];
	[sflag:s17] =	ssyncadd.s32 $0xFFFFE800  }
0x161: {  	[spmem:s22@s18], [sflag:s16] =	dma.strided [hbm:s25@s19], $0x1800, s17, $0x10   }
0x162: {  	_ =	swait.ge [sflag:s17], $0x1800  }
0x163: {  	[sflag:s17] =	ssyncset.done $0x0  }
0x164: {  	s25 =	rddreg [dreg:$0x13];
	[sflag:s17] =	ssyncadd.s32 $0xFFFFE800  }
0x165: {  	[hbm:s25@s19], [sflag:s16] =	dma.strided [spmem:s22@s18], $0x1800, s17, $0x10   }
0x166: {  	_ =	swait.ge [sflag:s20], $0x1800  }
0x167: {  	[sflag:s20] =	ssyncset.done $0x0  }
0x168: {  	s25 =	rddreg [dreg:$0x14];
	[sflag:s20] =	ssyncadd.s32 $0xFFFFE800  }
0x169: {  	[spmem:s14@s18], [sflag:s21] =	dma.strided [hbm:s25@s19], $0x1800, s17, $0x10   }
0x16a: {  	_ =	swait.ge [sflag:s20], $0x1800  }
0x16b: {  	[sflag:s20] =	ssyncset.done $0x0  }
0x16c: {  	s25 =	rddreg [dreg:$0x15];
	[sflag:s20] =	ssyncadd.s32 $0xFFFFE800  }
0x16d: {  	[hbm:s25@s19], [sflag:s21] =	dma.strided [spmem:s14@s18], $0x1800, s17, $0x10   }
0x16e: {  	_ =	swait.ge [sflag:s17], $0x1800  }
0x16f: {  	[sflag:s17] =	ssyncset.done $0x0  }
0x170: {  	s25 =	rddreg [dreg:$0x16];
	[sflag:s17] =	ssyncadd.s32 $0xFFFFE800  }
0x171: {  	[spmem:s22@s18], [sflag:s16] =	dma.strided [hbm:s25@s19], $0x1800, s17, $0x10   }
0x172: {  	_ =	swait.ge [sflag:s17], $0x1800  }
0x173: {  	[sflag:s17] =	ssyncset.done $0x0  }
0x174: {  	s25 =	rddreg [dreg:$0x17];
	[sflag:s17] =	ssyncadd.s32 $0xFFFFE800  }
0x175: {  	[hbm:s25@s19], [sflag:s16] =	dma.strided [spmem:s22@s18], $0x1800, s17, $0x10   }
0x176: {  	_ =	swait.ge [sflag:s20], $0x1800  }
0x177: {  	[sflag:s20] =	ssyncset.done $0x0  }
0x178: {  	s25 =	rddreg [dreg:$0x18];
	[sflag:s20] =	ssyncadd.s32 $0xFFFFE800  }
0x179: {  	[spmem:s14@s18], [sflag:s21] =	dma.strided [hbm:s25@s19], $0x1800, s17, $0x10   }
0x17a: {  	_ =	swait.ge [sflag:s20], $0x1800  }
0x17b: {  	[sflag:s20] =	ssyncset.done $0x0  }
0x17c: {  	s25 =	rddreg [dreg:$0x19];
	[sflag:s20] =	ssyncadd.s32 $0xFFFFE800  }
0x17d: {  	[hbm:s25@s19], [sflag:s21] =	dma.strided [spmem:s14@s18], $0x1800, s17, $0x10   }
0x17e: {  	_ =	swait.ge [sflag:s17], $0x1800  }
0x17f: {  	[sflag:s17] =	ssyncset.done $0x0  }
0x180: {  	[sflag:s17] =	ssyncadd.s32 $0xFFFFE800  }
0x181: {  	_ =	swait.ge [sflag:s20], $0x1800  }
0x182: {  	[sflag:s20] =	ssyncset.done $0x0  }
0x183: {  	s25 =	rddreg [dreg:$0x1a];
	[sflag:s20] =	ssyncadd.s32 $0xFFFFE800  }
0x184: {  	[spmem:s22@s18], [sflag:s16] =	dma.strided [hbm:s25@s19], $0x1800, s17, $0x10   }
0x185: {  	_ =	swait.ge [sflag:s17], $0x1800  }
0x186: {  	[sflag:s17] =	ssyncset.done $0x0  }
0x187: {  	s25 =	rddreg [dreg:$0x1b];
	[sflag:s17] =	ssyncadd.s32 $0xFFFFE800  }
0x188: {  	[hbm:s25@s19], [sflag:s16] =	dma.strided [spmem:s22@s18], $0x1800, s17, $0x10   }
0x189: {  	s24 =	rddreg [dreg:$0x1c]  }
0x18a: {  	[spmem:s14@s18], [sflag:s21] =	dma.strided [hbm:s24@s19], $0x1800, s17, $0x10   }
0x18b: {  	_ =	swait.ge [sflag:s20], $0x1800  }
0x18c: {  	[sflag:s20] =	ssyncset.done $0x0  }
0x18d: {  	s25 =	rddreg [dreg:$0x1d];
	[sflag:s20] =	ssyncadd.s32 $0xFFFFE800  }
0x18e: {  	[hbm:s25@s19], [sflag:s21] =	dma.strided [spmem:s14@s18], $0x1800, s17, $0x10   }
0x18f: {  	_ =	swait.ge [sflag:s17], $0x1800  }
0x190: {  	[sflag:s17] =	ssyncset.done $0x0  }
0x191: {  	s25 =	rddreg [dreg:$0x1e];
	[sflag:s17] =	ssyncadd.s32 $0xFFFFE800  }
0x192: {  	[spmem:s22@s18], [sflag:s16] =	dma.strided [hbm:s25@s19], $0x1800, s17, $0x10   }
0x193: {  	_ =	swait.ge [sflag:s17], $0x1800  }
0x194: {  	[sflag:s17] =	ssyncset.done $0x0  }
0x195: {  	s25 =	rddreg [dreg:$0x1f];
	[sflag:s17] =	ssyncadd.s32 $0xFFFFE800  }
0x196: {  	[hbm:s25@s19], [sflag:s16] =	dma.strided [spmem:s22@s18], $0x1800, s17, $0x10   }
0x197: {  	_ =	swait.ge [sflag:s20], $0x1800  }
0x198: {  	s25 =	sld [smem:$0x7FB]  }
0x199: {  	[sflag:s20] =	ssyncset.done $0x0  }
0x19a: {  	[sflag:s20] =	ssyncadd.s32 $0xFFFFE800  }
0x19b: {  	[spmem:s14@s18], [sflag:s21] =	dma.strided [hbm:s25@s19], $0x1800, s17, $0x10   }
0x19c: {  	_ =	swait.ge [sflag:s20], $0x1800  }
0x19d: {  	[sflag:s20] =	ssyncset.done $0x0  }
0x19e: {  	[sflag:s20] =	ssyncadd.s32 $0xFFFFE800  }
0x19f: {  	[hbm:s26@s19], [sflag:s21] =	dma.strided [spmem:s14@s18], $0x1800, s17, $0x10   }
0x1a0: {  	_ =	swait.ge [sflag:s17], $0x1800  }
0x1a1: {  	[sflag:s17] =	ssyncset.done $0x0  }
0x1a2: {  	[sflag:s17] =	ssyncadd.s32 $0xFFFFE800  }
0x1a3: {  	[spmem:s22@s18], [sflag:s16] =	dma.strided [hbm:s28@s19], $0x1800, s17, $0x10   }
0x1a4: {  	_ =	swait.ge [sflag:s17], $0x1800  }
0x1a5: {  	[sflag:s17] =	ssyncset.done $0x0  }
0x1a6: {  	[sflag:s17] =	ssyncadd.s32 $0xFFFFE800  }
0x1a7: {  	[hbm:s29@s19], [sflag:s16] =	dma.strided [spmem:s22@s18], $0x1800, s17, $0x10   }
0x1a8: {  	_ =	swait.ge [sflag:s20], $0x1800  }
0x1a9: {  	[sflag:s20] =	ssyncset.done $0x0  }
0x1aa: {  	[sflag:s20] =	ssyncadd.s32 $0xFFFFE800  }
0x1ab: {  	[spmem:s14@s18], [sflag:s21] =	dma.strided [hbm:s30@s19], $0x1800, s17, $0x10   }
0x1ac: {  	_ =	swait.ge [sflag:s20], $0x1800  }
0x1ad: {  	[sflag:s20] =	ssyncset.done $0x0  }
0x1ae: {  	[sflag:s20] =	ssyncadd.s32 $0xFFFFE800  }
0x1af: {  	[hbm:s31@s19], [sflag:s21] =	dma.strided [spmem:s14@s18], $0x1800, s17, $0x10   }
0x1b0: {  	_ =	swait.ge [sflag:s17], $0x1800  }
0x1b1: {  	[sflag:s17] =	ssyncset.done $0x0  }
0x1b2: {  	[sflag:s17] =	ssyncadd.s32 $0xFFFFE800  }
0x1b3: {  	[spmem:s22@s18], [sflag:s16] =	dma.strided [hbm:s0@s19], $0x1800, s17, $0x10   }
0x1b4: {  	_ =	swait.ge [sflag:s17], $0x1800  }
0x1b5: {  	[sflag:s17] =	ssyncset.done $0x0  }
0x1b6: {  	[sflag:s17] =	ssyncadd.s32 $0xFFFFE800  }
0x1b7: {  	[hbm:s3@s19], [sflag:s16] =	dma.strided [spmem:s22@s18], $0x1800, s17, $0x10   }
0x1b8: {  	_ =	swait.ge [sflag:s20], $0x1800  }
0x1b9: {  	[sflag:s20] =	ssyncset.done $0x0  }
0x1ba: {  	[sflag:s20] =	ssyncadd.s32 $0xFFFFE800  }
0x1bb: {  	[spmem:s14@s18], [sflag:s21] =	dma.strided [hbm:s4@s19], $0x1800, s17, $0x10   }
0x1bc: {  	_ =	swait.ge [sflag:s20], $0x1800  }
0x1bd: {  	[sflag:s20] =	ssyncset.done $0x0  }
0x1be: {  	[sflag:s20] =	ssyncadd.s32 $0xFFFFE800  }
0x1bf: {  	[hbm:s5@s19], [sflag:s21] =	dma.strided [spmem:s14@s18], $0x1800, s17, $0x10   }
0x1c0: {  	_ =	swait.ge [sflag:s17], $0x1800  }
0x1c1: {  	[sflag:s17] =	ssyncset.done $0x0  }
0x1c2: {  	[sflag:s17] =	ssyncadd.s32 $0xFFFFE800  }
0x1c3: {  	[spmem:s22@s18], [sflag:s16] =	dma.strided [hbm:s6@s19], $0x1800, s17, $0x10   }
0x1c4: {  	_ =	swait.ge [sflag:s17], $0x1800  }
0x1c5: {  	[sflag:s17] =	ssyncset.done $0x0  }
0x1c6: {  	[sflag:s17] =	ssyncadd.s32 $0xFFFFE800  }
0x1c7: {  	[hbm:s7@s19], [sflag:s16] =	dma.strided [spmem:s22@s18], $0x1800, s17, $0x10   }
0x1c8: {  	_ =	swait.ge [sflag:s20], $0x1800  }
0x1c9: {  	[sflag:s20] =	ssyncset.done $0x0  }
0x1ca: {  	[sflag:s20] =	ssyncadd.s32 $0xFFFFE800  }
0x1cb: {  	[spmem:s14@s18], [sflag:s21] =	dma.strided [hbm:s8@s19], $0x1800, s17, $0x10   }
0x1cc: {  	_ =	swait.ge [sflag:s20], $0x1800  }
0x1cd: {  	[sflag:s20] =	ssyncset.done $0x0  }
0x1ce: {  	[sflag:s20] =	ssyncadd.s32 $0xFFFFE800  }
0x1cf: {  	[hbm:s9@s19], [sflag:s21] =	dma.strided [spmem:s14@s18], $0x1800, s17, $0x10   }
0x1d0: {  	_ =	swait.ge [sflag:s17], $0x1800  }
0x1d1: {  	[sflag:s17] =	ssyncset.done $0x0  }
0x1d2: {  	[sflag:s17] =	ssyncadd.s32 $0xFFFFE800  }
0x1d3: {  	[spmem:s22@s18], [sflag:s16] =	dma.strided [hbm:s10@s19], $0x1800, s17, $0x10   }
0x1d4: {  	_ =	swait.ge [sflag:s17], $0x1800  }
0x1d5: {  	[sflag:s17] =	ssyncset.done $0x0  }
0x1d6: {  	[sflag:s17] =	ssyncadd.s32 $0xFFFFE800  }
0x1d7: {  	[hbm:s11@s19], [sflag:s16] =	dma.strided [spmem:s22@s18], $0x1800, s17, $0x10   }
0x1d8: {  	_ =	swait.ge [sflag:s20], $0x1800  }
0x1d9: {  	[sflag:s20] =	ssyncset.done $0x0  }
0x1da: {  	[sflag:s20] =	ssyncadd.s32 $0xFFFFE800  }
0x1db: {  	[spmem:s14@s18], [sflag:s21] =	dma.strided [hbm:s12@s19], $0xCC0, s17, $0x10   }
0x1dc: {  	_ =	swait.ge [sflag:s20], $0xCC0  }
0x1dd: {  	[sflag:s20] =	ssyncset.done $0x0  }
0x1de: {  	[sflag:s20] =	ssyncadd.s32 $0xFFFFF340  }
0x1df: {  	[hbm:s2@s19], [sflag:s21] =	dma.strided [spmem:s14@s18], $0xCC0, s17, $0x10   }
0x1e0: {  	_ =	swait.ge [sflag:s17], $0x1800  }
.Ltmp2:
0x1e1: {  	[sflag:s17] =	ssyncset.done $0x0;
	(pc) =	sbr.rel @p0 .LBB2_4-.Ltmp2, $4  }
0x1e2: {  	[sflag:s17] =	ssyncadd.s32 $0xFFFFE800  }
0x1e3: {  	_ =	swait.ge [sflag:s20], $0xCC0  }
0x1e4: {  	[sflag:s20] =	ssyncset.done $0x0  }
0x1e5: {  	[sflag:s20] =	ssyncadd.s32 $0xFFFFF340  }
.Ltmp3:
0x1e6: {  	(pc) =	sbr.rel @p1 .LBB2_6-.Ltmp3, $2  }
0x1e7: {  	_ =	sdelay $0x2  }
0x1e8: {  	s24 =	simm.s32 $0x19000;
	s22 =	simm.s32 $0x18000  }
0x1e9: {  	s21 =	rddreg [dreg:$0x1]  }
0x1ea: {  	s25 =	sld [smem:$0x7FD]  }
0x1eb: {  	[tilespmem:s22], [sflag:$0x1] =	stream.linear.gather [hbm4b:s21+s1], $0x1000, $0x38;
	[tilespmem:$0x1A800] =	vst v63  }
0x1ec: {  	_ = 	snop  }
0x1ed: {  	[tilespmem:s24], [sflag:$0x2] =	stream.linear.gather [hbm4b:s25+s1], $0x1710, $0x38;
	[tilespmem:$0x1A800] =	vst v63  }
.Ltmp4:
0x1ee: {  	_ =	swait.ge [sflag:s17], $0x1000;
	(pc) =	sbr.rel .LBB2_5-.Ltmp4, $4  }
0x1ef: {  	[sflag:s17] =	ssyncset.done $0x0  }
0x1f0: {  	[sflag:s17] =	ssyncadd.s32 $0xFFFFF000  }
0x1f1: {  	s21 =	rddreg [dreg:$0x6]  }
0x1f2: {  	s25 =	simm.s32 $0x18000;
	s22 =	smov.u32 s21  }
.LBB2_7:
0x1f3: {  	_ =	sfence.sel $0x180000  }
0x1f4: {  	[bflag:$0x0] =	sbarrier.arrive $0xFFFF  }
0x1f5: {  	_ =	strace $0x90000047  }
0x1f6: {  	s0 =	stileid.u32;
	[bflag:$0x2] =	sbarrier.arrive $0xFFFF  }
0x1f7: {  	p0 =	sne.s32 s0, $0x0;
	s0 =	rddreg [dreg:$0x9]  }
0x1f8: {  	s0 =	sadd.s32 @!p0 $0x100000, s0  }
0x1f9: {  	[sflag:s0] =	ssyncadd.tile.s32 @!p0 $0x1;
	_ =	shalt  }
.Lfunc_end2:
_tile_overlayer_lowered:
.L_overlay_start_2:
0x1fa: {  	(tag) =	ssettag $0x2  }
0x1fb: {  	s0 =	rddreg [dreg:$0x0];
	s2 =	stileid.u32  }
0x1fc: {  	s1 =	rddreg [dreg:$0x1];
	p0 =	sne.s32 s2, $0x0  }
0x1fd: {  	s3 =	rddreg [dreg:$0x2];
	[bflag:$0x3] =	sbarrier.arrive $0xFFFF;
	s2 =	simm.s32 @!p0 $0x1C03  }
0x1fe: {  	[timem:s3], [sflag:s2] =	dma.local @!p0 [hbm:s0], s1  }
0x1ff: {  	s0 =	simm.s32 @!p0 $0x3  }
0x200: {  	_ =	swait.ge @!p0 [sflag:s0], s1  }
0x201: {  	s1 =	ssub.s32 @!p0 $0x0, s1;
	[sflag:s0] =	ssyncset.done @!p0 $0x0  }
0x202: {  	[sflag:s0] =	ssyncadd.s32 @!p0 s1  }
0x203: {  	[bflag:$0x3] =	sbarrier.arrive $0xFFFF  }
0x204: {  	_ =	shalt  }

// kernel: sparse-core-data-format-call.cloned.1.call-start
scs
called_computation_lowered:
.L_overlay_start_0:
0x0: {  	s2 =	sld [smem:$0x3FD9]  }
0x1: {  	s3 =	sld [smem:$0x3FFE];
	_ =	sdelay $0x1  }
0x2: {  	s1 =	srdreg.scid  }
0x3: {  	s0 =	sand.u32 $0x1, s1  }
0x4: {  	s15 =	sshll.u32 s0, $0xA;
	s2 =	sadd.s32 s3, s2  }
0x5: {  	s2 =	sadd.s32 s2, s15  }
0x6: {  	[smem:$0x3FC2] =	sst s2  }
0x7: {  	_ = 	snop  }
0x8: {  	s2 =	sld [smem:$0x3FD0];
	_ =	sdelay $0x2  }
0x9: {  	s16 =	simm.s32 $0xA;
	s4 =	simm.s32 $0x10  }
0xa: {  	[smem:s4], [sflag:s16] =	dma.local [hbm:s2], $0x1  }
0xb: {  	_ =	swait.eq [sflag:s16], $0x1  }
0xc: {  	[sflag:s16] =	ssyncset.done $0x0  }
0xd: {  	[sflag:s16] =	ssyncadd.s32 $0xFFFFFFFF  }
0xe: {  	s17 =	sld [smem:$0x10];
	(tm) =	ssettm $0x1  }
0xf: {  	s18 =	sld [smem:$0x3FFB];
	_ =	sdelay $0x3  }
0x10: {  	_ =	strace s18  }
0x11: {  	s3 =	sld [smem:$0x3FFC];
	_ =	sdelay $0x3  }
0x12: {  	_ =	strace s3  }
0x13: {  	s3 =	sld [smem:$0x3FFD];
	_ =	sdelay $0x3  }
0x14: {  	_ =	strace s3  }
0x15: {  	_ =	strace $0x8FFFFFFF  }
0x16: {  	s19 =	sld [smem:$0x3FDB];
	_ =	sdelay $0x1  }
0x17: {  	s20 =	simm.s32 $_scs_section_size  }
0x18: {  	s5 =	simm.s32 $_size__tile_overlayer_lowered;
	s6 =	simm.s32 $_tile_overlayer_lowered  }
0x19: {  	s23 =	simm.s32 $0x1BFF;
	s22 =	sshll.u32 s6, $0x1;
	s3 =	sadd.s32 s20, s19  }
0x1a: {  	s7 =	simm.s32 $0x0;
	s21 =	sshll.u32 s5, $0x1;
	s5 =	sadd.s32 s22, s3  }
0x1b: {  	[timem:s7], [sflag:s23] =	dma.local [hbm:s5], s21  }
0x1c: {  	_ =	swait.ge [sflag:s23], s21  }
0x1d: {  	s4 =	ssub.s32 $0x0, s21;
	[sflag:s23] =	ssyncset.done $0x0  }
0x1e: {  	[sflag:s23] =	ssyncadd.s32 s4;
	_ =	sdelay $0x1  }
0x1f: {  	s24 =	simm.s32 $0x1B8B  }
0x20: {  	_ =	swait.ge [sflag:s24], $0x1  }
0x21: {  	[sflag:s24] =	ssyncset.done $0x0  }
0x22: {  	s26 =	simm.s32 $0x1B8E;
	s25 =	sld [smem:$0x3FFE];
	[sflag:s24] =	ssyncadd.s32 $0xFFFFFFFF  }
0x23: {  	s27 =	simm.s32 $execute0_lowered;
	[smem:$0x3FD2] =	sst s26  }
0x24: {  	s5 =	sshll.u32 s27, $0x1;
	_ =	strace $0x80000049;
	[dreg:$0x1] =	wrdreg $0xFFFFFFFF  }
0x25: {  	s28 =	simm.s32 $_size_execute0_lowered;
	s3 =	sadd.s32 s3, s5;
	[dreg:$0x0] =	wrdreg $0x0  }
0x26: {  	s5 =	sshll.u32 s28, $0x1;
	[dreg:$0x2] =	wrdreg s3  }
0x27: {  	[dreg:$0x3] =	wrdreg s5  }
0x28: {  	[dreg:$0x4] =	wrdreg $0xC0  }
0x29: {  	_ =	task [dreg:s7], $0x5FFFF  }
0x2a: {  	[dreg:$0x1] =	wrdreg $0xFFFFFFFF  }
0x2b: {  	[dreg:$0x0] =	wrdreg $0x60  }
0x2c: {  	[dreg:$0x2] =	wrdreg s25  }
0x2d: {  	[dreg:$0x3] =	wrdreg s17  }
0x2e: {  	[dreg:$0x4] =	wrdreg $0x9  }
0x2f: {  	_ =	task.clear_ibuf [dreg:s7], $0x5FFFF;
	_ =	strace $0x90000049  }
0x30: {  	s29 =	simm.s32 $0x9;
	_ =	strace $0x8000004B  }
0x31: {  	_ =	swait.ge [sflag:s29], $0x1  }
0x32: {  	[sflag:s29] =	ssyncadd.s32 $0xFFFFFFFF  }
0x33: {  	_ =	strace $0x9000004B  }
0x34: {  	_ =	sfence  }
0x35: {  	s30 =	sld [smem:$0x0];
	_ =	sdelay $0x2  }
0x36: {  	s31 =	sshll.u32 s1, $0xD;
	s1 =	sshrl.u32 s1, $0x2  }
0x37: {  	s3 =	sand.u32 $0x4000, s31;
	s1 =	sadd.s32 s1, s30  }
0x38: {  	s0 =	sor.u32 s3, s0;
	s1 =	sshll.u32 s1, $0x11  }
0x39: {  	s0 =	sor.u32 s1, s0  }
0x3a: {  	s0 =	sadd.s32 $0x8F2B, s0  }
0x3b: {  	[sflag:s0] =	ssyncadd.remote.s32 $0x1  }
0x3c: {  	_ =	sfence.sel $0xFFFF  }
0x3d: {  	[dreg:$0x0] =	wrdreg $0xFFFFFFFF;
	(pc) =	sbr.abs _section_cstart, $3  }
0x3e: {  	[dreg:$0x1] =	wrdreg $0xFFFFFFFF  }
0x3f: {  	_ =	task.clear_ibuf [dreg:s7], $0x2FFFF;
	_ =	strace $0x9FFFFFFF  }
0x40: {  	(tm) =	ssettm $0x7FFFFFFF  }
0x41: {  	_ =	shalt  }
tec
execute0_lowered:
.L_overlay_start_1:
0x0: {  	(tag) =	ssettag $0x1  }
0x1: {  	s5 =	rddreg [dreg:$0x0];
	s0 =	srdreg.scid  }
0x2: {  	s2 =	rddreg [dreg:$0x1];
	s1 =	stileid.u32  }
0x3: {  	s4 =	simm.s32 $0x1;
	s7 =	simm.s32 $0x2;
	s10 =	simm.s32 $0x0  }
0x4: {  	p0 =	por $0x0, $0x0;
	s11 =	simm.s32 $0x0;
	s3 =	sshll.u32 s0, $0x4  }
.Ltmp0:
0x5: {  	s12 =	simm.s32 $0x0;
	s3 =	sand.u32 $0x10, s3;
	(pc) =	sbr.rel .LBB1_1-.Ltmp0, $4  }
0x6: {  	s0 =	rddreg [dreg:$0x2];
	_ =	strace $0x8000004A;
	s3 =	sor.u32 s1, s3  }
0x7: {  	s8 =	simm.s32 $0x0;
	[sflag:s4] =	ssyncpa.u1 $0x0;
	s6 =	sshll.u32 s3, $0x4  }
0x8: {  	s9 =	simm.s32 $0x0;
	[sflag:s7] =	ssyncpa.u1 $0x0;
	s5 =	sadd.s32 s6, s5  }
0x9: {  	s7 =	simm.s32 $0x0;
	s6 =	simm.s32 $0x13C00;
	s5 =	sadd.s32 $0x3AA400, s5  }
.LBB1_5:
0xa: {  	s13 =	sadd.s32 $0x1, s8  }
0xb: {  	s11 =	sadd.s32 $0x80, s9;
	s14 =	smov.u32 s9;
	p2 =	sgt.s32 s13, $0x2  }
0xc: {  	p1 =	slt.u32 s7, $0x2;
	s14 =	smov.u32 @p2 s11  }
0xd: {  	s7 =	sadd.s32 $0x1, s7;
	s13 =	simm.s32 @p2 $0x0;
	p2 =	sgt.s32 s14, $0x270F  }
0xe: {  	s14 =	simm.s32 @p2 $0x0;
	p2 =	sne.s32 s7, $0xEF  }
.Ltmp1:
0xf: {  	_ = 	snop;
	(pc) =	sbr.rel @!p2 .LBB1_6-.Ltmp1, $4  }
0x10: {  	s10 =	simm.s32 @!p1 $0x2  }
0x11: {  	s12 =	smov.u32 s9;
	p0 =	por !p0, !p0;
	_ =	swait.ge @!p1 [sflag:s10], $0x1000  }
0x12: {  	s11 =	smov.u32 s8;
	[sflag:s10] =	ssyncset.done @!p1 $0x0;
	s8 =	smov.u32 s13  }
0x13: {  	[sflag:s10] =	ssyncadd.s32 @!p1 $0xFFFFF000;
	s10 =	smov.u32 s3;
	s9 =	smov.u32 s14  }
.LBB1_1:
0x14: {  	p1 =	sgt.u32 s7, $0xEC  }
0x15: {  	p2 =	sgt.s32 @!p1 s9, $0x2690  }
0x16: {  	s13 =	smov.u32 s9;
	s15 =	smov.u32 s8;
	p2 =	por !p2, p1  }
0x17: {  	s14 =	sshra.s32 @!p1 s9, $0x1F;
	s13 =	simm.s32 @p2 $0x2690;
	p2 =	sgt.s32 @!p1 s8, $0x2  }
0x18: {  	s16 =	sshra.s32 @!p1 s8, $0x1F;
	s14 =	sand.u32 @!p1 s14, s9;
	p2 =	por !p2, p1  }
0x19: {  	s13 =	ssub.s32 @!p1 s13, s14;
	s14 =	sand.u32 @!p1 s16, s8;
	s15 =	simm.s32 @p2 $0x2  }
0x1a: {  	s13 =	sadd.s32 @!p1 $0xFFFFD970, s13;
	s14 =	ssub.s32 @!p1 s15, s14  }
0x1b: {  	p2 =	sgt.s32 @!p1 s13, $0x7F;
	s15 =	sadd.s32 @!p1 $0xFFFFFFFE, s14  }
0x1c: {  	s13 =	sshll.u32 @!p1 s13, $0x5;
	s14 =	ssub.s32 @!p1 $0x3, s14;
	p3 =	sgt.s32 @!p1 s15, $0x0  }
0x1d: {  	s13 =	ssub.s32 @!p1 $0x1000, s13;
	p2 =	por !p2, p1;
	p3 =	por !p3, p1  }
0x1e: {  	s13 =	simm.s32 @!p2 $0x0;
	s14 =	simm.s32 @!p3 $0x0  }
0x1f: {  	s15 =	sxor.u32 @!p1 $0xFFFFFFFF, s7;
	s13 =	smul.u32 @!p1 s14, s13  }
0x20: {  	s14 =	sshll.u32 @!p1 s15, $0xC;
	s15 =	smul.u32 @!p1 $0x600, s9  }
0x21: {  	s17 =	simm.s32 @!p1 $0x3000  }
0x22: {  	s16 =	sshll.u32 @!p1 s8, $0x9;
	s14 =	sand.u32 @!p1 $0x1000, s14;
	s15 =	sadd.s32 @!p1 s15, s5  }
0x23: {  	s13 =	sand.u32 @!p1 $0x3FFFFFE0, s13;
	s15 =	sadd.s32 @!p1 s16, s15;
	s16 =	simm.s32 @!p1 $0x20  }
0x24: {  	[tilespmem:s14], [sflag:$0x1] =	stream.strided.gather @!p1 [hbm4b:s15+s16], s13, s17, s16, $0x38;
	[tilespmem:$0x4040] =	vst v63  }
0x25: {  	p1 =	seq.s32 s7, $0x0  }
0x26: {  	p2 =	seq.s32 @!p1 s7, $0xEE  }
0x27: {  	p1 =	por p1, p2  }
.Ltmp2:
0x28: {  	_ = 	snop;
	(pc) =	sbr.rel @p1 .LBB1_5-.Ltmp2, $1  }
0x29: {  	_ =	sdelay $0x3  }
0x2a: {  	p1 =	sgt.s32 s12, $0x2690;
	s13 =	smov.u32 s12  }
0x2b: {  	s14 =	sshra.s32 s12, $0x1F;
	s15 =	smov.u32 s11;
	s16 =	sshra.s32 s11, $0x1F  }
0x2c: {  	s13 =	simm.s32 @!p1 $0x2690;
	s14 =	sand.u32 s14, s12;
	p1 =	sgt.s32 s11, $0x2  }
0x2d: {  	s27 =	sand.u32 s16, s11;
	s13 =	ssub.s32 s13, s14;
	s15 =	simm.s32 @!p1 $0x2  }
0x2e: {  	s13 =	sadd.s32 $0xFFFFD970, s13;
	s14 =	ssub.s32 s15, s27  }
0x2f: {  	p1 =	sgt.s32 s13, $0x7F;
	s15 =	sadd.s32 $0xFFFFFFFE, s14;
	s13 =	sshll.u32 s13, $0x5  }
0x30: {  	s14 =	ssub.s32 $0x3, s14;
	p2 =	sgt.s32 s15, $0x0;
	s13 =	ssub.s32 $0x1000, s13  }
0x31: {  	s14 =	simm.s32 @p2 $0x0;
	s13 =	simm.s32 @p1 $0x0  }
0x32: {  	s13 =	smul.u32 s14, s13;
	_ =	sdelay $0x1  }
0x33: {  	s14 =	simm.s32 $0x1;
	s13 =	sand.u32 $0x3FFFFFE0, s13  }
0x34: {  	s14 =	simm.s32 @!p0 $0x0;
	_ =	swait.ge [sflag:s4], s13  }
0x35: {  	s28 =	sshll.u32 s14, $0xC;
	s13 =	ssub.s32 $0x0, s13;
	[sflag:s4] =	ssyncset.done $0x0  }
0x36: {  	s17 =	sor.u32 $0x10, s28;
	[sflag:s4] =	ssyncadd.s32 s13  }
0x37: {  	s29 =	smul.u32 $0x4080, s14;
	v1 =	vld [tilespmem:s17+$0x0]  }
0x38: {  	s30 =	sand.u32 $0x1, s7;
	v0 =	vld [tilespmem:s17+$0xFFFFFFF0]  }
0x39: {  	s14 =	smul.u32 $0x4080, s30;
	s13 =	sshrl.u32 s29, $0x2  }
0x3a: {  	s15 =	sor.u32 $0x2000, s13  }
0x3b: {  	s31 =	sshrl.u32 s14, $0x2;
	s14 =	sadd.s32 $0x0, s15  }
0x3c: {  	s16 =	simm.s32 $0x4;
	s13 =	sor.u32 $0x2000, s31;
	s17 =	sadd.s32 $0x20, s17;
	[tilespmem:s14+$0x810 ss:$0x81] =	vst.msk $0xffff, v1  }
.LBB1_3:
0x3d: {  	v1 =	vld [tilespmem:s17+$0x0];
	p1 =	sne.s32 s16, $0x1FC;
	[tilespmem:s14+$0x0 ss:$0x81] =	vst.msk $0xffff, v0;
	s14 =	smov.u32 s16;
	s16 =	sadd.s32 $0x4, s16  }
.Ltmp3:
0x3e: {  	v0 =	vld [tilespmem:s17+$0xFFFFFFF0];
	(pc) =	sbr.rel @p1 .LBB1_3-.Ltmp3, $4  }
0x3f: {  	_ = 	snop  }
0x40: {  	s14 =	sshra.s32 s14, $0x2  }
0x41: {  	s14 =	sadd.s32 s14, s15  }
0x42: {  	s17 =	sadd.s32 $0x20, s17;
	[tilespmem:s14+$0x810 ss:$0x81] =	vst.msk $0xffff, v1  }
0x43: {  	s15 =	sshll.u32 s12, $0x3  }
0x44: {  	s30 =	sand.u32 $0x7F, s12;
	s15 =	sand.u32 $0xFFFFFC00, s15  }
0x45: {  	s12 =	sor.u32 s30, s15;
	s15 =	smulhi.u32 $0xCF6474A9, s15  }
0x46: {  	s16 =	smulhi.u32 $0xCF6474A9, s12  }
0x47: {  	s11 =	smul.u32 $0x13C000, s11  }
0x48: {  	s10 =	smul.u32 $0x9E00, s10;
	s15 =	sshrl.u32 s15, $0xD;
	s16 =	sshrl.u32 s16, $0xD  }
0x49: {  	s15 =	sand.u32 $0x1F, s15;
	s16 =	smul.u32 $0x2780, s16  }
0x4a: {  	s15 =	smul.u32 $0x4F0, s15  }
.Ltmp4:
0x4b: {  	s11 =	sadd.s32 s2, s11;
	s12 =	ssub.s32 s12, s16;
	(pc) =	sbr.rel .LBB1_5-.Ltmp4, $4  }
0x4c: {  	s10 =	sadd.s32 s10, s11;
	s31 =	sand.u32 $0x7, s12  }
0x4d: {  	s10 =	sadd.s32 s15, s10;
	s12 =	sshrl.u32 s12, $0x3;
	s11 =	sshll.u32 s31, $0x12  }
0x4e: {  	[tilespmem:s14+$0x0 ss:$0x81] =	vst.msk $0xffff, v0;
	s10 =	sadd.s32 s12, s10;
	s11 =	sor.u32 $0x400, s11  }
0x4f: {  	[hbm4b:s10+s11] =	stream.strided.scatter [tilespmem:s13], [sflag:$0x2], $0x1000, s6, s11, $0x20;
	[tilespmem:$0x4040] =	vst v63  }
.LBB1_6:
0x50: {  	_ =	sfence.sel $0x180000  }
0x51: {  	s2 =	simm.s32 $0x1;
	[bflag:$0x0] =	sbarrier.arrive $0xFFFF  }
0x52: {  	s31 =	simm.s32 $0x2;
	[sflag:s2] =	ssyncpa.u1 $0x1  }
0x53: {  	[sflag:s31] =	ssyncpa.u1 $0x1  }
0x54: {  	p0 =	sne.s32 s1, $0x0;
	_ =	strace $0x9000004A  }
0x55: {  	s0 =	sadd.s32 @!p0 $0x100000, s0;
	[bflag:$0x2] =	sbarrier.arrive $0xFFFF  }
0x56: {  	[sflag:s0] =	ssyncadd.tile.s32 @!p0 $0x1;
	_ =	shalt  }
.Lfunc_end1:
_tile_overlayer_lowered:
.L_overlay_start_2:
0x57: {  	(tag) =	ssettag $0x2  }
0x58: {  	s0 =	rddreg [dreg:$0x0];
	s2 =	stileid.u32  }
0x59: {  	s1 =	rddreg [dreg:$0x1];
	p0 =	sne.s32 s2, $0x0  }
0x5a: {  	s3 =	rddreg [dreg:$0x2];
	[bflag:$0x3] =	sbarrier.arrive $0xFFFF;
	s2 =	simm.s32 @!p0 $0x1C01  }
0x5b: {  	[timem:s3], [sflag:s2] =	dma.local @!p0 [hbm:s0], s1  }
0x5c: {  	s0 =	simm.s32 @!p0 $0x1  }
0x5d: {  	_ =	swait.ge @!p0 [sflag:s0], s1  }
0x5e: {  	s1 =	ssub.s32 @!p0 $0x0, s1;
	[sflag:s0] =	ssyncset.done @!p0 $0x0  }
0x5f: {  	[sflag:s0] =	ssyncadd.s32 @!p0 s1  }
0x60: {  	[bflag:$0x3] =	sbarrier.arrive $0xFFFF  }
0x61: {  	_ =	shalt  }

</sc_bundles>
